<compile_context>
chip_gen: v7x
topology: tpu7x:2x2x1
jax: 0.10.2.dev20260603
libtpu: 0.0.44.dev20260713+nightly
codegen_flags: <defaults>
</compile_context>

<pallas_src>
import functools

import jax
import jax.numpy as jnp
from jax import lax
from jax.experimental import pallas as pl
from jax.experimental.pallas import tpu as pltpu
from jax.experimental.pallas import tpu_sc as plsc

NC = 2
NS = 16
NW = NC * NS

N = 10000
E = 320000
D = 128
AUG = D + 16
CA = 125
NBA = E // NW // CA
NZ = N // NS
EW = E // NW
CR = 80
NBC = EW // CR

_MESH = plsc.VectorSubcoreMesh(core_axis_name="c", subcore_axis_name="s")
_SC_PARAMS = pltpu.CompilerParams(use_tc_tiling_on_sc=False)
_SC_PARAMS_TILED = pltpu.CompilerParams(use_tc_tiling_on_sc=True)


def _phase_a_body(xaug_hbm, src_hbm, dst_hbm, zeros_hbm, part_hbm,
                  src_r, dst_r, buf, acc, gsem, ssem, isem):
  c = lax.axis_index("c")
  s = lax.axis_index("s")
  wid = s * NC + c

  pltpu.sync_copy(zeros_hbm, buf.at[0])
  for k in range(NZ // CA):
    pltpu.sync_copy(buf.at[0], acc.at[pl.ds(s * NZ + k * CA, CA)])

  def idx_load(blk, start):
    sl = lax.rem(blk, 4)
    f = pltpu.async_copy if start else pltpu.make_async_copy
    ds_ = f(src_hbm.at[wid * NBA + blk], src_r.at[sl], isem.at[sl])
    dd_ = f(dst_hbm.at[wid * NBA + blk], dst_r.at[sl], isem.at[sl])
    if not start:
      ds_.wait()
      dd_.wait()

  def gather(blk, p, start):
    f = pltpu.async_copy if start else pltpu.make_async_copy
    d = f(xaug_hbm.at[src_r.at[lax.rem(blk, 4)]], buf.at[p], gsem.at[p])
    if not start:
      d.wait()

  def scat(blk, p, start):
    if start:
      pltpu.async_copy(buf.at[p], acc.at[dst_r.at[lax.rem(blk, 4)]],
                       ssem.at[p], add=True)
    else:
      pltpu.make_async_copy(buf.at[p], acc.at[dst_r.at[lax.rem(blk, 4)]],
                            ssem.at[p]).wait()

  idx_load(0, start=True)
  idx_load(0, start=False)
  idx_load(1, start=True)
  plsc.subcore_barrier()
  gather(0, 0, start=True)

  @pl.loop(0, NBA)
  def _(blk):
    p = lax.rem(blk, 2)
    q = 1 - p

    @pl.when(blk + 1 < NBA)
    def _():
      @pl.when(blk >= 1)
      def _():
        scat(blk - 1, q, start=False)
      idx_load(blk + 1, start=False)

      @pl.when(blk + 2 < NBA)
      def _():
        idx_load(blk + 2, start=True)
      gather(blk + 1, q, start=True)

    gather(blk, p, start=False)
    scat(blk, p, start=True)

  scat(NBA - 2, (NBA - 2) % 2, start=False)
  scat(NBA - 1, (NBA - 1) % 2, start=False)
  plsc.subcore_barrier()

  for k in range(NZ // CA):
    pltpu.sync_copy(acc.at[pl.ds(s * NZ + k * CA, CA)], buf.at[k % 2])
    pltpu.sync_copy(buf.at[k % 2], part_hbm.at[c, pl.ds(s * NZ + k * CA, CA)])


_phase_a = pl.kernel(
    _phase_a_body,
    out_type=jax.ShapeDtypeStruct((NC, N, AUG), jnp.float32),
    mesh=_MESH,
    scratch_types=[
        pltpu.VMEM((4, CA), jnp.int32),
        pltpu.VMEM((4, CA), jnp.int32),
        pltpu.VMEM((2, CA, AUG), jnp.float32),
        pltpu.VMEM_SHARED((N, AUG), jnp.float32),
        pltpu.SemaphoreType.DMA((2,)),
        pltpu.SemaphoreType.DMA((2,)),
        pltpu.SemaphoreType.DMA((4,)),
    ],
    compiler_params=_SC_PARAMS,
)


def _phase_b_block(x_ref, p_ref, ws_ref, wn_ref, b_ref, h_ref):
  ssum = p_ref[0] + p_ref[1]
  deg = jnp.maximum(ssum[:, D:D + 1], 1.0)
  agg = ssum[:, :D] / deg
  h = (jnp.dot(x_ref[...], ws_ref[...], preferred_element_type=jnp.float32)
       + jnp.dot(agg, wn_ref[...], preferred_element_type=jnp.float32)
       + b_ref[...])
  h_ref[...] = jnp.maximum(h, 0.0)


_BLK = 2000


def _phase_b(x, part, w_self, w_neigh, b2):
  return pl.pallas_call(
      _phase_b_block,
      grid=(N // _BLK,),
      in_specs=[
          pl.BlockSpec((_BLK, D), lambda i: (i, 0)),
          pl.BlockSpec((NC, _BLK, AUG), lambda i: (0, i, 0)),
          pl.BlockSpec((D, D), lambda i: (0, 0)),
          pl.BlockSpec((D, D), lambda i: (0, 0)),
          pl.BlockSpec((1, D), lambda i: (0, 0)),
      ],
      out_specs=pl.BlockSpec((_BLK, D), lambda i: (i, 0)),
      out_shape=jax.ShapeDtypeStruct((N, D), jnp.float32),
  )(x, part, w_self, w_neigh, b2)


def _phase_c_body(h_hbm, si_hbm, di_hbm, out_hbm,
                  si_v, di_v, bufs, bufd, gss, gsd, wss, wsd):
  c = lax.axis_index("c")
  s = lax.axis_index("s")
  wid = s * NC + c
  base = wid * EW
  pltpu.sync_copy(si_hbm.at[pl.ds(base, EW)], si_v)
  pltpu.sync_copy(di_hbm.at[pl.ds(base, EW)], di_v)

  def gather(blk, start):
    p = lax.rem(blk, 5)
    rows = pl.ds(blk * CR, CR)
    f = pltpu.async_copy if start else pltpu.make_async_copy
    ds_ = f(h_hbm.at[si_v.at[rows]], bufs.at[p], gss.at[p])
    dd_ = f(h_hbm.at[di_v.at[rows]], bufd.at[p], gsd.at[p])
    if not start:
      ds_.wait()
      dd_.wait()

  def write(blk, start):
    p = lax.rem(blk, 5)
    rows = pl.ds(base + blk * CR, CR)
    f = pltpu.async_copy if start else pltpu.make_async_copy
    ds_ = f(bufs.at[p], out_hbm.at[rows, pl.ds(0, D)], wss.at[p])
    dd_ = f(bufd.at[p], out_hbm.at[rows, pl.ds(D, D)], wsd.at[p])
    if not start:
      ds_.wait()
      dd_.wait()

  gather(0, start=True)
  gather(1, start=True)

  @pl.loop(0, NBC)
  def _(blk):
    @pl.when(blk + 2 < NBC)
    def _():
      @pl.when(blk >= 3)
      def _():
        write(blk - 3, start=False)
      gather(blk + 2, start=True)

    gather(blk, start=False)
    write(blk, start=True)

  write(NBC - 5, start=False)
  write(NBC - 4, start=False)
  write(NBC - 3, start=False)
  write(NBC - 2, start=False)
  write(NBC - 1, start=False)


_phase_c = pl.kernel(
    _phase_c_body,
    out_type=jax.ShapeDtypeStruct((E, 2 * D), jnp.float32),
    mesh=_MESH,
    scratch_types=[
        pltpu.VMEM((EW,), jnp.int32),
        pltpu.VMEM((EW,), jnp.int32),
        pltpu.VMEM((5, CR, D), jnp.float32),
        pltpu.VMEM((5, CR, D), jnp.float32),
        pltpu.SemaphoreType.DMA((5,)),
        pltpu.SemaphoreType.DMA((5,)),
        pltpu.SemaphoreType.DMA((5,)),
        pltpu.SemaphoreType.DMA((5,)),
    ],
    compiler_params=_SC_PARAMS_TILED,
)


def kernel(x, edge_index, W_self, W_neigh, b):
  x = x.astype(jnp.float32)
  ei = edge_index.astype(jnp.int32)
  xaug = jnp.concatenate([x, jnp.ones((N, AUG - D), jnp.float32)], axis=1)
  zeros = jnp.zeros((CA, AUG), jnp.float32)
  src2 = ei[0].reshape(NW * NBA, CA)
  dst2 = ei[1].reshape(NW * NBA, CA)
  part = _phase_a(xaug, src2, dst2, zeros)
  h = _phase_b(x, part, W_self, W_neigh, b.reshape(1, D))
  return _phase_c(h, ei[0], ei[1])

# --- scband reference (transcript-rebuilt; emitter-appended) ---
"""Pipeline reference for scband-encoder-42314017800852 (READ-ONLY COPY).

The authoritative reference and input builder live on the scoring server;
editing this copy changes nothing except your own understanding.
"""

import jax, jax.numpy as jnp
import numpy as np

N_NODES = 10000
N_EDGES = 320000
D = 128

def setup_inputs(seed: int = 0) -> dict:
    key = jax.random.key(seed)
    k1, k2, k3, k4 = jax.random.split(key, 4)
    x = jax.random.normal(k1, (N_NODES, D), dtype=jnp.float32)
    edge_index = jax.random.randint(k2, (2, N_EDGES), 0, N_NODES, dtype=jnp.int64)
    W_self = jax.random.normal(k3, (D, D), dtype=jnp.float32) * (1.0 / np.sqrt(D))
    W_neigh = jax.random.normal(k4, (D, D), dtype=jnp.float32) * (1.0 / np.sqrt(D))
    b = jnp.zeros((D,), dtype=jnp.float32)
    return {"x": x, "edge_index": edge_index, "W_self": W_self, "W_neigh": W_neigh, "b": b}

def reference(x, edge_index, W_self, W_neigh, b):
    # GNN on homogeneous graph (SAGE-style mean aggregation), then
    # singles_to_triples: per-edge concat of (src_embedding, dst_embedding).
    src = edge_index[0]
    dst = edge_index[1]
    msgs = jnp.take(x, src, axis=0)                                  # gather [E, D]
    agg = jax.ops.segment_sum(msgs, dst, num_segments=x.shape[0])    # scatter-add [N, D]
    deg = jax.ops.segment_sum(jnp.ones((edge_index.shape[1],), x.dtype), dst, num_segments=x.shape[0])
    agg = agg / jnp.maximum(deg, 1.0)[:, None]
    h = jax.nn.relu(x @ W_self + agg @ W_neigh + b)                  # node embeddings [N, D]
    triples = jnp.concatenate([jnp.take(h, src, axis=0), jnp.take(h, dst, axis=0)], axis=-1)  # [E, 2D]
    return triples

if __name__ == "__main__":
    import jax
    _d = setup_inputs()
    print(jax.jit(kernel)(*tuple(_d.values())))

</pallas_src>

<mosaic_0001>
#map = affine_map<(d0, d1) -> (0, 0)>
#map1 = affine_map<(d0, d1) -> (0)>
module attributes {stable_mosaic.version = 14 : i64} {
  func.func @_phase_c_body(%arg0: i32, %arg1: i32, %arg2: memref<10000x128xf32, #tpu.memory_space<hbm>>, %arg3: memref<320000xi32, #tpu.memory_space<hbm>>, %arg4: memref<320000xi32, #tpu.memory_space<hbm>>, %arg5: memref<320000x256xf32, #tpu.memory_space<hbm>>, %arg6: memref<10000xi32, #tpu.memory_space<vmem>>, %arg7: memref<10000xi32, #tpu.memory_space<vmem>>, %arg8: memref<5x80x128xf32, #tpu.memory_space<vmem>>, %arg9: memref<5x80x128xf32, #tpu.memory_space<vmem>>, %arg10: memref<5x!tpu.dma_semaphore, #tpu.memory_space<semaphore_mem>>, %arg11: memref<5x!tpu.dma_semaphore, #tpu.memory_space<semaphore_mem>>, %arg12: memref<5x!tpu.dma_semaphore, #tpu.memory_space<semaphore_mem>>, %arg13: memref<5x!tpu.dma_semaphore, #tpu.memory_space<semaphore_mem>>) attributes {dimension_semantics = [#tpu.dimension_semantics<core_parallel>, #tpu.dimension_semantics<subcore_parallel>], iteration_bounds = array<i64: 2, 16>, scalar_prefetch = 0 : i64, scratch_operands = 8 : i64, tpu.core_type = #tpu.core_type<sc_vector_subcore>, window_params = [{transform_indices = #map}, {transform_indices = #map1}, {transform_indices = #map1}, {transform_indices = #map}]} {
    %mul3A = arith.constant 2 : i32
    %mul3A_0 = arith.muli %arg1, %mul3A : i32
    %add3A = arith.addi %mul3A_0, %arg0 : i32
    %mul3A_1 = arith.constant 10000 : i32
    %mul3A_2 = arith.muli %add3A, %mul3A_1 : i32
    "tpu.region"() ({
      %run_scoped3A = tpu.sem_alloc : memref<!tpu.dma_semaphore, #tpu.memory_space<semaphore_mem>>
      %dma_start3A_219 = tpu.memref_slice %arg3[%mul3A_2] : memref<320000xi32, #tpu.memory_space<hbm>> -> memref<10000xi32, #tpu.memory_space<hbm>>
      %dma_start3A_220 = tpu.memref_slice %arg3[%mul3A_2] : memref<320000xi32, #tpu.memory_space<hbm>> -> memref<10000xi32, #tpu.memory_space<hbm>>
      tpu.enqueue_dma source(%dma_start3A_220 : memref<10000xi32, #tpu.memory_space<hbm>>) target(%arg6 : memref<10000xi32, #tpu.memory_space<vmem>>) target_semaphore(%run_scoped3A : memref<!tpu.dma_semaphore, #tpu.memory_space<semaphore_mem>>)
      %dma_wait3A_221 = tpu.memref_slice %arg3[%mul3A_2] : memref<320000xi32, #tpu.memory_space<hbm>> -> memref<10000xi32, #tpu.memory_space<hbm>>
      %dma_wait3A_222 = tpu.memref_slice %arg3[%mul3A_2] : memref<320000xi32, #tpu.memory_space<hbm>> -> memref<10000xi32, #tpu.memory_space<hbm>>
      tpu.wait_dma2 semaphore(%run_scoped3A : memref<!tpu.dma_semaphore, #tpu.memory_space<semaphore_mem>>) src(%dma_wait3A_222 : memref<10000xi32, #tpu.memory_space<hbm>>) dst(%arg6 : memref<10000xi32, #tpu.memory_space<vmem>>)
      tpu.yield
    }) : () -> ()
    "tpu.region"() ({
      %run_scoped3A = tpu.sem_alloc : memref<!tpu.dma_semaphore, #tpu.memory_space<semaphore_mem>>
      %dma_start3A_219 = tpu.memref_slice %arg4[%mul3A_2] : memref<320000xi32, #tpu.memory_space<hbm>> -> memref<10000xi32, #tpu.memory_space<hbm>>
      %dma_start3A_220 = tpu.memref_slice %arg4[%mul3A_2] : memref<320000xi32, #tpu.memory_space<hbm>> -> memref<10000xi32, #tpu.memory_space<hbm>>
      tpu.enqueue_dma source(%dma_start3A_220 : memref<10000xi32, #tpu.memory_space<hbm>>) target(%arg7 : memref<10000xi32, #tpu.memory_space<vmem>>) target_semaphore(%run_scoped3A : memref<!tpu.dma_semaphore, #tpu.memory_space<semaphore_mem>>)
      %dma_wait3A_221 = tpu.memref_slice %arg4[%mul3A_2] : memref<320000xi32, #tpu.memory_space<hbm>> -> memref<10000xi32, #tpu.memory_space<hbm>>
      %dma_wait3A_222 = tpu.memref_slice %arg4[%mul3A_2] : memref<320000xi32, #tpu.memory_space<hbm>> -> memref<10000xi32, #tpu.memory_space<hbm>>
      tpu.wait_dma2 semaphore(%run_scoped3A : memref<!tpu.dma_semaphore, #tpu.memory_space<semaphore_mem>>) src(%dma_wait3A_222 : memref<10000xi32, #tpu.memory_space<hbm>>) dst(%arg7 : memref<10000xi32, #tpu.memory_space<vmem>>)
      tpu.yield
    }) : () -> ()
    %rem3A = arith.constant 0 : i32
    %rem3A_3 = arith.constant 5 : i32
    %rem3A_4 = arith.remsi %rem3A, %rem3A_3 : i32
    %dma_start3A = arith.constant 0 : i32
    %dma_start3A_5 = arith.constant 0 : i32
    %dma_start3A_6 = tpu.memref_slice %arg8[%rem3A_4, %dma_start3A, %dma_start3A_5] : memref<5x80x128xf32, #tpu.memory_space<vmem>> -> memref<1x80x128xf32, #tpu.memory_space<vmem>>
    %dma_start3A_7 = tpu.memref_squeeze %dma_start3A_6 : memref<1x80x128xf32, #tpu.memory_space<vmem>> -> memref<80x128xf32, #tpu.memory_space<vmem>>
    %dma_start3A_8 = arith.constant 0 : i32
    %dma_start3A_9 = tpu.memref_slice %arg6[%dma_start3A_8] : memref<10000xi32, #tpu.memory_space<vmem>> -> memref<80xi32, #tpu.memory_space<vmem>>
    %dma_start3A_10 = arith.constant 0 : i32
    %dma_start3A_11 = arith.constant 0 : i32
    %dma_start3A_12 = tpu.memref_slice %arg2[%dma_start3A_10, %dma_start3A_11] : memref<10000x128xf32, #tpu.memory_space<hbm>> -> memref<10000x128xf32, #tpu.memory_space<hbm>>
    %dma_start3A_13 = tpu.memref_slice %arg10[%rem3A_4] : memref<5x!tpu.dma_semaphore, #tpu.memory_space<semaphore_mem>> -> memref<1x!tpu.dma_semaphore, #tpu.memory_space<semaphore_mem>>
    %dma_start3A_14 = tpu.memref_squeeze %dma_start3A_13 : memref<1x!tpu.dma_semaphore, #tpu.memory_space<semaphore_mem>> -> memref<!tpu.dma_semaphore, #tpu.memory_space<semaphore_mem>>
    tpu.enqueue_indirect_dma source(%dma_start3A_12 : memref<10000x128xf32, #tpu.memory_space<hbm>>) target(%dma_start3A_7 : memref<80x128xf32, #tpu.memory_space<vmem>>) offsets(%dma_start3A_9 : memref<80xi32, #tpu.memory_space<vmem>>) semaphore(%dma_start3A_14 : memref<!tpu.dma_semaphore, #tpu.memory_space<semaphore_mem>>)
    %dma_start3A_15 = arith.constant 0 : i32
    %dma_start3A_16 = arith.constant 0 : i32
    %dma_start3A_17 = tpu.memref_slice %arg9[%rem3A_4, %dma_start3A_15, %dma_start3A_16] : memref<5x80x128xf32, #tpu.memory_space<vmem>> -> memref<1x80x128xf32, #tpu.memory_space<vmem>>
    %dma_start3A_18 = tpu.memref_squeeze %dma_start3A_17 : memref<1x80x128xf32, #tpu.memory_space<vmem>> -> memref<80x128xf32, #tpu.memory_space<vmem>>
    %dma_start3A_19 = arith.constant 0 : i32
    %dma_start3A_20 = tpu.memref_slice %arg7[%dma_start3A_19] : memref<10000xi32, #tpu.memory_space<vmem>> -> memref<80xi32, #tpu.memory_space<vmem>>
    %dma_start3A_21 = arith.constant 0 : i32
    %dma_start3A_22 = arith.constant 0 : i32
    %dma_start3A_23 = tpu.memref_slice %arg2[%dma_start3A_21, %dma_start3A_22] : memref<10000x128xf32, #tpu.memory_space<hbm>> -> memref<10000x128xf32, #tpu.memory_space<hbm>>
    %dma_start3A_24 = tpu.memref_slice %arg11[%rem3A_4] : memref<5x!tpu.dma_semaphore, #tpu.memory_space<semaphore_mem>> -> memref<1x!tpu.dma_semaphore, #tpu.memory_space<semaphore_mem>>
    %dma_start3A_25 = tpu.memref_squeeze %dma_start3A_24 : memref<1x!tpu.dma_semaphore, #tpu.memory_space<semaphore_mem>> -> memref<!tpu.dma_semaphore, #tpu.memory_space<semaphore_mem>>
    tpu.enqueue_indirect_dma source(%dma_start3A_23 : memref<10000x128xf32, #tpu.memory_space<hbm>>) target(%dma_start3A_18 : memref<80x128xf32, #tpu.memory_space<vmem>>) offsets(%dma_start3A_20 : memref<80xi32, #tpu.memory_space<vmem>>) semaphore(%dma_start3A_25 : memref<!tpu.dma_semaphore, #tpu.memory_space<semaphore_mem>>)
    %rem3A_26 = arith.constant 1 : i32
    %rem3A_27 = arith.constant 5 : i32
    %rem3A_28 = arith.remsi %rem3A_26, %rem3A_27 : i32
    %dma_start3A_29 = arith.constant 0 : i32
    %dma_start3A_30 = arith.constant 0 : i32
    %dma_start3A_31 = tpu.memref_slice %arg8[%rem3A_28, %dma_start3A_29, %dma_start3A_30] : memref<5x80x128xf32, #tpu.memory_space<vmem>> -> memref<1x80x128xf32, #tpu.memory_space<vmem>>
    %dma_start3A_32 = tpu.memref_squeeze %dma_start3A_31 : memref<1x80x128xf32, #tpu.memory_space<vmem>> -> memref<80x128xf32, #tpu.memory_space<vmem>>
    %dma_start3A_33 = arith.constant 80 : i32
    %dma_start3A_34 = tpu.memref_slice %arg6[%dma_start3A_33] : memref<10000xi32, #tpu.memory_space<vmem>> -> memref<80xi32, #tpu.memory_space<vmem>>
    %dma_start3A_35 = arith.constant 0 : i32
    %dma_start3A_36 = arith.constant 0 : i32
    %dma_start3A_37 = tpu.memref_slice %arg2[%dma_start3A_35, %dma_start3A_36] : memref<10000x128xf32, #tpu.memory_space<hbm>> -> memref<10000x128xf32, #tpu.memory_space<hbm>>
    %dma_start3A_38 = tpu.memref_slice %arg10[%rem3A_28] : memref<5x!tpu.dma_semaphore, #tpu.memory_space<semaphore_mem>> -> memref<1x!tpu.dma_semaphore, #tpu.memory_space<semaphore_mem>>
    %dma_start3A_39 = tpu.memref_squeeze %dma_start3A_38 : memref<1x!tpu.dma_semaphore, #tpu.memory_space<semaphore_mem>> -> memref<!tpu.dma_semaphore, #tpu.memory_space<semaphore_mem>>
    tpu.enqueue_indirect_dma source(%dma_start3A_37 : memref<10000x128xf32, #tpu.memory_space<hbm>>) target(%dma_start3A_32 : memref<80x128xf32, #tpu.memory_space<vmem>>) offsets(%dma_start3A_34 : memref<80xi32, #tpu.memory_space<vmem>>) semaphore(%dma_start3A_39 : memref<!tpu.dma_semaphore, #tpu.memory_space<semaphore_mem>>)
    %dma_start3A_40 = arith.constant 0 : i32
    %dma_start3A_41 = arith.constant 0 : i32
    %dma_start3A_42 = tpu.memref_slice %arg9[%rem3A_28, %dma_start3A_40, %dma_start3A_41] : memref<5x80x128xf32, #tpu.memory_space<vmem>> -> memref<1x80x128xf32, #tpu.memory_space<vmem>>
    %dma_start3A_43 = tpu.memref_squeeze %dma_start3A_42 : memref<1x80x128xf32, #tpu.memory_space<vmem>> -> memref<80x128xf32, #tpu.memory_space<vmem>>
    %dma_start3A_44 = arith.constant 80 : i32
    %dma_start3A_45 = tpu.memref_slice %arg7[%dma_start3A_44] : memref<10000xi32, #tpu.memory_space<vmem>> -> memref<80xi32, #tpu.memory_space<vmem>>
    %dma_start3A_46 = arith.constant 0 : i32
    %dma_start3A_47 = arith.constant 0 : i32
    %dma_start3A_48 = tpu.memref_slice %arg2[%dma_start3A_46, %dma_start3A_47] : memref<10000x128xf32, #tpu.memory_space<hbm>> -> memref<10000x128xf32, #tpu.memory_space<hbm>>
    %dma_start3A_49 = tpu.memref_slice %arg11[%rem3A_28] : memref<5x!tpu.dma_semaphore, #tpu.memory_space<semaphore_mem>> -> memref<1x!tpu.dma_semaphore, #tpu.memory_space<semaphore_mem>>
    %dma_start3A_50 = tpu.memref_squeeze %dma_start3A_49 : memref<1x!tpu.dma_semaphore, #tpu.memory_space<semaphore_mem>> -> memref<!tpu.dma_semaphore, #tpu.memory_space<semaphore_mem>>
    tpu.enqueue_indirect_dma source(%dma_start3A_48 : memref<10000x128xf32, #tpu.memory_space<hbm>>) target(%dma_start3A_43 : memref<80x128xf32, #tpu.memory_space<vmem>>) offsets(%dma_start3A_45 : memref<80xi32, #tpu.memory_space<vmem>>) semaphore(%dma_start3A_50 : memref<!tpu.dma_semaphore, #tpu.memory_space<semaphore_mem>>)
    %scan3A = arith.constant 0 : i32
    %scan3A_51 = arith.constant 125 : i32
    %scan3A_52 = arith.addi %scan3A, %scan3A_51 : i32
    %scan3A_53 = arith.constant 1 : i32
    scf.for %scan3A_219 = %scan3A to %scan3A_52 step %scan3A_53  : i32 {
      %mul3A_220 = arith.constant 1 : i32
      %mul3A_221 = arith.muli %scan3A_219, %mul3A_220 : i32
      %add3A_222 = arith.constant 0 : i32
      %add3A_223 = arith.addi %add3A_222, %mul3A_221 : i32
      %add3A_224 = arith.constant 2 : i32
      %add3A_225 = arith.addi %add3A_223, %add3A_224 : i32
      %lt3A = arith.constant 125 : i32
      %lt3A_226 = arith.cmpi slt, %add3A_225, %lt3A : i32
      %convert_element_type3A = arith.extui %lt3A_226 : i1 to i32
      %cond3A = arith.constant 0 : i32
      %cond3A_227 = arith.cmpi ne, %convert_element_type3A, %cond3A : i32
      scf.if %cond3A_227 {
        %ge3A = arith.constant 3 : i32
        %ge3A_285 = arith.cmpi sge, %add3A_223, %ge3A : i32
        %convert_element_type3A_286 = arith.extui %ge3A_285 : i1 to i32
        %cond3A_287 = arith.constant 0 : i32
        %cond3A_288 = arith.cmpi ne, %convert_element_type3A_286, %cond3A_287 : i32
        scf.if %cond3A_288 {
          %sub3A = arith.constant 3 : i32
          %sub3A_315 = arith.subi %add3A_223, %sub3A : i32
          %rem3A_316 = arith.constant 5 : i32
          %rem3A_317 = arith.remsi %sub3A_315, %rem3A_316 : i32
          %mul3A_318 = arith.constant 80 : i32
          %mul3A_319 = arith.muli %sub3A_315, %mul3A_318 : i32
          %add3A_320 = arith.addi %mul3A_2, %mul3A_319 : i32
          %dma_wait3A_321 = arith.constant 0 : i32
          %dma_wait3A_322 = arith.constant 0 : i32
          %dma_wait3A_323 = tpu.memref_slice %arg8[%rem3A_317, %dma_wait3A_321, %dma_wait3A_322] : memref<5x80x128xf32, #tpu.memory_space<vmem>> -> memref<1x80x128xf32, #tpu.memory_space<vmem>>
          %dma_wait3A_324 = tpu.memref_squeeze %dma_wait3A_323 : memref<1x80x128xf32, #tpu.memory_space<vmem>> -> memref<80x128xf32, #tpu.memory_space<vmem>>
          %dma_wait3A_325 = arith.constant 0 : i32
          %dma_wait3A_326 = tpu.memref_slice %arg5[%add3A_320, %dma_wait3A_325] : memref<320000x256xf32, #tpu.memory_space<hbm>> -> memref<80x128xf32, #tpu.memory_space<hbm>>
          %dma_wait3A_327 = tpu.memref_slice %arg12[%rem3A_317] : memref<5x!tpu.dma_semaphore, #tpu.memory_space<semaphore_mem>> -> memref<1x!tpu.dma_semaphore, #tpu.memory_space<semaphore_mem>>
          %dma_wait3A_328 = tpu.memref_squeeze %dma_wait3A_327 : memref<1x!tpu.dma_semaphore, #tpu.memory_space<semaphore_mem>> -> memref<!tpu.dma_semaphore, #tpu.memory_space<semaphore_mem>>
          %dma_wait3A_329 = arith.constant 0 : i32
          %dma_wait3A_330 = tpu.memref_slice %arg5[%add3A_320, %dma_wait3A_329] : memref<320000x256xf32, #tpu.memory_space<hbm>> -> memref<80x128xf32, #tpu.memory_space<hbm>>
          %dma_wait3A_331 = arith.constant 0 : i32
          %dma_wait3A_332 = arith.constant 0 : i32
          %dma_wait3A_333 = tpu.memref_slice %arg8[%rem3A_317, %dma_wait3A_331, %dma_wait3A_332] : memref<5x80x128xf32, #tpu.memory_space<vmem>> -> memref<1x80x128xf32, #tpu.memory_space<vmem>>
          %dma_wait3A_334 = tpu.memref_squeeze %dma_wait3A_333 : memref<1x80x128xf32, #tpu.memory_space<vmem>> -> memref<80x128xf32, #tpu.memory_space<vmem>>
          tpu.wait_dma2 semaphore(%dma_wait3A_328 : memref<!tpu.dma_semaphore, #tpu.memory_space<semaphore_mem>>) src(%dma_wait3A_334 : memref<80x128xf32, #tpu.memory_space<vmem>>) dst(%dma_wait3A_330 : memref<80x128xf32, #tpu.memory_space<hbm>>)
          %dma_wait3A_335 = arith.constant 0 : i32
          %dma_wait3A_336 = arith.constant 0 : i32
          %dma_wait3A_337 = tpu.memref_slice %arg9[%rem3A_317, %dma_wait3A_335, %dma_wait3A_336] : memref<5x80x128xf32, #tpu.memory_space<vmem>> -> memref<1x80x128xf32, #tpu.memory_space<vmem>>
          %dma_wait3A_338 = tpu.memref_squeeze %dma_wait3A_337 : memref<1x80x128xf32, #tpu.memory_space<vmem>> -> memref<80x128xf32, #tpu.memory_space<vmem>>
          %dma_wait3A_339 = arith.constant 128 : i32
          %dma_wait3A_340 = tpu.memref_slice %arg5[%add3A_320, %dma_wait3A_339] : memref<320000x256xf32, #tpu.memory_space<hbm>> -> memref<80x128xf32, #tpu.memory_space<hbm>>
          %dma_wait3A_341 = tpu.memref_slice %arg13[%rem3A_317] : memref<5x!tpu.dma_semaphore, #tpu.memory_space<semaphore_mem>> -> memref<1x!tpu.dma_semaphore, #tpu.memory_space<semaphore_mem>>
          %dma_wait3A_342 = tpu.memref_squeeze %dma_wait3A_341 : memref<1x!tpu.dma_semaphore, #tpu.memory_space<semaphore_mem>> -> memref<!tpu.dma_semaphore, #tpu.memory_space<semaphore_mem>>
          %dma_wait3A_343 = arith.constant 128 : i32
          %dma_wait3A_344 = tpu.memref_slice %arg5[%add3A_320, %dma_wait3A_343] : memref<320000x256xf32, #tpu.memory_space<hbm>> -> memref<80x128xf32, #tpu.memory_space<hbm>>
          %dma_wait3A_345 = arith.constant 0 : i32
          %dma_wait3A_346 = arith.constant 0 : i32
          %dma_wait3A_347 = tpu.memref_slice %arg9[%rem3A_317, %dma_wait3A_345, %dma_wait3A_346] : memref<5x80x128xf32, #tpu.memory_space<vmem>> -> memref<1x80x128xf32, #tpu.memory_space<vmem>>
          %dma_wait3A_348 = tpu.memref_squeeze %dma_wait3A_347 : memref<1x80x128xf32, #tpu.memory_space<vmem>> -> memref<80x128xf32, #tpu.memory_space<vmem>>
          tpu.wait_dma2 semaphore(%dma_wait3A_342 : memref<!tpu.dma_semaphore, #tpu.memory_space<semaphore_mem>>) src(%dma_wait3A_348 : memref<80x128xf32, #tpu.memory_space<vmem>>) dst(%dma_wait3A_344 : memref<80x128xf32, #tpu.memory_space<hbm>>)
        } else {
        }
        %add3A_289 = arith.constant 2 : i32
        %add3A_290 = arith.addi %add3A_223, %add3A_289 : i32
        %rem3A_291 = arith.constant 5 : i32
        %rem3A_292 = arith.remsi %add3A_290, %rem3A_291 : i32
        %mul3A_293 = arith.constant 80 : i32
        %mul3A_294 = arith.muli %add3A_290, %mul3A_293 : i32
        %dma_start3A_295 = arith.constant 0 : i32
        %dma_start3A_296 = arith.constant 0 : i32
        %dma_start3A_297 = tpu.memref_slice %arg8[%rem3A_292, %dma_start3A_295, %dma_start3A_296] : memref<5x80x128xf32, #tpu.memory_space<vmem>> -> memref<1x80x128xf32, #tpu.memory_space<vmem>>
        %dma_start3A_298 = tpu.memref_squeeze %dma_start3A_297 : memref<1x80x128xf32, #tpu.memory_space<vmem>> -> memref<80x128xf32, #tpu.memory_space<vmem>>
        %dma_start3A_299 = tpu.memref_slice %arg6[%mul3A_294] : memref<10000xi32, #tpu.memory_space<vmem>> -> memref<80xi32, #tpu.memory_space<vmem>>
        %dma_start3A_300 = arith.constant 0 : i32
        %dma_start3A_301 = arith.constant 0 : i32
        %dma_start3A_302 = tpu.memref_slice %arg2[%dma_start3A_300, %dma_start3A_301] : memref<10000x128xf32, #tpu.memory_space<hbm>> -> memref<10000x128xf32, #tpu.memory_space<hbm>>
        %dma_start3A_303 = tpu.memref_slice %arg10[%rem3A_292] : memref<5x!tpu.dma_semaphore, #tpu.memory_space<semaphore_mem>> -> memref<1x!tpu.dma_semaphore, #tpu.memory_space<semaphore_mem>>
        %dma_start3A_304 = tpu.memref_squeeze %dma_start3A_303 : memref<1x!tpu.dma_semaphore, #tpu.memory_space<semaphore_mem>> -> memref<!tpu.dma_semaphore, #tpu.memory_space<semaphore_mem>>
        tpu.enqueue_indirect_dma source(%dma_start3A_302 : memref<10000x128xf32, #tpu.memory_space<hbm>>) target(%dma_start3A_298 : memref<80x128xf32, #tpu.memory_space<vmem>>) offsets(%dma_start3A_299 : memref<80xi32, #tpu.memory_space<vmem>>) semaphore(%dma_start3A_304 : memref<!tpu.dma_semaphore, #tpu.memory_space<semaphore_mem>>)
        %dma_start3A_305 = arith.constant 0 : i32
        %dma_start3A_306 = arith.constant 0 : i32
        %dma_start3A_307 = tpu.memref_slice %arg9[%rem3A_292, %dma_start3A_305, %dma_start3A_306] : memref<5x80x128xf32, #tpu.memory_space<vmem>> -> memref<1x80x128xf32, #tpu.memory_space<vmem>>
        %dma_start3A_308 = tpu.memref_squeeze %dma_start3A_307 : memref<1x80x128xf32, #tpu.memory_space<vmem>> -> memref<80x128xf32, #tpu.memory_space<vmem>>
        %dma_start3A_309 = tpu.memref_slice %arg7[%mul3A_294] : memref<10000xi32, #tpu.memory_space<vmem>> -> memref<80xi32, #tpu.memory_space<vmem>>
        %dma_start3A_310 = arith.constant 0 : i32
        %dma_start3A_311 = arith.constant 0 : i32
        %dma_start3A_312 = tpu.memref_slice %arg2[%dma_start3A_310, %dma_start3A_311] : memref<10000x128xf32, #tpu.memory_space<hbm>> -> memref<10000x128xf32, #tpu.memory_space<hbm>>
        %dma_start3A_313 = tpu.memref_slice %arg11[%rem3A_292] : memref<5x!tpu.dma_semaphore, #tpu.memory_space<semaphore_mem>> -> memref<1x!tpu.dma_semaphore, #tpu.memory_space<semaphore_mem>>
        %dma_start3A_314 = tpu.memref_squeeze %dma_start3A_313 : memref<1x!tpu.dma_semaphore, #tpu.memory_space<semaphore_mem>> -> memref<!tpu.dma_semaphore, #tpu.memory_space<semaphore_mem>>
        tpu.enqueue_indirect_dma source(%dma_start3A_312 : memref<10000x128xf32, #tpu.memory_space<hbm>>) target(%dma_start3A_308 : memref<80x128xf32, #tpu.memory_space<vmem>>) offsets(%dma_start3A_309 : memref<80xi32, #tpu.memory_space<vmem>>) semaphore(%dma_start3A_314 : memref<!tpu.dma_semaphore, #tpu.memory_space<semaphore_mem>>)
      } else {
      }
      %rem3A_228 = arith.constant 5 : i32
      %rem3A_229 = arith.remsi %add3A_223, %rem3A_228 : i32
      %mul3A_230 = arith.constant 80 : i32
      %mul3A_231 = arith.muli %add3A_223, %mul3A_230 : i32
      %dma_wait3A_232 = arith.constant 0 : i32
      %dma_wait3A_233 = arith.constant 0 : i32
      %dma_wait3A_234 = tpu.memref_slice %arg8[%rem3A_229, %dma_wait3A_232, %dma_wait3A_233] : memref<5x80x128xf32, #tpu.memory_space<vmem>> -> memref<1x80x128xf32, #tpu.memory_space<vmem>>
      %dma_wait3A_235 = tpu.memref_squeeze %dma_wait3A_234 : memref<1x80x128xf32, #tpu.memory_space<vmem>> -> memref<80x128xf32, #tpu.memory_space<vmem>>
      %dma_wait3A_236 = tpu.memref_slice %arg6[%mul3A_231] : memref<10000xi32, #tpu.memory_space<vmem>> -> memref<80xi32, #tpu.memory_space<vmem>>
      %dma_wait3A_237 = arith.constant 0 : i32
      %dma_wait3A_238 = arith.constant 0 : i32
      %dma_wait3A_239 = tpu.memref_slice %arg2[%dma_wait3A_237, %dma_wait3A_238] : memref<10000x128xf32, #tpu.memory_space<hbm>> -> memref<10000x128xf32, #tpu.memory_space<hbm>>
      %dma_wait3A_240 = tpu.memref_slice %arg10[%rem3A_229] : memref<5x!tpu.dma_semaphore, #tpu.memory_space<semaphore_mem>> -> memref<1x!tpu.dma_semaphore, #tpu.memory_space<semaphore_mem>>
      %dma_wait3A_241 = tpu.memref_squeeze %dma_wait3A_240 : memref<1x!tpu.dma_semaphore, #tpu.memory_space<semaphore_mem>> -> memref<!tpu.dma_semaphore, #tpu.memory_space<semaphore_mem>>
      tpu.wait_indirect_dma semaphore(%dma_wait3A_241 : memref<!tpu.dma_semaphore, #tpu.memory_space<semaphore_mem>>) src(%dma_wait3A_239 : memref<10000x128xf32, #tpu.memory_space<hbm>>) dst(%dma_wait3A_235 : memref<80x128xf32, #tpu.memory_space<vmem>>)
      %dma_wait3A_242 = arith.constant 0 : i32
      %dma_wait3A_243 = arith.constant 0 : i32
      %dma_wait3A_244 = tpu.memref_slice %arg9[%rem3A_229, %dma_wait3A_242, %dma_wait3A_243] : memref<5x80x128xf32, #tpu.memory_space<vmem>> -> memref<1x80x128xf32, #tpu.memory_space<vmem>>
      %dma_wait3A_245 = tpu.memref_squeeze %dma_wait3A_244 : memref<1x80x128xf32, #tpu.memory_space<vmem>> -> memref<80x128xf32, #tpu.memory_space<vmem>>
      %dma_wait3A_246 = tpu.memref_slice %arg7[%mul3A_231] : memref<10000xi32, #tpu.memory_space<vmem>> -> memref<80xi32, #tpu.memory_space<vmem>>
      %dma_wait3A_247 = arith.constant 0 : i32
      %dma_wait3A_248 = arith.constant 0 : i32
      %dma_wait3A_249 = tpu.memref_slice %arg2[%dma_wait3A_247, %dma_wait3A_248] : memref<10000x128xf32, #tpu.memory_space<hbm>> -> memref<10000x128xf32, #tpu.memory_space<hbm>>
      %dma_wait3A_250 = tpu.memref_slice %arg11[%rem3A_229] : memref<5x!tpu.dma_semaphore, #tpu.memory_space<semaphore_mem>> -> memref<1x!tpu.dma_semaphore, #tpu.memory_space<semaphore_mem>>
      %dma_wait3A_251 = tpu.memref_squeeze %dma_wait3A_250 : memref<1x!tpu.dma_semaphore, #tpu.memory_space<semaphore_mem>> -> memref<!tpu.dma_semaphore, #tpu.memory_space<semaphore_mem>>
      tpu.wait_indirect_dma semaphore(%dma_wait3A_251 : memref<!tpu.dma_semaphore, #tpu.memory_space<semaphore_mem>>) src(%dma_wait3A_249 : memref<10000x128xf32, #tpu.memory_space<hbm>>) dst(%dma_wait3A_245 : memref<80x128xf32, #tpu.memory_space<vmem>>)
      %rem3A_252 = arith.constant 5 : i32
      %rem3A_253 = arith.remsi %add3A_223, %rem3A_252 : i32
      %mul3A_254 = arith.constant 80 : i32
      %mul3A_255 = arith.muli %add3A_223, %mul3A_254 : i32
      %add3A_256 = arith.addi %mul3A_2, %mul3A_255 : i32
      %dma_start3A_257 = arith.constant 0 : i32
      %dma_start3A_258 = arith.constant 0 : i32
      %dma_start3A_259 = tpu.memref_slice %arg8[%rem3A_253, %dma_start3A_257, %dma_start3A_258] : memref<5x80x128xf32, #tpu.memory_space<vmem>> -> memref<1x80x128xf32, #tpu.memory_space<vmem>>
      %dma_start3A_260 = tpu.memref_squeeze %dma_start3A_259 : memref<1x80x128xf32, #tpu.memory_space<vmem>> -> memref<80x128xf32, #tpu.memory_space<vmem>>
      %dma_start3A_261 = arith.constant 0 : i32
      %dma_start3A_262 = tpu.memref_slice %arg5[%add3A_256, %dma_start3A_261] : memref<320000x256xf32, #tpu.memory_space<hbm>> -> memref<80x128xf32, #tpu.memory_space<hbm>>
      %dma_start3A_263 = tpu.memref_slice %arg12[%rem3A_253] : memref<5x!tpu.dma_semaphore, #tpu.memory_space<semaphore_mem>> -> memref<1x!tpu.dma_semaphore, #tpu.memory_space<semaphore_mem>>
      %dma_start3A_264 = tpu.memref_squeeze %dma_start3A_263 : memref<1x!tpu.dma_semaphore, #tpu.memory_space<semaphore_mem>> -> memref<!tpu.dma_semaphore, #tpu.memory_space<semaphore_mem>>
      %dma_start3A_265 = arith.constant 0 : i32
      %dma_start3A_266 = tpu.memref_slice %arg5[%add3A_256, %dma_start3A_265] : memref<320000x256xf32, #tpu.memory_space<hbm>> -> memref<80x128xf32, #tpu.memory_space<hbm>>
      %dma_start3A_267 = arith.constant 0 : i32
      %dma_start3A_268 = arith.constant 0 : i32
      %dma_start3A_269 = tpu.memref_slice %arg8[%rem3A_253, %dma_start3A_267, %dma_start3A_268] : memref<5x80x128xf32, #tpu.memory_space<vmem>> -> memref<1x80x128xf32, #tpu.memory_space<vmem>>
      %dma_start3A_270 = tpu.memref_squeeze %dma_start3A_269 : memref<1x80x128xf32, #tpu.memory_space<vmem>> -> memref<80x128xf32, #tpu.memory_space<vmem>>
      tpu.enqueue_dma source(%dma_start3A_270 : memref<80x128xf32, #tpu.memory_space<vmem>>) target(%dma_start3A_266 : memref<80x128xf32, #tpu.memory_space<hbm>>) target_semaphore(%dma_start3A_264 : memref<!tpu.dma_semaphore, #tpu.memory_space<semaphore_mem>>)
      %dma_start3A_271 = arith.constant 0 : i32
      %dma_start3A_272 = arith.constant 0 : i32
      %dma_start3A_273 = tpu.memref_slice %arg9[%rem3A_253, %dma_start3A_271, %dma_start3A_272] : memref<5x80x128xf32, #tpu.memory_space<vmem>> -> memref<1x80x128xf32, #tpu.memory_space<vmem>>
      %dma_start3A_274 = tpu.memref_squeeze %dma_start3A_273 : memref<1x80x128xf32, #tpu.memory_space<vmem>> -> memref<80x128xf32, #tpu.memory_space<vmem>>
      %dma_start3A_275 = arith.constant 128 : i32
      %dma_start3A_276 = tpu.memref_slice %arg5[%add3A_256, %dma_start3A_275] : memref<320000x256xf32, #tpu.memory_space<hbm>> -> memref<80x128xf32, #tpu.memory_space<hbm>>
      %dma_start3A_277 = tpu.memref_slice %arg13[%rem3A_253] : memref<5x!tpu.dma_semaphore, #tpu.memory_space<semaphore_mem>> -> memref<1x!tpu.dma_semaphore, #tpu.memory_space<semaphore_mem>>
      %dma_start3A_278 = tpu.memref_squeeze %dma_start3A_277 : memref<1x!tpu.dma_semaphore, #tpu.memory_space<semaphore_mem>> -> memref<!tpu.dma_semaphore, #tpu.memory_space<semaphore_mem>>
      %dma_start3A_279 = arith.constant 128 : i32
      %dma_start3A_280 = tpu.memref_slice %arg5[%add3A_256, %dma_start3A_279] : memref<320000x256xf32, #tpu.memory_space<hbm>> -> memref<80x128xf32, #tpu.memory_space<hbm>>
      %dma_start3A_281 = arith.constant 0 : i32
      %dma_start3A_282 = arith.constant 0 : i32
      %dma_start3A_283 = tpu.memref_slice %arg9[%rem3A_253, %dma_start3A_281, %dma_start3A_282] : memref<5x80x128xf32, #tpu.memory_space<vmem>> -> memref<1x80x128xf32, #tpu.memory_space<vmem>>
      %dma_start3A_284 = tpu.memref_squeeze %dma_start3A_283 : memref<1x80x128xf32, #tpu.memory_space<vmem>> -> memref<80x128xf32, #tpu.memory_space<vmem>>
      tpu.enqueue_dma source(%dma_start3A_284 : memref<80x128xf32, #tpu.memory_space<vmem>>) target(%dma_start3A_280 : memref<80x128xf32, #tpu.memory_space<hbm>>) target_semaphore(%dma_start3A_278 : memref<!tpu.dma_semaphore, #tpu.memory_space<semaphore_mem>>)
    }
    %scan3A_54 = arith.constant 125 : i32
    %rem3A_55 = arith.constant 120 : i32
    %rem3A_56 = arith.constant 5 : i32
    %rem3A_57 = arith.remsi %rem3A_55, %rem3A_56 : i32
    %add3A_58 = arith.constant 9600 : i32
    %add3A_59 = arith.addi %mul3A_2, %add3A_58 : i32
    %dma_wait3A = arith.constant 0 : i32
    %dma_wait3A_60 = arith.constant 0 : i32
    %dma_wait3A_61 = tpu.memref_slice %arg8[%rem3A_57, %dma_wait3A, %dma_wait3A_60] : memref<5x80x128xf32, #tpu.memory_space<vmem>> -> memref<1x80x128xf32, #tpu.memory_space<vmem>>
    %dma_wait3A_62 = tpu.memref_squeeze %dma_wait3A_61 : memref<1x80x128xf32, #tpu.memory_space<vmem>> -> memref<80x128xf32, #tpu.memory_space<vmem>>
    %dma_wait3A_63 = arith.constant 0 : i32
    %dma_wait3A_64 = tpu.memref_slice %arg5[%add3A_59, %dma_wait3A_63] : memref<320000x256xf32, #tpu.memory_space<hbm>> -> memref<80x128xf32, #tpu.memory_space<hbm>>
    %dma_wait3A_65 = tpu.memref_slice %arg12[%rem3A_57] : memref<5x!tpu.dma_semaphore, #tpu.memory_space<semaphore_mem>> -> memref<1x!tpu.dma_semaphore, #tpu.memory_space<semaphore_mem>>
    %dma_wait3A_66 = tpu.memref_squeeze %dma_wait3A_65 : memref<1x!tpu.dma_semaphore, #tpu.memory_space<semaphore_mem>> -> memref<!tpu.dma_semaphore, #tpu.memory_space<semaphore_mem>>
    %dma_wait3A_67 = arith.constant 0 : i32
    %dma_wait3A_68 = tpu.memref_slice %arg5[%add3A_59, %dma_wait3A_67] : memref<320000x256xf32, #tpu.memory_space<hbm>> -> memref<80x128xf32, #tpu.memory_space<hbm>>
    %dma_wait3A_69 = arith.constant 0 : i32
    %dma_wait3A_70 = arith.constant 0 : i32
    %dma_wait3A_71 = tpu.memref_slice %arg8[%rem3A_57, %dma_wait3A_69, %dma_wait3A_70] : memref<5x80x128xf32, #tpu.memory_space<vmem>> -> memref<1x80x128xf32, #tpu.memory_space<vmem>>
    %dma_wait3A_72 = tpu.memref_squeeze %dma_wait3A_71 : memref<1x80x128xf32, #tpu.memory_space<vmem>> -> memref<80x128xf32, #tpu.memory_space<vmem>>
    tpu.wait_dma2 semaphore(%dma_wait3A_66 : memref<!tpu.dma_semaphore, #tpu.memory_space<semaphore_mem>>) src(%dma_wait3A_72 : memref<80x128xf32, #tpu.memory_space<vmem>>) dst(%dma_wait3A_68 : memref<80x128xf32, #tpu.memory_space<hbm>>)
    %dma_wait3A_73 = arith.constant 0 : i32
    %dma_wait3A_74 = arith.constant 0 : i32
    %dma_wait3A_75 = tpu.memref_slice %arg9[%rem3A_57, %dma_wait3A_73, %dma_wait3A_74] : memref<5x80x128xf32, #tpu.memory_space<vmem>> -> memref<1x80x128xf32, #tpu.memory_space<vmem>>
    %dma_wait3A_76 = tpu.memref_squeeze %dma_wait3A_75 : memref<1x80x128xf32, #tpu.memory_space<vmem>> -> memref<80x128xf32, #tpu.memory_space<vmem>>
    %dma_wait3A_77 = arith.constant 128 : i32
    %dma_wait3A_78 = tpu.memref_slice %arg5[%add3A_59, %dma_wait3A_77] : memref<320000x256xf32, #tpu.memory_space<hbm>> -> memref<80x128xf32, #tpu.memory_space<hbm>>
    %dma_wait3A_79 = tpu.memref_slice %arg13[%rem3A_57] : memref<5x!tpu.dma_semaphore, #tpu.memory_space<semaphore_mem>> -> memref<1x!tpu.dma_semaphore, #tpu.memory_space<semaphore_mem>>
    %dma_wait3A_80 = tpu.memref_squeeze %dma_wait3A_79 : memref<1x!tpu.dma_semaphore, #tpu.memory_space<semaphore_mem>> -> memref<!tpu.dma_semaphore, #tpu.memory_space<semaphore_mem>>
    %dma_wait3A_81 = arith.constant 128 : i32
    %dma_wait3A_82 = tpu.memref_slice %arg5[%add3A_59, %dma_wait3A_81] : memref<320000x256xf32, #tpu.memory_space<hbm>> -> memref<80x128xf32, #tpu.memory_space<hbm>>
    %dma_wait3A_83 = arith.constant 0 : i32
    %dma_wait3A_84 = arith.constant 0 : i32
    %dma_wait3A_85 = tpu.memref_slice %arg9[%rem3A_57, %dma_wait3A_83, %dma_wait3A_84] : memref<5x80x128xf32, #tpu.memory_space<vmem>> -> memref<1x80x128xf32, #tpu.memory_space<vmem>>
    %dma_wait3A_86 = tpu.memref_squeeze %dma_wait3A_85 : memref<1x80x128xf32, #tpu.memory_space<vmem>> -> memref<80x128xf32, #tpu.memory_space<vmem>>
    tpu.wait_dma2 semaphore(%dma_wait3A_80 : memref<!tpu.dma_semaphore, #tpu.memory_space<semaphore_mem>>) src(%dma_wait3A_86 : memref<80x128xf32, #tpu.memory_space<vmem>>) dst(%dma_wait3A_82 : memref<80x128xf32, #tpu.memory_space<hbm>>)
    %rem3A_87 = arith.constant 121 : i32
    %rem3A_88 = arith.constant 5 : i32
    %rem3A_89 = arith.remsi %rem3A_87, %rem3A_88 : i32
    %add3A_90 = arith.constant 9680 : i32
    %add3A_91 = arith.addi %mul3A_2, %add3A_90 : i32
    %dma_wait3A_92 = arith.constant 0 : i32
    %dma_wait3A_93 = arith.constant 0 : i32
    %dma_wait3A_94 = tpu.memref_slice %arg8[%rem3A_89, %dma_wait3A_92, %dma_wait3A_93] : memref<5x80x128xf32, #tpu.memory_space<vmem>> -> memref<1x80x128xf32, #tpu.memory_space<vmem>>
    %dma_wait3A_95 = tpu.memref_squeeze %dma_wait3A_94 : memref<1x80x128xf32, #tpu.memory_space<vmem>> -> memref<80x128xf32, #tpu.memory_space<vmem>>
    %dma_wait3A_96 = arith.constant 0 : i32
    %dma_wait3A_97 = tpu.memref_slice %arg5[%add3A_91, %dma_wait3A_96] : memref<320000x256xf32, #tpu.memory_space<hbm>> -> memref<80x128xf32, #tpu.memory_space<hbm>>
    %dma_wait3A_98 = tpu.memref_slice %arg12[%rem3A_89] : memref<5x!tpu.dma_semaphore, #tpu.memory_space<semaphore_mem>> -> memref<1x!tpu.dma_semaphore, #tpu.memory_space<semaphore_mem>>
    %dma_wait3A_99 = tpu.memref_squeeze %dma_wait3A_98 : memref<1x!tpu.dma_semaphore, #tpu.memory_space<semaphore_mem>> -> memref<!tpu.dma_semaphore, #tpu.memory_space<semaphore_mem>>
    %dma_wait3A_100 = arith.constant 0 : i32
    %dma_wait3A_101 = tpu.memref_slice %arg5[%add3A_91, %dma_wait3A_100] : memref<320000x256xf32, #tpu.memory_space<hbm>> -> memref<80x128xf32, #tpu.memory_space<hbm>>
    %dma_wait3A_102 = arith.constant 0 : i32
    %dma_wait3A_103 = arith.constant 0 : i32
    %dma_wait3A_104 = tpu.memref_slice %arg8[%rem3A_89, %dma_wait3A_102, %dma_wait3A_103] : memref<5x80x128xf32, #tpu.memory_space<vmem>> -> memref<1x80x128xf32, #tpu.memory_space<vmem>>
    %dma_wait3A_105 = tpu.memref_squeeze %dma_wait3A_104 : memref<1x80x128xf32, #tpu.memory_space<vmem>> -> memref<80x128xf32, #tpu.memory_space<vmem>>
    tpu.wait_dma2 semaphore(%dma_wait3A_99 : memref<!tpu.dma_semaphore, #tpu.memory_space<semaphore_mem>>) src(%dma_wait3A_105 : memref<80x128xf32, #tpu.memory_space<vmem>>) dst(%dma_wait3A_101 : memref<80x128xf32, #tpu.memory_space<hbm>>)
    %dma_wait3A_106 = arith.constant 0 : i32
    %dma_wait3A_107 = arith.constant 0 : i32
    %dma_wait3A_108 = tpu.memref_slice %arg9[%rem3A_89, %dma_wait3A_106, %dma_wait3A_107] : memref<5x80x128xf32, #tpu.memory_space<vmem>> -> memref<1x80x128xf32, #tpu.memory_space<vmem>>
    %dma_wait3A_109 = tpu.memref_squeeze %dma_wait3A_108 : memref<1x80x128xf32, #tpu.memory_space<vmem>> -> memref<80x128xf32, #tpu.memory_space<vmem>>
    %dma_wait3A_110 = arith.constant 128 : i32
    %dma_wait3A_111 = tpu.memref_slice %arg5[%add3A_91, %dma_wait3A_110] : memref<320000x256xf32, #tpu.memory_space<hbm>> -> memref<80x128xf32, #tpu.memory_space<hbm>>
    %dma_wait3A_112 = tpu.memref_slice %arg13[%rem3A_89] : memref<5x!tpu.dma_semaphore, #tpu.memory_space<semaphore_mem>> -> memref<1x!tpu.dma_semaphore, #tpu.memory_space<semaphore_mem>>
    %dma_wait3A_113 = tpu.memref_squeeze %dma_wait3A_112 : memref<1x!tpu.dma_semaphore, #tpu.memory_space<semaphore_mem>> -> memref<!tpu.dma_semaphore, #tpu.memory_space<semaphore_mem>>
    %dma_wait3A_114 = arith.constant 128 : i32
    %dma_wait3A_115 = tpu.memref_slice %arg5[%add3A_91, %dma_wait3A_114] : memref<320000x256xf32, #tpu.memory_space<hbm>> -> memref<80x128xf32, #tpu.memory_space<hbm>>
    %dma_wait3A_116 = arith.constant 0 : i32
    %dma_wait3A_117 = arith.constant 0 : i32
    %dma_wait3A_118 = tpu.memref_slice %arg9[%rem3A_89, %dma_wait3A_116, %dma_wait3A_117] : memref<5x80x128xf32, #tpu.memory_space<vmem>> -> memref<1x80x128xf32, #tpu.memory_space<vmem>>
    %dma_wait3A_119 = tpu.memref_squeeze %dma_wait3A_118 : memref<1x80x128xf32, #tpu.memory_space<vmem>> -> memref<80x128xf32, #tpu.memory_space<vmem>>
    tpu.wait_dma2 semaphore(%dma_wait3A_113 : memref<!tpu.dma_semaphore, #tpu.memory_space<semaphore_mem>>) src(%dma_wait3A_119 : memref<80x128xf32, #tpu.memory_space<vmem>>) dst(%dma_wait3A_115 : memref<80x128xf32, #tpu.memory_space<hbm>>)
    %rem3A_120 = arith.constant 122 : i32
    %rem3A_121 = arith.constant 5 : i32
    %rem3A_122 = arith.remsi %rem3A_120, %rem3A_121 : i32
    %add3A_123 = arith.constant 9760 : i32
    %add3A_124 = arith.addi %mul3A_2, %add3A_123 : i32
    %dma_wait3A_125 = arith.constant 0 : i32
    %dma_wait3A_126 = arith.constant 0 : i32
    %dma_wait3A_127 = tpu.memref_slice %arg8[%rem3A_122, %dma_wait3A_125, %dma_wait3A_126] : memref<5x80x128xf32, #tpu.memory_space<vmem>> -> memref<1x80x128xf32, #tpu.memory_space<vmem>>
    %dma_wait3A_128 = tpu.memref_squeeze %dma_wait3A_127 : memref<1x80x128xf32, #tpu.memory_space<vmem>> -> memref<80x128xf32, #tpu.memory_space<vmem>>
    %dma_wait3A_129 = arith.constant 0 : i32
    %dma_wait3A_130 = tpu.memref_slice %arg5[%add3A_124, %dma_wait3A_129] : memref<320000x256xf32, #tpu.memory_space<hbm>> -> memref<80x128xf32, #tpu.memory_space<hbm>>
    %dma_wait3A_131 = tpu.memref_slice %arg12[%rem3A_122] : memref<5x!tpu.dma_semaphore, #tpu.memory_space<semaphore_mem>> -> memref<1x!tpu.dma_semaphore, #tpu.memory_space<semaphore_mem>>
    %dma_wait3A_132 = tpu.memref_squeeze %dma_wait3A_131 : memref<1x!tpu.dma_semaphore, #tpu.memory_space<semaphore_mem>> -> memref<!tpu.dma_semaphore, #tpu.memory_space<semaphore_mem>>
    %dma_wait3A_133 = arith.constant 0 : i32
    %dma_wait3A_134 = tpu.memref_slice %arg5[%add3A_124, %dma_wait3A_133] : memref<320000x256xf32, #tpu.memory_space<hbm>> -> memref<80x128xf32, #tpu.memory_space<hbm>>
    %dma_wait3A_135 = arith.constant 0 : i32
    %dma_wait3A_136 = arith.constant 0 : i32
    %dma_wait3A_137 = tpu.memref_slice %arg8[%rem3A_122, %dma_wait3A_135, %dma_wait3A_136] : memref<5x80x128xf32, #tpu.memory_space<vmem>> -> memref<1x80x128xf32, #tpu.memory_space<vmem>>
    %dma_wait3A_138 = tpu.memref_squeeze %dma_wait3A_137 : memref<1x80x128xf32, #tpu.memory_space<vmem>> -> memref<80x128xf32, #tpu.memory_space<vmem>>
    tpu.wait_dma2 semaphore(%dma_wait3A_132 : memref<!tpu.dma_semaphore, #tpu.memory_space<semaphore_mem>>) src(%dma_wait3A_138 : memref<80x128xf32, #tpu.memory_space<vmem>>) dst(%dma_wait3A_134 : memref<80x128xf32, #tpu.memory_space<hbm>>)
    %dma_wait3A_139 = arith.constant 0 : i32
    %dma_wait3A_140 = arith.constant 0 : i32
    %dma_wait3A_141 = tpu.memref_slice %arg9[%rem3A_122, %dma_wait3A_139, %dma_wait3A_140] : memref<5x80x128xf32, #tpu.memory_space<vmem>> -> memref<1x80x128xf32, #tpu.memory_space<vmem>>
    %dma_wait3A_142 = tpu.memref_squeeze %dma_wait3A_141 : memref<1x80x128xf32, #tpu.memory_space<vmem>> -> memref<80x128xf32, #tpu.memory_space<vmem>>
    %dma_wait3A_143 = arith.constant 128 : i32
    %dma_wait3A_144 = tpu.memref_slice %arg5[%add3A_124, %dma_wait3A_143] : memref<320000x256xf32, #tpu.memory_space<hbm>> -> memref<80x128xf32, #tpu.memory_space<hbm>>
    %dma_wait3A_145 = tpu.memref_slice %arg13[%rem3A_122] : memref<5x!tpu.dma_semaphore, #tpu.memory_space<semaphore_mem>> -> memref<1x!tpu.dma_semaphore, #tpu.memory_space<semaphore_mem>>
    %dma_wait3A_146 = tpu.memref_squeeze %dma_wait3A_145 : memref<1x!tpu.dma_semaphore, #tpu.memory_space<semaphore_mem>> -> memref<!tpu.dma_semaphore, #tpu.memory_space<semaphore_mem>>
    %dma_wait3A_147 = arith.constant 128 : i32
    %dma_wait3A_148 = tpu.memref_slice %arg5[%add3A_124, %dma_wait3A_147] : memref<320000x256xf32, #tpu.memory_space<hbm>> -> memref<80x128xf32, #tpu.memory_space<hbm>>
    %dma_wait3A_149 = arith.constant 0 : i32
    %dma_wait3A_150 = arith.constant 0 : i32
    %dma_wait3A_151 = tpu.memref_slice %arg9[%rem3A_122, %dma_wait3A_149, %dma_wait3A_150] : memref<5x80x128xf32, #tpu.memory_space<vmem>> -> memref<1x80x128xf32, #tpu.memory_space<vmem>>
    %dma_wait3A_152 = tpu.memref_squeeze %dma_wait3A_151 : memref<1x80x128xf32, #tpu.memory_space<vmem>> -> memref<80x128xf32, #tpu.memory_space<vmem>>
    tpu.wait_dma2 semaphore(%dma_wait3A_146 : memref<!tpu.dma_semaphore, #tpu.memory_space<semaphore_mem>>) src(%dma_wait3A_152 : memref<80x128xf32, #tpu.memory_space<vmem>>) dst(%dma_wait3A_148 : memref<80x128xf32, #tpu.memory_space<hbm>>)
    %rem3A_153 = arith.constant 123 : i32
    %rem3A_154 = arith.constant 5 : i32
    %rem3A_155 = arith.remsi %rem3A_153, %rem3A_154 : i32
    %add3A_156 = arith.constant 9840 : i32
    %add3A_157 = arith.addi %mul3A_2, %add3A_156 : i32
    %dma_wait3A_158 = arith.constant 0 : i32
    %dma_wait3A_159 = arith.constant 0 : i32
    %dma_wait3A_160 = tpu.memref_slice %arg8[%rem3A_155, %dma_wait3A_158, %dma_wait3A_159] : memref<5x80x128xf32, #tpu.memory_space<vmem>> -> memref<1x80x128xf32, #tpu.memory_space<vmem>>
    %dma_wait3A_161 = tpu.memref_squeeze %dma_wait3A_160 : memref<1x80x128xf32, #tpu.memory_space<vmem>> -> memref<80x128xf32, #tpu.memory_space<vmem>>
    %dma_wait3A_162 = arith.constant 0 : i32
    %dma_wait3A_163 = tpu.memref_slice %arg5[%add3A_157, %dma_wait3A_162] : memref<320000x256xf32, #tpu.memory_space<hbm>> -> memref<80x128xf32, #tpu.memory_space<hbm>>
    %dma_wait3A_164 = tpu.memref_slice %arg12[%rem3A_155] : memref<5x!tpu.dma_semaphore, #tpu.memory_space<semaphore_mem>> -> memref<1x!tpu.dma_semaphore, #tpu.memory_space<semaphore_mem>>
    %dma_wait3A_165 = tpu.memref_squeeze %dma_wait3A_164 : memref<1x!tpu.dma_semaphore, #tpu.memory_space<semaphore_mem>> -> memref<!tpu.dma_semaphore, #tpu.memory_space<semaphore_mem>>
    %dma_wait3A_166 = arith.constant 0 : i32
    %dma_wait3A_167 = tpu.memref_slice %arg5[%add3A_157, %dma_wait3A_166] : memref<320000x256xf32, #tpu.memory_space<hbm>> -> memref<80x128xf32, #tpu.memory_space<hbm>>
    %dma_wait3A_168 = arith.constant 0 : i32
    %dma_wait3A_169 = arith.constant 0 : i32
    %dma_wait3A_170 = tpu.memref_slice %arg8[%rem3A_155, %dma_wait3A_168, %dma_wait3A_169] : memref<5x80x128xf32, #tpu.memory_space<vmem>> -> memref<1x80x128xf32, #tpu.memory_space<vmem>>
    %dma_wait3A_171 = tpu.memref_squeeze %dma_wait3A_170 : memref<1x80x128xf32, #tpu.memory_space<vmem>> -> memref<80x128xf32, #tpu.memory_space<vmem>>
    tpu.wait_dma2 semaphore(%dma_wait3A_165 : memref<!tpu.dma_semaphore, #tpu.memory_space<semaphore_mem>>) src(%dma_wait3A_171 : memref<80x128xf32, #tpu.memory_space<vmem>>) dst(%dma_wait3A_167 : memref<80x128xf32, #tpu.memory_space<hbm>>)
    %dma_wait3A_172 = arith.constant 0 : i32
    %dma_wait3A_173 = arith.constant 0 : i32
    %dma_wait3A_174 = tpu.memref_slice %arg9[%rem3A_155, %dma_wait3A_172, %dma_wait3A_173] : memref<5x80x128xf32, #tpu.memory_space<vmem>> -> memref<1x80x128xf32, #tpu.memory_space<vmem>>
    %dma_wait3A_175 = tpu.memref_squeeze %dma_wait3A_174 : memref<1x80x128xf32, #tpu.memory_space<vmem>> -> memref<80x128xf32, #tpu.memory_space<vmem>>
    %dma_wait3A_176 = arith.constant 128 : i32
    %dma_wait3A_177 = tpu.memref_slice %arg5[%add3A_157, %dma_wait3A_176] : memref<320000x256xf32, #tpu.memory_space<hbm>> -> memref<80x128xf32, #tpu.memory_space<hbm>>
    %dma_wait3A_178 = tpu.memref_slice %arg13[%rem3A_155] : memref<5x!tpu.dma_semaphore, #tpu.memory_space<semaphore_mem>> -> memref<1x!tpu.dma_semaphore, #tpu.memory_space<semaphore_mem>>
    %dma_wait3A_179 = tpu.memref_squeeze %dma_wait3A_178 : memref<1x!tpu.dma_semaphore, #tpu.memory_space<semaphore_mem>> -> memref<!tpu.dma_semaphore, #tpu.memory_space<semaphore_mem>>
    %dma_wait3A_180 = arith.constant 128 : i32
    %dma_wait3A_181 = tpu.memref_slice %arg5[%add3A_157, %dma_wait3A_180] : memref<320000x256xf32, #tpu.memory_space<hbm>> -> memref<80x128xf32, #tpu.memory_space<hbm>>
    %dma_wait3A_182 = arith.constant 0 : i32
    %dma_wait3A_183 = arith.constant 0 : i32
    %dma_wait3A_184 = tpu.memref_slice %arg9[%rem3A_155, %dma_wait3A_182, %dma_wait3A_183] : memref<5x80x128xf32, #tpu.memory_space<vmem>> -> memref<1x80x128xf32, #tpu.memory_space<vmem>>
    %dma_wait3A_185 = tpu.memref_squeeze %dma_wait3A_184 : memref<1x80x128xf32, #tpu.memory_space<vmem>> -> memref<80x128xf32, #tpu.memory_space<vmem>>
    tpu.wait_dma2 semaphore(%dma_wait3A_179 : memref<!tpu.dma_semaphore, #tpu.memory_space<semaphore_mem>>) src(%dma_wait3A_185 : memref<80x128xf32, #tpu.memory_space<vmem>>) dst(%dma_wait3A_181 : memref<80x128xf32, #tpu.memory_space<hbm>>)
    %rem3A_186 = arith.constant 124 : i32
    %rem3A_187 = arith.constant 5 : i32
    %rem3A_188 = arith.remsi %rem3A_186, %rem3A_187 : i32
    %add3A_189 = arith.constant 9920 : i32
    %add3A_190 = arith.addi %mul3A_2, %add3A_189 : i32
    %dma_wait3A_191 = arith.constant 0 : i32
    %dma_wait3A_192 = arith.constant 0 : i32
    %dma_wait3A_193 = tpu.memref_slice %arg8[%rem3A_188, %dma_wait3A_191, %dma_wait3A_192] : memref<5x80x128xf32, #tpu.memory_space<vmem>> -> memref<1x80x128xf32, #tpu.memory_space<vmem>>
    %dma_wait3A_194 = tpu.memref_squeeze %dma_wait3A_193 : memref<1x80x128xf32, #tpu.memory_space<vmem>> -> memref<80x128xf32, #tpu.memory_space<vmem>>
    %dma_wait3A_195 = arith.constant 0 : i32
    %dma_wait3A_196 = tpu.memref_slice %arg5[%add3A_190, %dma_wait3A_195] : memref<320000x256xf32, #tpu.memory_space<hbm>> -> memref<80x128xf32, #tpu.memory_space<hbm>>
    %dma_wait3A_197 = tpu.memref_slice %arg12[%rem3A_188] : memref<5x!tpu.dma_semaphore, #tpu.memory_space<semaphore_mem>> -> memref<1x!tpu.dma_semaphore, #tpu.memory_space<semaphore_mem>>
    %dma_wait3A_198 = tpu.memref_squeeze %dma_wait3A_197 : memref<1x!tpu.dma_semaphore, #tpu.memory_space<semaphore_mem>> -> memref<!tpu.dma_semaphore, #tpu.memory_space<semaphore_mem>>
    %dma_wait3A_199 = arith.constant 0 : i32
    %dma_wait3A_200 = tpu.memref_slice %arg5[%add3A_190, %dma_wait3A_199] : memref<320000x256xf32, #tpu.memory_space<hbm>> -> memref<80x128xf32, #tpu.memory_space<hbm>>
    %dma_wait3A_201 = arith.constant 0 : i32
    %dma_wait3A_202 = arith.constant 0 : i32
    %dma_wait3A_203 = tpu.memref_slice %arg8[%rem3A_188, %dma_wait3A_201, %dma_wait3A_202] : memref<5x80x128xf32, #tpu.memory_space<vmem>> -> memref<1x80x128xf32, #tpu.memory_space<vmem>>
    %dma_wait3A_204 = tpu.memref_squeeze %dma_wait3A_203 : memref<1x80x128xf32, #tpu.memory_space<vmem>> -> memref<80x128xf32, #tpu.memory_space<vmem>>
    tpu.wait_dma2 semaphore(%dma_wait3A_198 : memref<!tpu.dma_semaphore, #tpu.memory_space<semaphore_mem>>) src(%dma_wait3A_204 : memref<80x128xf32, #tpu.memory_space<vmem>>) dst(%dma_wait3A_200 : memref<80x128xf32, #tpu.memory_space<hbm>>)
    %dma_wait3A_205 = arith.constant 0 : i32
    %dma_wait3A_206 = arith.constant 0 : i32
    %dma_wait3A_207 = tpu.memref_slice %arg9[%rem3A_188, %dma_wait3A_205, %dma_wait3A_206] : memref<5x80x128xf32, #tpu.memory_space<vmem>> -> memref<1x80x128xf32, #tpu.memory_space<vmem>>
    %dma_wait3A_208 = tpu.memref_squeeze %dma_wait3A_207 : memref<1x80x128xf32, #tpu.memory_space<vmem>> -> memref<80x128xf32, #tpu.memory_space<vmem>>
    %dma_wait3A_209 = arith.constant 128 : i32
    %dma_wait3A_210 = tpu.memref_slice %arg5[%add3A_190, %dma_wait3A_209] : memref<320000x256xf32, #tpu.memory_space<hbm>> -> memref<80x128xf32, #tpu.memory_space<hbm>>
    %dma_wait3A_211 = tpu.memref_slice %arg13[%rem3A_188] : memref<5x!tpu.dma_semaphore, #tpu.memory_space<semaphore_mem>> -> memref<1x!tpu.dma_semaphore, #tpu.memory_space<semaphore_mem>>
    %dma_wait3A_212 = tpu.memref_squeeze %dma_wait3A_211 : memref<1x!tpu.dma_semaphore, #tpu.memory_space<semaphore_mem>> -> memref<!tpu.dma_semaphore, #tpu.memory_space<semaphore_mem>>
    %dma_wait3A_213 = arith.constant 128 : i32
    %dma_wait3A_214 = tpu.memref_slice %arg5[%add3A_190, %dma_wait3A_213] : memref<320000x256xf32, #tpu.memory_space<hbm>> -> memref<80x128xf32, #tpu.memory_space<hbm>>
    %dma_wait3A_215 = arith.constant 0 : i32
    %dma_wait3A_216 = arith.constant 0 : i32
    %dma_wait3A_217 = tpu.memref_slice %arg9[%rem3A_188, %dma_wait3A_215, %dma_wait3A_216] : memref<5x80x128xf32, #tpu.memory_space<vmem>> -> memref<1x80x128xf32, #tpu.memory_space<vmem>>
    %dma_wait3A_218 = tpu.memref_squeeze %dma_wait3A_217 : memref<1x80x128xf32, #tpu.memory_space<vmem>> -> memref<80x128xf32, #tpu.memory_space<vmem>>
    tpu.wait_dma2 semaphore(%dma_wait3A_212 : memref<!tpu.dma_semaphore, #tpu.memory_space<semaphore_mem>>) src(%dma_wait3A_218 : memref<80x128xf32, #tpu.memory_space<vmem>>) dst(%dma_wait3A_214 : memref<80x128xf32, #tpu.memory_space<hbm>>)
    return
  }
}

#map = affine_map<(d0, d1) -> (0, 0)>
#map1 = affine_map<(d0, d1) -> (0, 0, 0)>
module attributes {stable_mosaic.version = 14 : i64} {
  func.func @_phase_a_body(%arg0: i32, %arg1: i32, %arg2: memref<10000x144xf32, #tpu.memory_space<hbm>>, %arg3: memref<2560x125xi32, #tpu.memory_space<hbm>>, %arg4: memref<2560x125xi32, #tpu.memory_space<hbm>>, %arg5: memref<125x144xf32, #tpu.memory_space<hbm>>, %arg6: memref<2x10000x144xf32, #tpu.memory_space<hbm>>, %arg7: memref<4x125xi32, #tpu.memory_space<vmem>>, %arg8: memref<4x125xi32, #tpu.memory_space<vmem>>, %arg9: memref<2x125x144xf32, #tpu.memory_space<vmem>>, %arg10: memref<10000x144xf32, #tpu.memory_space<vmem_shared>>, %arg11: memref<2x!tpu.dma_semaphore, #tpu.memory_space<semaphore_mem>>, %arg12: memref<2x!tpu.dma_semaphore, #tpu.memory_space<semaphore_mem>>, %arg13: memref<4x!tpu.dma_semaphore, #tpu.memory_space<semaphore_mem>>) attributes {dimension_semantics = [#tpu.dimension_semantics<core_parallel>, #tpu.dimension_semantics<subcore_parallel>], iteration_bounds = array<i64: 2, 16>, scalar_prefetch = 0 : i64, scratch_operands = 7 : i64, tpu.core_type = #tpu.core_type<sc_vector_subcore>, window_params = [{transform_indices = #map}, {transform_indices = #map}, {transform_indices = #map}, {transform_indices = #map}, {transform_indices = #map1}]} {
    %mul3A = arith.constant 2 : i32
    %mul3A_0 = arith.muli %arg1, %mul3A : i32
    %add3A = arith.addi %mul3A_0, %arg0 : i32
    %run_scoped3A = arith.constant 0 : i32
    "tpu.region"() ({
      %run_scoped3A_246 = tpu.sem_alloc : memref<!tpu.dma_semaphore, #tpu.memory_space<semaphore_mem>>
      %dma_start3A_247 = arith.constant 0 : i32
      %dma_start3A_248 = arith.constant 0 : i32
      %dma_start3A_249 = tpu.memref_slice %arg9[%run_scoped3A, %dma_start3A_247, %dma_start3A_248] : memref<2x125x144xf32, #tpu.memory_space<vmem>> -> memref<1x125x144xf32, #tpu.memory_space<vmem>>
      %dma_start3A_250 = tpu.memref_squeeze %dma_start3A_249 : memref<1x125x144xf32, #tpu.memory_space<vmem>> -> memref<125x144xf32, #tpu.memory_space<vmem>>
      %dma_start3A_251 = arith.constant 0 : i32
      %dma_start3A_252 = arith.constant 0 : i32
      %dma_start3A_253 = tpu.memref_slice %arg9[%run_scoped3A, %dma_start3A_251, %dma_start3A_252] : memref<2x125x144xf32, #tpu.memory_space<vmem>> -> memref<1x125x144xf32, #tpu.memory_space<vmem>>
      %dma_start3A_254 = tpu.memref_squeeze %dma_start3A_253 : memref<1x125x144xf32, #tpu.memory_space<vmem>> -> memref<125x144xf32, #tpu.memory_space<vmem>>
      tpu.enqueue_dma source(%arg5 : memref<125x144xf32, #tpu.memory_space<hbm>>) target(%dma_start3A_254 : memref<125x144xf32, #tpu.memory_space<vmem>>) target_semaphore(%run_scoped3A_246 : memref<!tpu.dma_semaphore, #tpu.memory_space<semaphore_mem>>)
      %dma_wait3A_255 = arith.constant 0 : i32
      %dma_wait3A_256 = arith.constant 0 : i32
      %dma_wait3A_257 = tpu.memref_slice %arg9[%run_scoped3A, %dma_wait3A_255, %dma_wait3A_256] : memref<2x125x144xf32, #tpu.memory_space<vmem>> -> memref<1x125x144xf32, #tpu.memory_space<vmem>>
      %dma_wait3A_258 = tpu.memref_squeeze %dma_wait3A_257 : memref<1x125x144xf32, #tpu.memory_space<vmem>> -> memref<125x144xf32, #tpu.memory_space<vmem>>
      %dma_wait3A_259 = arith.constant 0 : i32
      %dma_wait3A_260 = arith.constant 0 : i32
      %dma_wait3A_261 = tpu.memref_slice %arg9[%run_scoped3A, %dma_wait3A_259, %dma_wait3A_260] : memref<2x125x144xf32, #tpu.memory_space<vmem>> -> memref<1x125x144xf32, #tpu.memory_space<vmem>>
      %dma_wait3A_262 = tpu.memref_squeeze %dma_wait3A_261 : memref<1x125x144xf32, #tpu.memory_space<vmem>> -> memref<125x144xf32, #tpu.memory_space<vmem>>
      tpu.wait_dma2 semaphore(%run_scoped3A_246 : memref<!tpu.dma_semaphore, #tpu.memory_space<semaphore_mem>>) src(%arg5 : memref<125x144xf32, #tpu.memory_space<hbm>>) dst(%dma_wait3A_262 : memref<125x144xf32, #tpu.memory_space<vmem>>)
      tpu.yield
    }) : () -> ()
    %mul3A_1 = arith.constant 625 : i32
    %mul3A_2 = arith.muli %arg1, %mul3A_1 : i32
    %add3A_3 = arith.constant 0 : i32
    %add3A_4 = arith.addi %mul3A_2, %add3A_3 : i32
    %run_scoped3A_5 = arith.constant 0 : i32
    "tpu.region"() ({
      %run_scoped3A_246 = tpu.sem_alloc : memref<!tpu.dma_semaphore, #tpu.memory_space<semaphore_mem>>
      %dma_start3A_247 = arith.constant 0 : i32
      %dma_start3A_248 = arith.constant 0 : i32
      %dma_start3A_249 = tpu.memref_slice %arg9[%run_scoped3A_5, %dma_start3A_247, %dma_start3A_248] : memref<2x125x144xf32, #tpu.memory_space<vmem>> -> memref<1x125x144xf32, #tpu.memory_space<vmem>>
      %dma_start3A_250 = tpu.memref_squeeze %dma_start3A_249 : memref<1x125x144xf32, #tpu.memory_space<vmem>> -> memref<125x144xf32, #tpu.memory_space<vmem>>
      %dma_start3A_251 = arith.constant 0 : i32
      %dma_start3A_252 = tpu.memref_slice %arg10[%add3A_4, %dma_start3A_251] : memref<10000x144xf32, #tpu.memory_space<vmem_shared>> -> memref<125x144xf32, #tpu.memory_space<vmem_shared>>
      %dma_start3A_253 = arith.constant 0 : i32
      %dma_start3A_254 = tpu.memref_slice %arg10[%add3A_4, %dma_start3A_253] : memref<10000x144xf32, #tpu.memory_space<vmem_shared>> -> memref<125x144xf32, #tpu.memory_space<vmem_shared>>
      %dma_start3A_255 = arith.constant 0 : i32
      %dma_start3A_256 = arith.constant 0 : i32
      %dma_start3A_257 = tpu.memref_slice %arg9[%run_scoped3A_5, %dma_start3A_255, %dma_start3A_256] : memref<2x125x144xf32, #tpu.memory_space<vmem>> -> memref<1x125x144xf32, #tpu.memory_space<vmem>>
      %dma_start3A_258 = tpu.memref_squeeze %dma_start3A_257 : memref<1x125x144xf32, #tpu.memory_space<vmem>> -> memref<125x144xf32, #tpu.memory_space<vmem>>
      tpu.enqueue_dma source(%dma_start3A_258 : memref<125x144xf32, #tpu.memory_space<vmem>>) target(%dma_start3A_254 : memref<125x144xf32, #tpu.memory_space<vmem_shared>>) target_semaphore(%run_scoped3A_246 : memref<!tpu.dma_semaphore, #tpu.memory_space<semaphore_mem>>)
      %dma_wait3A_259 = arith.constant 0 : i32
      %dma_wait3A_260 = arith.constant 0 : i32
      %dma_wait3A_261 = tpu.memref_slice %arg9[%run_scoped3A_5, %dma_wait3A_259, %dma_wait3A_260] : memref<2x125x144xf32, #tpu.memory_space<vmem>> -> memref<1x125x144xf32, #tpu.memory_space<vmem>>
      %dma_wait3A_262 = tpu.memref_squeeze %dma_wait3A_261 : memref<1x125x144xf32, #tpu.memory_space<vmem>> -> memref<125x144xf32, #tpu.memory_space<vmem>>
      %dma_wait3A_263 = arith.constant 0 : i32
      %dma_wait3A_264 = tpu.memref_slice %arg10[%add3A_4, %dma_wait3A_263] : memref<10000x144xf32, #tpu.memory_space<vmem_shared>> -> memref<125x144xf32, #tpu.memory_space<vmem_shared>>
      %dma_wait3A_265 = arith.constant 0 : i32
      %dma_wait3A_266 = tpu.memref_slice %arg10[%add3A_4, %dma_wait3A_265] : memref<10000x144xf32, #tpu.memory_space<vmem_shared>> -> memref<125x144xf32, #tpu.memory_space<vmem_shared>>
      %dma_wait3A_267 = arith.constant 0 : i32
      %dma_wait3A_268 = arith.constant 0 : i32
      %dma_wait3A_269 = tpu.memref_slice %arg9[%run_scoped3A_5, %dma_wait3A_267, %dma_wait3A_268] : memref<2x125x144xf32, #tpu.memory_space<vmem>> -> memref<1x125x144xf32, #tpu.memory_space<vmem>>
      %dma_wait3A_270 = tpu.memref_squeeze %dma_wait3A_269 : memref<1x125x144xf32, #tpu.memory_space<vmem>> -> memref<125x144xf32, #tpu.memory_space<vmem>>
      tpu.wait_dma2 semaphore(%run_scoped3A_246 : memref<!tpu.dma_semaphore, #tpu.memory_space<semaphore_mem>>) src(%dma_wait3A_270 : memref<125x144xf32, #tpu.memory_space<vmem>>) dst(%dma_wait3A_266 : memref<125x144xf32, #tpu.memory_space<vmem_shared>>)
      tpu.yield
    }) : () -> ()
    %mul3A_6 = arith.constant 625 : i32
    %mul3A_7 = arith.muli %arg1, %mul3A_6 : i32
    %add3A_8 = arith.constant 125 : i32
    %add3A_9 = arith.addi %mul3A_7, %add3A_8 : i32
    %run_scoped3A_10 = arith.constant 0 : i32
    "tpu.region"() ({
      %run_scoped3A_246 = tpu.sem_alloc : memref<!tpu.dma_semaphore, #tpu.memory_space<semaphore_mem>>
      %dma_start3A_247 = arith.constant 0 : i32
      %dma_start3A_248 = arith.constant 0 : i32
      %dma_start3A_249 = tpu.memref_slice %arg9[%run_scoped3A_10, %dma_start3A_247, %dma_start3A_248] : memref<2x125x144xf32, #tpu.memory_space<vmem>> -> memref<1x125x144xf32, #tpu.memory_space<vmem>>
      %dma_start3A_250 = tpu.memref_squeeze %dma_start3A_249 : memref<1x125x144xf32, #tpu.memory_space<vmem>> -> memref<125x144xf32, #tpu.memory_space<vmem>>
      %dma_start3A_251 = arith.constant 0 : i32
      %dma_start3A_252 = tpu.memref_slice %arg10[%add3A_9, %dma_start3A_251] : memref<10000x144xf32, #tpu.memory_space<vmem_shared>> -> memref<125x144xf32, #tpu.memory_space<vmem_shared>>
      %dma_start3A_253 = arith.constant 0 : i32
      %dma_start3A_254 = tpu.memref_slice %arg10[%add3A_9, %dma_start3A_253] : memref<10000x144xf32, #tpu.memory_space<vmem_shared>> -> memref<125x144xf32, #tpu.memory_space<vmem_shared>>
      %dma_start3A_255 = arith.constant 0 : i32
      %dma_start3A_256 = arith.constant 0 : i32
      %dma_start3A_257 = tpu.memref_slice %arg9[%run_scoped3A_10, %dma_start3A_255, %dma_start3A_256] : memref<2x125x144xf32, #tpu.memory_space<vmem>> -> memref<1x125x144xf32, #tpu.memory_space<vmem>>
      %dma_start3A_258 = tpu.memref_squeeze %dma_start3A_257 : memref<1x125x144xf32, #tpu.memory_space<vmem>> -> memref<125x144xf32, #tpu.memory_space<vmem>>
      tpu.enqueue_dma source(%dma_start3A_258 : memref<125x144xf32, #tpu.memory_space<vmem>>) target(%dma_start3A_254 : memref<125x144xf32, #tpu.memory_space<vmem_shared>>) target_semaphore(%run_scoped3A_246 : memref<!tpu.dma_semaphore, #tpu.memory_space<semaphore_mem>>)
      %dma_wait3A_259 = arith.constant 0 : i32
      %dma_wait3A_260 = arith.constant 0 : i32
      %dma_wait3A_261 = tpu.memref_slice %arg9[%run_scoped3A_10, %dma_wait3A_259, %dma_wait3A_260] : memref<2x125x144xf32, #tpu.memory_space<vmem>> -> memref<1x125x144xf32, #tpu.memory_space<vmem>>
      %dma_wait3A_262 = tpu.memref_squeeze %dma_wait3A_261 : memref<1x125x144xf32, #tpu.memory_space<vmem>> -> memref<125x144xf32, #tpu.memory_space<vmem>>
      %dma_wait3A_263 = arith.constant 0 : i32
      %dma_wait3A_264 = tpu.memref_slice %arg10[%add3A_9, %dma_wait3A_263] : memref<10000x144xf32, #tpu.memory_space<vmem_shared>> -> memref<125x144xf32, #tpu.memory_space<vmem_shared>>
      %dma_wait3A_265 = arith.constant 0 : i32
      %dma_wait3A_266 = tpu.memref_slice %arg10[%add3A_9, %dma_wait3A_265] : memref<10000x144xf32, #tpu.memory_space<vmem_shared>> -> memref<125x144xf32, #tpu.memory_space<vmem_shared>>
      %dma_wait3A_267 = arith.constant 0 : i32
      %dma_wait3A_268 = arith.constant 0 : i32
      %dma_wait3A_269 = tpu.memref_slice %arg9[%run_scoped3A_10, %dma_wait3A_267, %dma_wait3A_268] : memref<2x125x144xf32, #tpu.memory_space<vmem>> -> memref<1x125x144xf32, #tpu.memory_space<vmem>>
      %dma_wait3A_270 = tpu.memref_squeeze %dma_wait3A_269 : memref<1x125x144xf32, #tpu.memory_space<vmem>> -> memref<125x144xf32, #tpu.memory_space<vmem>>
      tpu.wait_dma2 semaphore(%run_scoped3A_246 : memref<!tpu.dma_semaphore, #tpu.memory_space<semaphore_mem>>) src(%dma_wait3A_270 : memref<125x144xf32, #tpu.memory_space<vmem>>) dst(%dma_wait3A_266 : memref<125x144xf32, #tpu.memory_space<vmem_shared>>)
      tpu.yield
    }) : () -> ()
    %mul3A_11 = arith.constant 625 : i32
    %mul3A_12 = arith.muli %arg1, %mul3A_11 : i32
    %add3A_13 = arith.constant 250 : i32
    %add3A_14 = arith.addi %mul3A_12, %add3A_13 : i32
    %run_scoped3A_15 = arith.constant 0 : i32
    "tpu.region"() ({
      %run_scoped3A_246 = tpu.sem_alloc : memref<!tpu.dma_semaphore, #tpu.memory_space<semaphore_mem>>
      %dma_start3A_247 = arith.constant 0 : i32
      %dma_start3A_248 = arith.constant 0 : i32
      %dma_start3A_249 = tpu.memref_slice %arg9[%run_scoped3A_15, %dma_start3A_247, %dma_start3A_248] : memref<2x125x144xf32, #tpu.memory_space<vmem>> -> memref<1x125x144xf32, #tpu.memory_space<vmem>>
      %dma_start3A_250 = tpu.memref_squeeze %dma_start3A_249 : memref<1x125x144xf32, #tpu.memory_space<vmem>> -> memref<125x144xf32, #tpu.memory_space<vmem>>
      %dma_start3A_251 = arith.constant 0 : i32
      %dma_start3A_252 = tpu.memref_slice %arg10[%add3A_14, %dma_start3A_251] : memref<10000x144xf32, #tpu.memory_space<vmem_shared>> -> memref<125x144xf32, #tpu.memory_space<vmem_shared>>
      %dma_start3A_253 = arith.constant 0 : i32
      %dma_start3A_254 = tpu.memref_slice %arg10[%add3A_14, %dma_start3A_253] : memref<10000x144xf32, #tpu.memory_space<vmem_shared>> -> memref<125x144xf32, #tpu.memory_space<vmem_shared>>
      %dma_start3A_255 = arith.constant 0 : i32
      %dma_start3A_256 = arith.constant 0 : i32
      %dma_start3A_257 = tpu.memref_slice %arg9[%run_scoped3A_15, %dma_start3A_255, %dma_start3A_256] : memref<2x125x144xf32, #tpu.memory_space<vmem>> -> memref<1x125x144xf32, #tpu.memory_space<vmem>>
      %dma_start3A_258 = tpu.memref_squeeze %dma_start3A_257 : memref<1x125x144xf32, #tpu.memory_space<vmem>> -> memref<125x144xf32, #tpu.memory_space<vmem>>
      tpu.enqueue_dma source(%dma_start3A_258 : memref<125x144xf32, #tpu.memory_space<vmem>>) target(%dma_start3A_254 : memref<125x144xf32, #tpu.memory_space<vmem_shared>>) target_semaphore(%run_scoped3A_246 : memref<!tpu.dma_semaphore, #tpu.memory_space<semaphore_mem>>)
      %dma_wait3A_259 = arith.constant 0 : i32
      %dma_wait3A_260 = arith.constant 0 : i32
      %dma_wait3A_261 = tpu.memref_slice %arg9[%run_scoped3A_15, %dma_wait3A_259, %dma_wait3A_260] : memref<2x125x144xf32, #tpu.memory_space<vmem>> -> memref<1x125x144xf32, #tpu.memory_space<vmem>>
      %dma_wait3A_262 = tpu.memref_squeeze %dma_wait3A_261 : memref<1x125x144xf32, #tpu.memory_space<vmem>> -> memref<125x144xf32, #tpu.memory_space<vmem>>
      %dma_wait3A_263 = arith.constant 0 : i32
      %dma_wait3A_264 = tpu.memref_slice %arg10[%add3A_14, %dma_wait3A_263] : memref<10000x144xf32, #tpu.memory_space<vmem_shared>> -> memref<125x144xf32, #tpu.memory_space<vmem_shared>>
      %dma_wait3A_265 = arith.constant 0 : i32
      %dma_wait3A_266 = tpu.memref_slice %arg10[%add3A_14, %dma_wait3A_265] : memref<10000x144xf32, #tpu.memory_space<vmem_shared>> -> memref<125x144xf32, #tpu.memory_space<vmem_shared>>
      %dma_wait3A_267 = arith.constant 0 : i32
      %dma_wait3A_268 = arith.constant 0 : i32
      %dma_wait3A_269 = tpu.memref_slice %arg9[%run_scoped3A_15, %dma_wait3A_267, %dma_wait3A_268] : memref<2x125x144xf32, #tpu.memory_space<vmem>> -> memref<1x125x144xf32, #tpu.memory_space<vmem>>
      %dma_wait3A_270 = tpu.memref_squeeze %dma_wait3A_269 : memref<1x125x144xf32, #tpu.memory_space<vmem>> -> memref<125x144xf32, #tpu.memory_space<vmem>>
      tpu.wait_dma2 semaphore(%run_scoped3A_246 : memref<!tpu.dma_semaphore, #tpu.memory_space<semaphore_mem>>) src(%dma_wait3A_270 : memref<125x144xf32, #tpu.memory_space<vmem>>) dst(%dma_wait3A_266 : memref<125x144xf32, #tpu.memory_space<vmem_shared>>)
      tpu.yield
    }) : () -> ()
    %mul3A_16 = arith.constant 625 : i32
    %mul3A_17 = arith.muli %arg1, %mul3A_16 : i32
    %add3A_18 = arith.constant 375 : i32
    %add3A_19 = arith.addi %mul3A_17, %add3A_18 : i32
    %run_scoped3A_20 = arith.constant 0 : i32
    "tpu.region"() ({
      %run_scoped3A_246 = tpu.sem_alloc : memref<!tpu.dma_semaphore, #tpu.memory_space<semaphore_mem>>
      %dma_start3A_247 = arith.constant 0 : i32
      %dma_start3A_248 = arith.constant 0 : i32
      %dma_start3A_249 = tpu.memref_slice %arg9[%run_scoped3A_20, %dma_start3A_247, %dma_start3A_248] : memref<2x125x144xf32, #tpu.memory_space<vmem>> -> memref<1x125x144xf32, #tpu.memory_space<vmem>>
      %dma_start3A_250 = tpu.memref_squeeze %dma_start3A_249 : memref<1x125x144xf32, #tpu.memory_space<vmem>> -> memref<125x144xf32, #tpu.memory_space<vmem>>
      %dma_start3A_251 = arith.constant 0 : i32
      %dma_start3A_252 = tpu.memref_slice %arg10[%add3A_19, %dma_start3A_251] : memref<10000x144xf32, #tpu.memory_space<vmem_shared>> -> memref<125x144xf32, #tpu.memory_space<vmem_shared>>
      %dma_start3A_253 = arith.constant 0 : i32
      %dma_start3A_254 = tpu.memref_slice %arg10[%add3A_19, %dma_start3A_253] : memref<10000x144xf32, #tpu.memory_space<vmem_shared>> -> memref<125x144xf32, #tpu.memory_space<vmem_shared>>
      %dma_start3A_255 = arith.constant 0 : i32
      %dma_start3A_256 = arith.constant 0 : i32
      %dma_start3A_257 = tpu.memref_slice %arg9[%run_scoped3A_20, %dma_start3A_255, %dma_start3A_256] : memref<2x125x144xf32, #tpu.memory_space<vmem>> -> memref<1x125x144xf32, #tpu.memory_space<vmem>>
      %dma_start3A_258 = tpu.memref_squeeze %dma_start3A_257 : memref<1x125x144xf32, #tpu.memory_space<vmem>> -> memref<125x144xf32, #tpu.memory_space<vmem>>
      tpu.enqueue_dma source(%dma_start3A_258 : memref<125x144xf32, #tpu.memory_space<vmem>>) target(%dma_start3A_254 : memref<125x144xf32, #tpu.memory_space<vmem_shared>>) target_semaphore(%run_scoped3A_246 : memref<!tpu.dma_semaphore, #tpu.memory_space<semaphore_mem>>)
      %dma_wait3A_259 = arith.constant 0 : i32
      %dma_wait3A_260 = arith.constant 0 : i32
      %dma_wait3A_261 = tpu.memref_slice %arg9[%run_scoped3A_20, %dma_wait3A_259, %dma_wait3A_260] : memref<2x125x144xf32, #tpu.memory_space<vmem>> -> memref<1x125x144xf32, #tpu.memory_space<vmem>>
      %dma_wait3A_262 = tpu.memref_squeeze %dma_wait3A_261 : memref<1x125x144xf32, #tpu.memory_space<vmem>> -> memref<125x144xf32, #tpu.memory_space<vmem>>
      %dma_wait3A_263 = arith.constant 0 : i32
      %dma_wait3A_264 = tpu.memref_slice %arg10[%add3A_19, %dma_wait3A_263] : memref<10000x144xf32, #tpu.memory_space<vmem_shared>> -> memref<125x144xf32, #tpu.memory_space<vmem_shared>>
      %dma_wait3A_265 = arith.constant 0 : i32
      %dma_wait3A_266 = tpu.memref_slice %arg10[%add3A_19, %dma_wait3A_265] : memref<10000x144xf32, #tpu.memory_space<vmem_shared>> -> memref<125x144xf32, #tpu.memory_space<vmem_shared>>
      %dma_wait3A_267 = arith.constant 0 : i32
      %dma_wait3A_268 = arith.constant 0 : i32
      %dma_wait3A_269 = tpu.memref_slice %arg9[%run_scoped3A_20, %dma_wait3A_267, %dma_wait3A_268] : memref<2x125x144xf32, #tpu.memory_space<vmem>> -> memref<1x125x144xf32, #tpu.memory_space<vmem>>
      %dma_wait3A_270 = tpu.memref_squeeze %dma_wait3A_269 : memref<1x125x144xf32, #tpu.memory_space<vmem>> -> memref<125x144xf32, #tpu.memory_space<vmem>>
      tpu.wait_dma2 semaphore(%run_scoped3A_246 : memref<!tpu.dma_semaphore, #tpu.memory_space<semaphore_mem>>) src(%dma_wait3A_270 : memref<125x144xf32, #tpu.memory_space<vmem>>) dst(%dma_wait3A_266 : memref<125x144xf32, #tpu.memory_space<vmem_shared>>)
      tpu.yield
    }) : () -> ()
    %mul3A_21 = arith.constant 625 : i32
    %mul3A_22 = arith.muli %arg1, %mul3A_21 : i32
    %add3A_23 = arith.constant 500 : i32
    %add3A_24 = arith.addi %mul3A_22, %add3A_23 : i32
    %run_scoped3A_25 = arith.constant 0 : i32
    "tpu.region"() ({
      %run_scoped3A_246 = tpu.sem_alloc : memref<!tpu.dma_semaphore, #tpu.memory_space<semaphore_mem>>
      %dma_start3A_247 = arith.constant 0 : i32
      %dma_start3A_248 = arith.constant 0 : i32
      %dma_start3A_249 = tpu.memref_slice %arg9[%run_scoped3A_25, %dma_start3A_247, %dma_start3A_248] : memref<2x125x144xf32, #tpu.memory_space<vmem>> -> memref<1x125x144xf32, #tpu.memory_space<vmem>>
      %dma_start3A_250 = tpu.memref_squeeze %dma_start3A_249 : memref<1x125x144xf32, #tpu.memory_space<vmem>> -> memref<125x144xf32, #tpu.memory_space<vmem>>
      %dma_start3A_251 = arith.constant 0 : i32
      %dma_start3A_252 = tpu.memref_slice %arg10[%add3A_24, %dma_start3A_251] : memref<10000x144xf32, #tpu.memory_space<vmem_shared>> -> memref<125x144xf32, #tpu.memory_space<vmem_shared>>
      %dma_start3A_253 = arith.constant 0 : i32
      %dma_start3A_254 = tpu.memref_slice %arg10[%add3A_24, %dma_start3A_253] : memref<10000x144xf32, #tpu.memory_space<vmem_shared>> -> memref<125x144xf32, #tpu.memory_space<vmem_shared>>
      %dma_start3A_255 = arith.constant 0 : i32
      %dma_start3A_256 = arith.constant 0 : i32
      %dma_start3A_257 = tpu.memref_slice %arg9[%run_scoped3A_25, %dma_start3A_255, %dma_start3A_256] : memref<2x125x144xf32, #tpu.memory_space<vmem>> -> memref<1x125x144xf32, #tpu.memory_space<vmem>>
      %dma_start3A_258 = tpu.memref_squeeze %dma_start3A_257 : memref<1x125x144xf32, #tpu.memory_space<vmem>> -> memref<125x144xf32, #tpu.memory_space<vmem>>
      tpu.enqueue_dma source(%dma_start3A_258 : memref<125x144xf32, #tpu.memory_space<vmem>>) target(%dma_start3A_254 : memref<125x144xf32, #tpu.memory_space<vmem_shared>>) target_semaphore(%run_scoped3A_246 : memref<!tpu.dma_semaphore, #tpu.memory_space<semaphore_mem>>)
      %dma_wait3A_259 = arith.constant 0 : i32
      %dma_wait3A_260 = arith.constant 0 : i32
      %dma_wait3A_261 = tpu.memref_slice %arg9[%run_scoped3A_25, %dma_wait3A_259, %dma_wait3A_260] : memref<2x125x144xf32, #tpu.memory_space<vmem>> -> memref<1x125x144xf32, #tpu.memory_space<vmem>>
      %dma_wait3A_262 = tpu.memref_squeeze %dma_wait3A_261 : memref<1x125x144xf32, #tpu.memory_space<vmem>> -> memref<125x144xf32, #tpu.memory_space<vmem>>
      %dma_wait3A_263 = arith.constant 0 : i32
      %dma_wait3A_264 = tpu.memref_slice %arg10[%add3A_24, %dma_wait3A_263] : memref<10000x144xf32, #tpu.memory_space<vmem_shared>> -> memref<125x144xf32, #tpu.memory_space<vmem_shared>>
      %dma_wait3A_265 = arith.constant 0 : i32
      %dma_wait3A_266 = tpu.memref_slice %arg10[%add3A_24, %dma_wait3A_265] : memref<10000x144xf32, #tpu.memory_space<vmem_shared>> -> memref<125x144xf32, #tpu.memory_space<vmem_shared>>
      %dma_wait3A_267 = arith.constant 0 : i32
      %dma_wait3A_268 = arith.constant 0 : i32
      %dma_wait3A_269 = tpu.memref_slice %arg9[%run_scoped3A_25, %dma_wait3A_267, %dma_wait3A_268] : memref<2x125x144xf32, #tpu.memory_space<vmem>> -> memref<1x125x144xf32, #tpu.memory_space<vmem>>
      %dma_wait3A_270 = tpu.memref_squeeze %dma_wait3A_269 : memref<1x125x144xf32, #tpu.memory_space<vmem>> -> memref<125x144xf32, #tpu.memory_space<vmem>>
      tpu.wait_dma2 semaphore(%run_scoped3A_246 : memref<!tpu.dma_semaphore, #tpu.memory_space<semaphore_mem>>) src(%dma_wait3A_270 : memref<125x144xf32, #tpu.memory_space<vmem>>) dst(%dma_wait3A_266 : memref<125x144xf32, #tpu.memory_space<vmem_shared>>)
      tpu.yield
    }) : () -> ()
    %rem3A = arith.constant 0 : i32
    %rem3A_26 = arith.constant 4 : i32
    %rem3A_27 = arith.remsi %rem3A, %rem3A_26 : i32
    %mul3A_28 = arith.constant 80 : i32
    %mul3A_29 = arith.muli %add3A, %mul3A_28 : i32
    %add3A_30 = arith.constant 0 : i32
    %add3A_31 = arith.addi %mul3A_29, %add3A_30 : i32
    %dma_start3A = arith.constant 0 : i32
    %dma_start3A_32 = tpu.memref_slice %arg7[%rem3A_27, %dma_start3A] : memref<4x125xi32, #tpu.memory_space<vmem>> -> memref<1x125xi32, #tpu.memory_space<vmem>>
    %dma_start3A_33 = tpu.memref_squeeze %dma_start3A_32 : memref<1x125xi32, #tpu.memory_space<vmem>> -> memref<125xi32, #tpu.memory_space<vmem>>
    %dma_start3A_34 = arith.constant 0 : i32
    %dma_start3A_35 = tpu.memref_slice %arg3[%add3A_31, %dma_start3A_34] : memref<2560x125xi32, #tpu.memory_space<hbm>> -> memref<1x125xi32, #tpu.memory_space<hbm>>
    %dma_start3A_36 = tpu.memref_squeeze %dma_start3A_35 : memref<1x125xi32, #tpu.memory_space<hbm>> -> memref<125xi32, #tpu.memory_space<hbm>>
    %dma_start3A_37 = tpu.memref_slice %arg13[%rem3A_27] : memref<4x!tpu.dma_semaphore, #tpu.memory_space<semaphore_mem>> -> memref<1x!tpu.dma_semaphore, #tpu.memory_space<semaphore_mem>>
    %dma_start3A_38 = tpu.memref_squeeze %dma_start3A_37 : memref<1x!tpu.dma_semaphore, #tpu.memory_space<semaphore_mem>> -> memref<!tpu.dma_semaphore, #tpu.memory_space<semaphore_mem>>
    %dma_start3A_39 = arith.constant 0 : i32
    %dma_start3A_40 = tpu.memref_slice %arg7[%rem3A_27, %dma_start3A_39] : memref<4x125xi32, #tpu.memory_space<vmem>> -> memref<1x125xi32, #tpu.memory_space<vmem>>
    %dma_start3A_41 = tpu.memref_squeeze %dma_start3A_40 : memref<1x125xi32, #tpu.memory_space<vmem>> -> memref<125xi32, #tpu.memory_space<vmem>>
    %dma_start3A_42 = arith.constant 0 : i32
    %dma_start3A_43 = tpu.memref_slice %arg3[%add3A_31, %dma_start3A_42] : memref<2560x125xi32, #tpu.memory_space<hbm>> -> memref<1x125xi32, #tpu.memory_space<hbm>>
    %dma_start3A_44 = tpu.memref_squeeze %dma_start3A_43 : memref<1x125xi32, #tpu.memory_space<hbm>> -> memref<125xi32, #tpu.memory_space<hbm>>
    tpu.enqueue_dma source(%dma_start3A_44 : memref<125xi32, #tpu.memory_space<hbm>>) target(%dma_start3A_41 : memref<125xi32, #tpu.memory_space<vmem>>) target_semaphore(%dma_start3A_38 : memref<!tpu.dma_semaphore, #tpu.memory_space<semaphore_mem>>)
    %mul3A_45 = arith.constant 80 : i32
    %mul3A_46 = arith.muli %add3A, %mul3A_45 : i32
    %add3A_47 = arith.constant 0 : i32
    %add3A_48 = arith.addi %mul3A_46, %add3A_47 : i32
    %dma_start3A_49 = arith.constant 0 : i32
    %dma_start3A_50 = tpu.memref_slice %arg8[%rem3A_27, %dma_start3A_49] : memref<4x125xi32, #tpu.memory_space<vmem>> -> memref<1x125xi32, #tpu.memory_space<vmem>>
    %dma_start3A_51 = tpu.memref_squeeze %dma_start3A_50 : memref<1x125xi32, #tpu.memory_space<vmem>> -> memref<125xi32, #tpu.memory_space<vmem>>
    %dma_start3A_52 = arith.constant 0 : i32
    %dma_start3A_53 = tpu.memref_slice %arg4[%add3A_48, %dma_start3A_52] : memref<2560x125xi32, #tpu.memory_space<hbm>> -> memref<1x125xi32, #tpu.memory_space<hbm>>
    %dma_start3A_54 = tpu.memref_squeeze %dma_start3A_53 : memref<1x125xi32, #tpu.memory_space<hbm>> -> memref<125xi32, #tpu.memory_space<hbm>>
    %dma_start3A_55 = tpu.memref_slice %arg13[%rem3A_27] : memref<4x!tpu.dma_semaphore, #tpu.memory_space<semaphore_mem>> -> memref<1x!tpu.dma_semaphore, #tpu.memory_space<semaphore_mem>>
    %dma_start3A_56 = tpu.memref_squeeze %dma_start3A_55 : memref<1x!tpu.dma_semaphore, #tpu.memory_space<semaphore_mem>> -> memref<!tpu.dma_semaphore, #tpu.memory_space<semaphore_mem>>
    %dma_start3A_57 = arith.constant 0 : i32
    %dma_start3A_58 = tpu.memref_slice %arg8[%rem3A_27, %dma_start3A_57] : memref<4x125xi32, #tpu.memory_space<vmem>> -> memref<1x125xi32, #tpu.memory_space<vmem>>
    %dma_start3A_59 = tpu.memref_squeeze %dma_start3A_58 : memref<1x125xi32, #tpu.memory_space<vmem>> -> memref<125xi32, #tpu.memory_space<vmem>>
    %dma_start3A_60 = arith.constant 0 : i32
    %dma_start3A_61 = tpu.memref_slice %arg4[%add3A_48, %dma_start3A_60] : memref<2560x125xi32, #tpu.memory_space<hbm>> -> memref<1x125xi32, #tpu.memory_space<hbm>>
    %dma_start3A_62 = tpu.memref_squeeze %dma_start3A_61 : memref<1x125xi32, #tpu.memory_space<hbm>> -> memref<125xi32, #tpu.memory_space<hbm>>
    tpu.enqueue_dma source(%dma_start3A_62 : memref<125xi32, #tpu.memory_space<hbm>>) target(%dma_start3A_59 : memref<125xi32, #tpu.memory_space<vmem>>) target_semaphore(%dma_start3A_56 : memref<!tpu.dma_semaphore, #tpu.memory_space<semaphore_mem>>)
    %rem3A_63 = arith.constant 0 : i32
    %rem3A_64 = arith.constant 4 : i32
    %rem3A_65 = arith.remsi %rem3A_63, %rem3A_64 : i32
    %mul3A_66 = arith.constant 80 : i32
    %mul3A_67 = arith.muli %add3A, %mul3A_66 : i32
    %add3A_68 = arith.constant 0 : i32
    %add3A_69 = arith.addi %mul3A_67, %add3A_68 : i32
    %mul3A_70 = arith.constant 80 : i32
    %mul3A_71 = arith.muli %add3A, %mul3A_70 : i32
    %add3A_72 = arith.constant 0 : i32
    %add3A_73 = arith.addi %mul3A_71, %add3A_72 : i32
    %dma_wait3A = arith.constant 0 : i32
    %dma_wait3A_74 = tpu.memref_slice %arg7[%rem3A_65, %dma_wait3A] : memref<4x125xi32, #tpu.memory_space<vmem>> -> memref<1x125xi32, #tpu.memory_space<vmem>>
    %dma_wait3A_75 = tpu.memref_squeeze %dma_wait3A_74 : memref<1x125xi32, #tpu.memory_space<vmem>> -> memref<125xi32, #tpu.memory_space<vmem>>
    %dma_wait3A_76 = arith.constant 0 : i32
    %dma_wait3A_77 = tpu.memref_slice %arg3[%add3A_69, %dma_wait3A_76] : memref<2560x125xi32, #tpu.memory_space<hbm>> -> memref<1x125xi32, #tpu.memory_space<hbm>>
    %dma_wait3A_78 = tpu.memref_squeeze %dma_wait3A_77 : memref<1x125xi32, #tpu.memory_space<hbm>> -> memref<125xi32, #tpu.memory_space<hbm>>
    %dma_wait3A_79 = tpu.memref_slice %arg13[%rem3A_65] : memref<4x!tpu.dma_semaphore, #tpu.memory_space<semaphore_mem>> -> memref<1x!tpu.dma_semaphore, #tpu.memory_space<semaphore_mem>>
    %dma_wait3A_80 = tpu.memref_squeeze %dma_wait3A_79 : memref<1x!tpu.dma_semaphore, #tpu.memory_space<semaphore_mem>> -> memref<!tpu.dma_semaphore, #tpu.memory_space<semaphore_mem>>
    %dma_wait3A_81 = arith.constant 0 : i32
    %dma_wait3A_82 = tpu.memref_slice %arg7[%rem3A_65, %dma_wait3A_81] : memref<4x125xi32, #tpu.memory_space<vmem>> -> memref<1x125xi32, #tpu.memory_space<vmem>>
    %dma_wait3A_83 = tpu.memref_squeeze %dma_wait3A_82 : memref<1x125xi32, #tpu.memory_space<vmem>> -> memref<125xi32, #tpu.memory_space<vmem>>
    %dma_wait3A_84 = arith.constant 0 : i32
    %dma_wait3A_85 = tpu.memref_slice %arg3[%add3A_69, %dma_wait3A_84] : memref<2560x125xi32, #tpu.memory_space<hbm>> -> memref<1x125xi32, #tpu.memory_space<hbm>>
    %dma_wait3A_86 = tpu.memref_squeeze %dma_wait3A_85 : memref<1x125xi32, #tpu.memory_space<hbm>> -> memref<125xi32, #tpu.memory_space<hbm>>
    tpu.wait_dma2 semaphore(%dma_wait3A_80 : memref<!tpu.dma_semaphore, #tpu.memory_space<semaphore_mem>>) src(%dma_wait3A_86 : memref<125xi32, #tpu.memory_space<hbm>>) dst(%dma_wait3A_83 : memref<125xi32, #tpu.memory_space<vmem>>)
    %dma_wait3A_87 = arith.constant 0 : i32
    %dma_wait3A_88 = tpu.memref_slice %arg8[%rem3A_65, %dma_wait3A_87] : memref<4x125xi32, #tpu.memory_space<vmem>> -> memref<1x125xi32, #tpu.memory_space<vmem>>
    %dma_wait3A_89 = tpu.memref_squeeze %dma_wait3A_88 : memref<1x125xi32, #tpu.memory_space<vmem>> -> memref<125xi32, #tpu.memory_space<vmem>>
    %dma_wait3A_90 = arith.constant 0 : i32
    %dma_wait3A_91 = tpu.memref_slice %arg4[%add3A_73, %dma_wait3A_90] : memref<2560x125xi32, #tpu.memory_space<hbm>> -> memref<1x125xi32, #tpu.memory_space<hbm>>
    %dma_wait3A_92 = tpu.memref_squeeze %dma_wait3A_91 : memref<1x125xi32, #tpu.memory_space<hbm>> -> memref<125xi32, #tpu.memory_space<hbm>>
    %dma_wait3A_93 = tpu.memref_slice %arg13[%rem3A_65] : memref<4x!tpu.dma_semaphore, #tpu.memory_space<semaphore_mem>> -> memref<1x!tpu.dma_semaphore, #tpu.memory_space<semaphore_mem>>
    %dma_wait3A_94 = tpu.memref_squeeze %dma_wait3A_93 : memref<1x!tpu.dma_semaphore, #tpu.memory_space<semaphore_mem>> -> memref<!tpu.dma_semaphore, #tpu.memory_space<semaphore_mem>>
    %dma_wait3A_95 = arith.constant 0 : i32
    %dma_wait3A_96 = tpu.memref_slice %arg8[%rem3A_65, %dma_wait3A_95] : memref<4x125xi32, #tpu.memory_space<vmem>> -> memref<1x125xi32, #tpu.memory_space<vmem>>
    %dma_wait3A_97 = tpu.memref_squeeze %dma_wait3A_96 : memref<1x125xi32, #tpu.memory_space<vmem>> -> memref<125xi32, #tpu.memory_space<vmem>>
    %dma_wait3A_98 = arith.constant 0 : i32
    %dma_wait3A_99 = tpu.memref_slice %arg4[%add3A_73, %dma_wait3A_98] : memref<2560x125xi32, #tpu.memory_space<hbm>> -> memref<1x125xi32, #tpu.memory_space<hbm>>
    %dma_wait3A_100 = tpu.memref_squeeze %dma_wait3A_99 : memref<1x125xi32, #tpu.memory_space<hbm>> -> memref<125xi32, #tpu.memory_space<hbm>>
    tpu.wait_dma2 semaphore(%dma_wait3A_94 : memref<!tpu.dma_semaphore, #tpu.memory_space<semaphore_mem>>) src(%dma_wait3A_100 : memref<125xi32, #tpu.memory_space<hbm>>) dst(%dma_wait3A_97 : memref<125xi32, #tpu.memory_space<vmem>>)
    %rem3A_101 = arith.constant 1 : i32
    %rem3A_102 = arith.constant 4 : i32
    %rem3A_103 = arith.remsi %rem3A_101, %rem3A_102 : i32
    %mul3A_104 = arith.constant 80 : i32
    %mul3A_105 = arith.muli %add3A, %mul3A_104 : i32
    %add3A_106 = arith.constant 1 : i32
    %add3A_107 = arith.addi %mul3A_105, %add3A_106 : i32
    %dma_start3A_108 = arith.constant 0 : i32
    %dma_start3A_109 = tpu.memref_slice %arg7[%rem3A_103, %dma_start3A_108] : memref<4x125xi32, #tpu.memory_space<vmem>> -> memref<1x125xi32, #tpu.memory_space<vmem>>
    %dma_start3A_110 = tpu.memref_squeeze %dma_start3A_109 : memref<1x125xi32, #tpu.memory_space<vmem>> -> memref<125xi32, #tpu.memory_space<vmem>>
    %dma_start3A_111 = arith.constant 0 : i32
    %dma_start3A_112 = tpu.memref_slice %arg3[%add3A_107, %dma_start3A_111] : memref<2560x125xi32, #tpu.memory_space<hbm>> -> memref<1x125xi32, #tpu.memory_space<hbm>>
    %dma_start3A_113 = tpu.memref_squeeze %dma_start3A_112 : memref<1x125xi32, #tpu.memory_space<hbm>> -> memref<125xi32, #tpu.memory_space<hbm>>
    %dma_start3A_114 = tpu.memref_slice %arg13[%rem3A_103] : memref<4x!tpu.dma_semaphore, #tpu.memory_space<semaphore_mem>> -> memref<1x!tpu.dma_semaphore, #tpu.memory_space<semaphore_mem>>
    %dma_start3A_115 = tpu.memref_squeeze %dma_start3A_114 : memref<1x!tpu.dma_semaphore, #tpu.memory_space<semaphore_mem>> -> memref<!tpu.dma_semaphore, #tpu.memory_space<semaphore_mem>>
    %dma_start3A_116 = arith.constant 0 : i32
    %dma_start3A_117 = tpu.memref_slice %arg7[%rem3A_103, %dma_start3A_116] : memref<4x125xi32, #tpu.memory_space<vmem>> -> memref<1x125xi32, #tpu.memory_space<vmem>>
    %dma_start3A_118 = tpu.memref_squeeze %dma_start3A_117 : memref<1x125xi32, #tpu.memory_space<vmem>> -> memref<125xi32, #tpu.memory_space<vmem>>
    %dma_start3A_119 = arith.constant 0 : i32
    %dma_start3A_120 = tpu.memref_slice %arg3[%add3A_107, %dma_start3A_119] : memref<2560x125xi32, #tpu.memory_space<hbm>> -> memref<1x125xi32, #tpu.memory_space<hbm>>
    %dma_start3A_121 = tpu.memref_squeeze %dma_start3A_120 : memref<1x125xi32, #tpu.memory_space<hbm>> -> memref<125xi32, #tpu.memory_space<hbm>>
    tpu.enqueue_dma source(%dma_start3A_121 : memref<125xi32, #tpu.memory_space<hbm>>) target(%dma_start3A_118 : memref<125xi32, #tpu.memory_space<vmem>>) target_semaphore(%dma_start3A_115 : memref<!tpu.dma_semaphore, #tpu.memory_space<semaphore_mem>>)
    %mul3A_122 = arith.constant 80 : i32
    %mul3A_123 = arith.muli %add3A, %mul3A_122 : i32
    %add3A_124 = arith.constant 1 : i32
    %add3A_125 = arith.addi %mul3A_123, %add3A_124 : i32
    %dma_start3A_126 = arith.constant 0 : i32
    %dma_start3A_127 = tpu.memref_slice %arg8[%rem3A_103, %dma_start3A_126] : memref<4x125xi32, #tpu.memory_space<vmem>> -> memref<1x125xi32, #tpu.memory_space<vmem>>
    %dma_start3A_128 = tpu.memref_squeeze %dma_start3A_127 : memref<1x125xi32, #tpu.memory_space<vmem>> -> memref<125xi32, #tpu.memory_space<vmem>>
    %dma_start3A_129 = arith.constant 0 : i32
    %dma_start3A_130 = tpu.memref_slice %arg4[%add3A_125, %dma_start3A_129] : memref<2560x125xi32, #tpu.memory_space<hbm>> -> memref<1x125xi32, #tpu.memory_space<hbm>>
    %dma_start3A_131 = tpu.memref_squeeze %dma_start3A_130 : memref<1x125xi32, #tpu.memory_space<hbm>> -> memref<125xi32, #tpu.memory_space<hbm>>
    %dma_start3A_132 = tpu.memref_slice %arg13[%rem3A_103] : memref<4x!tpu.dma_semaphore, #tpu.memory_space<semaphore_mem>> -> memref<1x!tpu.dma_semaphore, #tpu.memory_space<semaphore_mem>>
    %dma_start3A_133 = tpu.memref_squeeze %dma_start3A_132 : memref<1x!tpu.dma_semaphore, #tpu.memory_space<semaphore_mem>> -> memref<!tpu.dma_semaphore, #tpu.memory_space<semaphore_mem>>
    %dma_start3A_134 = arith.constant 0 : i32
    %dma_start3A_135 = tpu.memref_slice %arg8[%rem3A_103, %dma_start3A_134] : memref<4x125xi32, #tpu.memory_space<vmem>> -> memref<1x125xi32, #tpu.memory_space<vmem>>
    %dma_start3A_136 = tpu.memref_squeeze %dma_start3A_135 : memref<1x125xi32, #tpu.memory_space<vmem>> -> memref<125xi32, #tpu.memory_space<vmem>>
    %dma_start3A_137 = arith.constant 0 : i32
    %dma_start3A_138 = tpu.memref_slice %arg4[%add3A_125, %dma_start3A_137] : memref<2560x125xi32, #tpu.memory_space<hbm>> -> memref<1x125xi32, #tpu.memory_space<hbm>>
    %dma_start3A_139 = tpu.memref_squeeze %dma_start3A_138 : memref<1x125xi32, #tpu.memory_space<hbm>> -> memref<125xi32, #tpu.memory_space<hbm>>
    tpu.enqueue_dma source(%dma_start3A_139 : memref<125xi32, #tpu.memory_space<hbm>>) target(%dma_start3A_136 : memref<125xi32, #tpu.memory_space<vmem>>) target_semaphore(%dma_start3A_133 : memref<!tpu.dma_semaphore, #tpu.memory_space<semaphore_mem>>)
    %barrier3A = arith.constant 0 : index
    tpu.barrier barrier_id(%barrier3A)
    %rem3A_140 = arith.constant 0 : i32
    %rem3A_141 = arith.constant 4 : i32
    %rem3A_142 = arith.remsi %rem3A_140, %rem3A_141 : i32
    %dma_start3A_143 = arith.constant 0 : i32
    %dma_start3A_144 = arith.constant 0 : i32
    %dma_start3A_145 = arith.constant 0 : i32
    %dma_start3A_146 = arith.constant 0 : i32
    %dma_start3A_147 = tpu.memref_slice %arg9[%dma_start3A_143, %dma_start3A_145, %dma_start3A_146] : memref<2x125x144xf32, #tpu.memory_space<vmem>> -> memref<1x125x144xf32, #tpu.memory_space<vmem>>
    %dma_start3A_148 = tpu.memref_squeeze %dma_start3A_147 : memref<1x125x144xf32, #tpu.memory_space<vmem>> -> memref<125x144xf32, #tpu.memory_space<vmem>>
    %dma_start3A_149 = arith.constant 0 : i32
    %dma_start3A_150 = tpu.memref_slice %arg7[%rem3A_142, %dma_start3A_149] : memref<4x125xi32, #tpu.memory_space<vmem>> -> memref<1x125xi32, #tpu.memory_space<vmem>>
    %dma_start3A_151 = tpu.memref_squeeze %dma_start3A_150 : memref<1x125xi32, #tpu.memory_space<vmem>> -> memref<125xi32, #tpu.memory_space<vmem>>
    %dma_start3A_152 = arith.constant 0 : i32
    %dma_start3A_153 = arith.constant 0 : i32
    %dma_start3A_154 = tpu.memref_slice %arg2[%dma_start3A_152, %dma_start3A_153] : memref<10000x144xf32, #tpu.memory_space<hbm>> -> memref<10000x144xf32, #tpu.memory_space<hbm>>
    %dma_start3A_155 = tpu.memref_slice %arg11[%dma_start3A_144] : memref<2x!tpu.dma_semaphore, #tpu.memory_space<semaphore_mem>> -> memref<1x!tpu.dma_semaphore, #tpu.memory_space<semaphore_mem>>
    %dma_start3A_156 = tpu.memref_squeeze %dma_start3A_155 : memref<1x!tpu.dma_semaphore, #tpu.memory_space<semaphore_mem>> -> memref<!tpu.dma_semaphore, #tpu.memory_space<semaphore_mem>>
    tpu.enqueue_indirect_dma source(%dma_start3A_154 : memref<10000x144xf32, #tpu.memory_space<hbm>>) target(%dma_start3A_148 : memref<125x144xf32, #tpu.memory_space<vmem>>) offsets(%dma_start3A_151 : memref<125xi32, #tpu.memory_space<vmem>>) semaphore(%dma_start3A_156 : memref<!tpu.dma_semaphore, #tpu.memory_space<semaphore_mem>>)
    %scan3A = arith.constant 0 : i32
    %scan3A_157 = arith.constant 80 : i32
    %scan3A_158 = arith.addi %scan3A, %scan3A_157 : i32
    %scan3A_159 = arith.constant 1 : i32
    scf.for %scan3A_246 = %scan3A to %scan3A_158 step %scan3A_159  : i32 {
      %mul3A_247 = arith.constant 1 : i32
      %mul3A_248 = arith.muli %scan3A_246, %mul3A_247 : i32
      %add3A_249 = arith.constant 0 : i32
      %add3A_250 = arith.addi %add3A_249, %mul3A_248 : i32
      %rem3A_251 = arith.constant 2 : i32
      %rem3A_252 = arith.remsi %add3A_250, %rem3A_251 : i32
      %sub3A = arith.constant 1 : i32
      %sub3A_253 = arith.subi %sub3A, %rem3A_252 : i32
      %add3A_254 = arith.constant 1 : i32
      %add3A_255 = arith.addi %add3A_250, %add3A_254 : i32
      %lt3A = arith.constant 80 : i32
      %lt3A_256 = arith.cmpi slt, %add3A_255, %lt3A : i32
      %convert_element_type3A = arith.extui %lt3A_256 : i1 to i32
      %cond3A = arith.constant 0 : i32
      %cond3A_257 = arith.cmpi ne, %convert_element_type3A, %cond3A : i32
      scf.if %cond3A_257 {
        %ge3A = arith.constant 1 : i32
        %ge3A_286 = arith.cmpi sge, %add3A_250, %ge3A : i32
        %convert_element_type3A_287 = arith.extui %ge3A_286 : i1 to i32
        %cond3A_288 = arith.constant 0 : i32
        %cond3A_289 = arith.cmpi ne, %convert_element_type3A_287, %cond3A_288 : i32
        scf.if %cond3A_289 {
          %sub3A_351 = arith.constant 1 : i32
          %sub3A_352 = arith.subi %add3A_250, %sub3A_351 : i32
          %rem3A_353 = arith.constant 4 : i32
          %rem3A_354 = arith.remsi %sub3A_352, %rem3A_353 : i32
          %dma_wait3A_355 = arith.constant 0 : i32
          %dma_wait3A_356 = arith.constant 0 : i32
          %dma_wait3A_357 = tpu.memref_slice %arg9[%sub3A_253, %dma_wait3A_355, %dma_wait3A_356] : memref<2x125x144xf32, #tpu.memory_space<vmem>> -> memref<1x125x144xf32, #tpu.memory_space<vmem>>
          %dma_wait3A_358 = tpu.memref_squeeze %dma_wait3A_357 : memref<1x125x144xf32, #tpu.memory_space<vmem>> -> memref<125x144xf32, #tpu.memory_space<vmem>>
          %dma_wait3A_359 = arith.constant 0 : i32
          %dma_wait3A_360 = tpu.memref_slice %arg8[%rem3A_354, %dma_wait3A_359] : memref<4x125xi32, #tpu.memory_space<vmem>> -> memref<1x125xi32, #tpu.memory_space<vmem>>
          %dma_wait3A_361 = tpu.memref_squeeze %dma_wait3A_360 : memref<1x125xi32, #tpu.memory_space<vmem>> -> memref<125xi32, #tpu.memory_space<vmem>>
          %dma_wait3A_362 = arith.constant 0 : i32
          %dma_wait3A_363 = arith.constant 0 : i32
          %dma_wait3A_364 = tpu.memref_slice %arg10[%dma_wait3A_362, %dma_wait3A_363] : memref<10000x144xf32, #tpu.memory_space<vmem_shared>> -> memref<10000x144xf32, #tpu.memory_space<vmem_shared>>
          %dma_wait3A_365 = tpu.memref_slice %arg12[%sub3A_253] : memref<2x!tpu.dma_semaphore, #tpu.memory_space<semaphore_mem>> -> memref<1x!tpu.dma_semaphore, #tpu.memory_space<semaphore_mem>>
          %dma_wait3A_366 = tpu.memref_squeeze %dma_wait3A_365 : memref<1x!tpu.dma_semaphore, #tpu.memory_space<semaphore_mem>> -> memref<!tpu.dma_semaphore, #tpu.memory_space<semaphore_mem>>
          tpu.wait_indirect_dma semaphore(%dma_wait3A_366 : memref<!tpu.dma_semaphore, #tpu.memory_space<semaphore_mem>>) src(%dma_wait3A_358 : memref<125x144xf32, #tpu.memory_space<vmem>>) dst(%dma_wait3A_364 : memref<10000x144xf32, #tpu.memory_space<vmem_shared>>)
        } else {
        }
        %add3A_290 = arith.constant 1 : i32
        %add3A_291 = arith.addi %add3A_250, %add3A_290 : i32
        %rem3A_292 = arith.constant 4 : i32
        %rem3A_293 = arith.remsi %add3A_291, %rem3A_292 : i32
        %mul3A_294 = arith.constant 80 : i32
        %mul3A_295 = arith.muli %add3A, %mul3A_294 : i32
        %add3A_296 = arith.addi %mul3A_295, %add3A_291 : i32
        %mul3A_297 = arith.constant 80 : i32
        %mul3A_298 = arith.muli %add3A, %mul3A_297 : i32
        %add3A_299 = arith.addi %mul3A_298, %add3A_291 : i32
        %dma_wait3A_300 = arith.constant 0 : i32
        %dma_wait3A_301 = tpu.memref_slice %arg7[%rem3A_293, %dma_wait3A_300] : memref<4x125xi32, #tpu.memory_space<vmem>> -> memref<1x125xi32, #tpu.memory_space<vmem>>
        %dma_wait3A_302 = tpu.memref_squeeze %dma_wait3A_301 : memref<1x125xi32, #tpu.memory_space<vmem>> -> memref<125xi32, #tpu.memory_space<vmem>>
        %dma_wait3A_303 = arith.constant 0 : i32
        %dma_wait3A_304 = tpu.memref_slice %arg3[%add3A_296, %dma_wait3A_303] : memref<2560x125xi32, #tpu.memory_space<hbm>> -> memref<1x125xi32, #tpu.memory_space<hbm>>
        %dma_wait3A_305 = tpu.memref_squeeze %dma_wait3A_304 : memref<1x125xi32, #tpu.memory_space<hbm>> -> memref<125xi32, #tpu.memory_space<hbm>>
        %dma_wait3A_306 = tpu.memref_slice %arg13[%rem3A_293] : memref<4x!tpu.dma_semaphore, #tpu.memory_space<semaphore_mem>> -> memref<1x!tpu.dma_semaphore, #tpu.memory_space<semaphore_mem>>
        %dma_wait3A_307 = tpu.memref_squeeze %dma_wait3A_306 : memref<1x!tpu.dma_semaphore, #tpu.memory_space<semaphore_mem>> -> memref<!tpu.dma_semaphore, #tpu.memory_space<semaphore_mem>>
        %dma_wait3A_308 = arith.constant 0 : i32
        %dma_wait3A_309 = tpu.memref_slice %arg7[%rem3A_293, %dma_wait3A_308] : memref<4x125xi32, #tpu.memory_space<vmem>> -> memref<1x125xi32, #tpu.memory_space<vmem>>
        %dma_wait3A_310 = tpu.memref_squeeze %dma_wait3A_309 : memref<1x125xi32, #tpu.memory_space<vmem>> -> memref<125xi32, #tpu.memory_space<vmem>>
        %dma_wait3A_311 = arith.constant 0 : i32
        %dma_wait3A_312 = tpu.memref_slice %arg3[%add3A_296, %dma_wait3A_311] : memref<2560x125xi32, #tpu.memory_space<hbm>> -> memref<1x125xi32, #tpu.memory_space<hbm>>
        %dma_wait3A_313 = tpu.memref_squeeze %dma_wait3A_312 : memref<1x125xi32, #tpu.memory_space<hbm>> -> memref<125xi32, #tpu.memory_space<hbm>>
        tpu.wait_dma2 semaphore(%dma_wait3A_307 : memref<!tpu.dma_semaphore, #tpu.memory_space<semaphore_mem>>) src(%dma_wait3A_313 : memref<125xi32, #tpu.memory_space<hbm>>) dst(%dma_wait3A_310 : memref<125xi32, #tpu.memory_space<vmem>>)
        %dma_wait3A_314 = arith.constant 0 : i32
        %dma_wait3A_315 = tpu.memref_slice %arg8[%rem3A_293, %dma_wait3A_314] : memref<4x125xi32, #tpu.memory_space<vmem>> -> memref<1x125xi32, #tpu.memory_space<vmem>>
        %dma_wait3A_316 = tpu.memref_squeeze %dma_wait3A_315 : memref<1x125xi32, #tpu.memory_space<vmem>> -> memref<125xi32, #tpu.memory_space<vmem>>
        %dma_wait3A_317 = arith.constant 0 : i32
        %dma_wait3A_318 = tpu.memref_slice %arg4[%add3A_299, %dma_wait3A_317] : memref<2560x125xi32, #tpu.memory_space<hbm>> -> memref<1x125xi32, #tpu.memory_space<hbm>>
        %dma_wait3A_319 = tpu.memref_squeeze %dma_wait3A_318 : memref<1x125xi32, #tpu.memory_space<hbm>> -> memref<125xi32, #tpu.memory_space<hbm>>
        %dma_wait3A_320 = tpu.memref_slice %arg13[%rem3A_293] : memref<4x!tpu.dma_semaphore, #tpu.memory_space<semaphore_mem>> -> memref<1x!tpu.dma_semaphore, #tpu.memory_space<semaphore_mem>>
        %dma_wait3A_321 = tpu.memref_squeeze %dma_wait3A_320 : memref<1x!tpu.dma_semaphore, #tpu.memory_space<semaphore_mem>> -> memref<!tpu.dma_semaphore, #tpu.memory_space<semaphore_mem>>
        %dma_wait3A_322 = arith.constant 0 : i32
        %dma_wait3A_323 = tpu.memref_slice %arg8[%rem3A_293, %dma_wait3A_322] : memref<4x125xi32, #tpu.memory_space<vmem>> -> memref<1x125xi32, #tpu.memory_space<vmem>>
        %dma_wait3A_324 = tpu.memref_squeeze %dma_wait3A_323 : memref<1x125xi32, #tpu.memory_space<vmem>> -> memref<125xi32, #tpu.memory_space<vmem>>
        %dma_wait3A_325 = arith.constant 0 : i32
        %dma_wait3A_326 = tpu.memref_slice %arg4[%add3A_299, %dma_wait3A_325] : memref<2560x125xi32, #tpu.memory_space<hbm>> -> memref<1x125xi32, #tpu.memory_space<hbm>>
        %dma_wait3A_327 = tpu.memref_squeeze %dma_wait3A_326 : memref<1x125xi32, #tpu.memory_space<hbm>> -> memref<125xi32, #tpu.memory_space<hbm>>
        tpu.wait_dma2 semaphore(%dma_wait3A_321 : memref<!tpu.dma_semaphore, #tpu.memory_space<semaphore_mem>>) src(%dma_wait3A_327 : memref<125xi32, #tpu.memory_space<hbm>>) dst(%dma_wait3A_324 : memref<125xi32, #tpu.memory_space<vmem>>)
        %add3A_328 = arith.constant 2 : i32
        %add3A_329 = arith.addi %add3A_250, %add3A_328 : i32
        %lt3A_330 = arith.constant 80 : i32
        %lt3A_331 = arith.cmpi slt, %add3A_329, %lt3A_330 : i32
        %convert_element_type3A_332 = arith.extui %lt3A_331 : i1 to i32
        %cond3A_333 = arith.constant 0 : i32
        %cond3A_334 = arith.cmpi ne, %convert_element_type3A_332, %cond3A_333 : i32
        scf.if %cond3A_334 {
          %add3A_351 = arith.constant 2 : i32
          %add3A_352 = arith.addi %add3A_250, %add3A_351 : i32
          %rem3A_353 = arith.constant 4 : i32
          %rem3A_354 = arith.remsi %add3A_352, %rem3A_353 : i32
          %mul3A_355 = arith.constant 80 : i32
          %mul3A_356 = arith.muli %add3A, %mul3A_355 : i32
          %add3A_357 = arith.addi %mul3A_356, %add3A_352 : i32
          %dma_start3A_358 = arith.constant 0 : i32
          %dma_start3A_359 = tpu.memref_slice %arg7[%rem3A_354, %dma_start3A_358] : memref<4x125xi32, #tpu.memory_space<vmem>> -> memref<1x125xi32, #tpu.memory_space<vmem>>
          %dma_start3A_360 = tpu.memref_squeeze %dma_start3A_359 : memref<1x125xi32, #tpu.memory_space<vmem>> -> memref<125xi32, #tpu.memory_space<vmem>>
          %dma_start3A_361 = arith.constant 0 : i32
          %dma_start3A_362 = tpu.memref_slice %arg3[%add3A_357, %dma_start3A_361] : memref<2560x125xi32, #tpu.memory_space<hbm>> -> memref<1x125xi32, #tpu.memory_space<hbm>>
          %dma_start3A_363 = tpu.memref_squeeze %dma_start3A_362 : memref<1x125xi32, #tpu.memory_space<hbm>> -> memref<125xi32, #tpu.memory_space<hbm>>
          %dma_start3A_364 = tpu.memref_slice %arg13[%rem3A_354] : memref<4x!tpu.dma_semaphore, #tpu.memory_space<semaphore_mem>> -> memref<1x!tpu.dma_semaphore, #tpu.memory_space<semaphore_mem>>
          %dma_start3A_365 = tpu.memref_squeeze %dma_start3A_364 : memref<1x!tpu.dma_semaphore, #tpu.memory_space<semaphore_mem>> -> memref<!tpu.dma_semaphore, #tpu.memory_space<semaphore_mem>>
          %dma_start3A_366 = arith.constant 0 : i32
          %dma_start3A_367 = tpu.memref_slice %arg7[%rem3A_354, %dma_start3A_366] : memref<4x125xi32, #tpu.memory_space<vmem>> -> memref<1x125xi32, #tpu.memory_space<vmem>>
          %dma_start3A_368 = tpu.memref_squeeze %dma_start3A_367 : memref<1x125xi32, #tpu.memory_space<vmem>> -> memref<125xi32, #tpu.memory_space<vmem>>
          %dma_start3A_369 = arith.constant 0 : i32
          %dma_start3A_370 = tpu.memref_slice %arg3[%add3A_357, %dma_start3A_369] : memref<2560x125xi32, #tpu.memory_space<hbm>> -> memref<1x125xi32, #tpu.memory_space<hbm>>
          %dma_start3A_371 = tpu.memref_squeeze %dma_start3A_370 : memref<1x125xi32, #tpu.memory_space<hbm>> -> memref<125xi32, #tpu.memory_space<hbm>>
          tpu.enqueue_dma source(%dma_start3A_371 : memref<125xi32, #tpu.memory_space<hbm>>) target(%dma_start3A_368 : memref<125xi32, #tpu.memory_space<vmem>>) target_semaphore(%dma_start3A_365 : memref<!tpu.dma_semaphore, #tpu.memory_space<semaphore_mem>>)
          %mul3A_372 = arith.constant 80 : i32
          %mul3A_373 = arith.muli %add3A, %mul3A_372 : i32
          %add3A_374 = arith.addi %mul3A_373, %add3A_352 : i32
          %dma_start3A_375 = arith.constant 0 : i32
          %dma_start3A_376 = tpu.memref_slice %arg8[%rem3A_354, %dma_start3A_375] : memref<4x125xi32, #tpu.memory_space<vmem>> -> memref<1x125xi32, #tpu.memory_space<vmem>>
          %dma_start3A_377 = tpu.memref_squeeze %dma_start3A_376 : memref<1x125xi32, #tpu.memory_space<vmem>> -> memref<125xi32, #tpu.memory_space<vmem>>
          %dma_start3A_378 = arith.constant 0 : i32
          %dma_start3A_379 = tpu.memref_slice %arg4[%add3A_374, %dma_start3A_378] : memref<2560x125xi32, #tpu.memory_space<hbm>> -> memref<1x125xi32, #tpu.memory_space<hbm>>
          %dma_start3A_380 = tpu.memref_squeeze %dma_start3A_379 : memref<1x125xi32, #tpu.memory_space<hbm>> -> memref<125xi32, #tpu.memory_space<hbm>>
          %dma_start3A_381 = tpu.memref_slice %arg13[%rem3A_354] : memref<4x!tpu.dma_semaphore, #tpu.memory_space<semaphore_mem>> -> memref<1x!tpu.dma_semaphore, #tpu.memory_space<semaphore_mem>>
          %dma_start3A_382 = tpu.memref_squeeze %dma_start3A_381 : memref<1x!tpu.dma_semaphore, #tpu.memory_space<semaphore_mem>> -> memref<!tpu.dma_semaphore, #tpu.memory_space<semaphore_mem>>
          %dma_start3A_383 = arith.constant 0 : i32
          %dma_start3A_384 = tpu.memref_slice %arg8[%rem3A_354, %dma_start3A_383] : memref<4x125xi32, #tpu.memory_space<vmem>> -> memref<1x125xi32, #tpu.memory_space<vmem>>
          %dma_start3A_385 = tpu.memref_squeeze %dma_start3A_384 : memref<1x125xi32, #tpu.memory_space<vmem>> -> memref<125xi32, #tpu.memory_space<vmem>>
          %dma_start3A_386 = arith.constant 0 : i32
          %dma_start3A_387 = tpu.memref_slice %arg4[%add3A_374, %dma_start3A_386] : memref<2560x125xi32, #tpu.memory_space<hbm>> -> memref<1x125xi32, #tpu.memory_space<hbm>>
          %dma_start3A_388 = tpu.memref_squeeze %dma_start3A_387 : memref<1x125xi32, #tpu.memory_space<hbm>> -> memref<125xi32, #tpu.memory_space<hbm>>
          tpu.enqueue_dma source(%dma_start3A_388 : memref<125xi32, #tpu.memory_space<hbm>>) target(%dma_start3A_385 : memref<125xi32, #tpu.memory_space<vmem>>) target_semaphore(%dma_start3A_382 : memref<!tpu.dma_semaphore, #tpu.memory_space<semaphore_mem>>)
        } else {
        }
        %add3A_335 = arith.constant 1 : i32
        %add3A_336 = arith.addi %add3A_250, %add3A_335 : i32
        %rem3A_337 = arith.constant 4 : i32
        %rem3A_338 = arith.remsi %add3A_336, %rem3A_337 : i32
        %dma_start3A_339 = arith.constant 0 : i32
        %dma_start3A_340 = arith.constant 0 : i32
        %dma_start3A_341 = tpu.memref_slice %arg9[%sub3A_253, %dma_start3A_339, %dma_start3A_340] : memref<2x125x144xf32, #tpu.memory_space<vmem>> -> memref<1x125x144xf32, #tpu.memory_space<vmem>>
        %dma_start3A_342 = tpu.memref_squeeze %dma_start3A_341 : memref<1x125x144xf32, #tpu.memory_space<vmem>> -> memref<125x144xf32, #tpu.memory_space<vmem>>
        %dma_start3A_343 = arith.constant 0 : i32
        %dma_start3A_344 = tpu.memref_slice %arg7[%rem3A_338, %dma_start3A_343] : memref<4x125xi32, #tpu.memory_space<vmem>> -> memref<1x125xi32, #tpu.memory_space<vmem>>
        %dma_start3A_345 = tpu.memref_squeeze %dma_start3A_344 : memref<1x125xi32, #tpu.memory_space<vmem>> -> memref<125xi32, #tpu.memory_space<vmem>>
        %dma_start3A_346 = arith.constant 0 : i32
        %dma_start3A_347 = arith.constant 0 : i32
        %dma_start3A_348 = tpu.memref_slice %arg2[%dma_start3A_346, %dma_start3A_347] : memref<10000x144xf32, #tpu.memory_space<hbm>> -> memref<10000x144xf32, #tpu.memory_space<hbm>>
        %dma_start3A_349 = tpu.memref_slice %arg11[%sub3A_253] : memref<2x!tpu.dma_semaphore, #tpu.memory_space<semaphore_mem>> -> memref<1x!tpu.dma_semaphore, #tpu.memory_space<semaphore_mem>>
        %dma_start3A_350 = tpu.memref_squeeze %dma_start3A_349 : memref<1x!tpu.dma_semaphore, #tpu.memory_space<semaphore_mem>> -> memref<!tpu.dma_semaphore, #tpu.memory_space<semaphore_mem>>
        tpu.enqueue_indirect_dma source(%dma_start3A_348 : memref<10000x144xf32, #tpu.memory_space<hbm>>) target(%dma_start3A_342 : memref<125x144xf32, #tpu.memory_space<vmem>>) offsets(%dma_start3A_345 : memref<125xi32, #tpu.memory_space<vmem>>) semaphore(%dma_start3A_350 : memref<!tpu.dma_semaphore, #tpu.memory_space<semaphore_mem>>)
      } else {
      }
      %rem3A_258 = arith.constant 4 : i32
      %rem3A_259 = arith.remsi %add3A_250, %rem3A_258 : i32
      %dma_wait3A_260 = arith.constant 0 : i32
      %dma_wait3A_261 = arith.constant 0 : i32
      %dma_wait3A_262 = tpu.memref_slice %arg9[%rem3A_252, %dma_wait3A_260, %dma_wait3A_261] : memref<2x125x144xf32, #tpu.memory_space<vmem>> -> memref<1x125x144xf32, #tpu.memory_space<vmem>>
      %dma_wait3A_263 = tpu.memref_squeeze %dma_wait3A_262 : memref<1x125x144xf32, #tpu.memory_space<vmem>> -> memref<125x144xf32, #tpu.memory_space<vmem>>
      %dma_wait3A_264 = arith.constant 0 : i32
      %dma_wait3A_265 = tpu.memref_slice %arg7[%rem3A_259, %dma_wait3A_264] : memref<4x125xi32, #tpu.memory_space<vmem>> -> memref<1x125xi32, #tpu.memory_space<vmem>>
      %dma_wait3A_266 = tpu.memref_squeeze %dma_wait3A_265 : memref<1x125xi32, #tpu.memory_space<vmem>> -> memref<125xi32, #tpu.memory_space<vmem>>
      %dma_wait3A_267 = arith.constant 0 : i32
      %dma_wait3A_268 = arith.constant 0 : i32
      %dma_wait3A_269 = tpu.memref_slice %arg2[%dma_wait3A_267, %dma_wait3A_268] : memref<10000x144xf32, #tpu.memory_space<hbm>> -> memref<10000x144xf32, #tpu.memory_space<hbm>>
      %dma_wait3A_270 = tpu.memref_slice %arg11[%rem3A_252] : memref<2x!tpu.dma_semaphore, #tpu.memory_space<semaphore_mem>> -> memref<1x!tpu.dma_semaphore, #tpu.memory_space<semaphore_mem>>
      %dma_wait3A_271 = tpu.memref_squeeze %dma_wait3A_270 : memref<1x!tpu.dma_semaphore, #tpu.memory_space<semaphore_mem>> -> memref<!tpu.dma_semaphore, #tpu.memory_space<semaphore_mem>>
      tpu.wait_indirect_dma semaphore(%dma_wait3A_271 : memref<!tpu.dma_semaphore, #tpu.memory_space<semaphore_mem>>) src(%dma_wait3A_269 : memref<10000x144xf32, #tpu.memory_space<hbm>>) dst(%dma_wait3A_263 : memref<125x144xf32, #tpu.memory_space<vmem>>)
      %rem3A_272 = arith.constant 4 : i32
      %rem3A_273 = arith.remsi %add3A_250, %rem3A_272 : i32
      %dma_start3A_274 = arith.constant 0 : i32
      %dma_start3A_275 = arith.constant 0 : i32
      %dma_start3A_276 = tpu.memref_slice %arg9[%rem3A_252, %dma_start3A_274, %dma_start3A_275] : memref<2x125x144xf32, #tpu.memory_space<vmem>> -> memref<1x125x144xf32, #tpu.memory_space<vmem>>
      %dma_start3A_277 = tpu.memref_squeeze %dma_start3A_276 : memref<1x125x144xf32, #tpu.memory_space<vmem>> -> memref<125x144xf32, #tpu.memory_space<vmem>>
      %dma_start3A_278 = arith.constant 0 : i32
      %dma_start3A_279 = tpu.memref_slice %arg8[%rem3A_273, %dma_start3A_278] : memref<4x125xi32, #tpu.memory_space<vmem>> -> memref<1x125xi32, #tpu.memory_space<vmem>>
      %dma_start3A_280 = tpu.memref_squeeze %dma_start3A_279 : memref<1x125xi32, #tpu.memory_space<vmem>> -> memref<125xi32, #tpu.memory_space<vmem>>
      %dma_start3A_281 = arith.constant 0 : i32
      %dma_start3A_282 = arith.constant 0 : i32
      %dma_start3A_283 = tpu.memref_slice %arg10[%dma_start3A_281, %dma_start3A_282] : memref<10000x144xf32, #tpu.memory_space<vmem_shared>> -> memref<10000x144xf32, #tpu.memory_space<vmem_shared>>
      %dma_start3A_284 = tpu.memref_slice %arg12[%rem3A_252] : memref<2x!tpu.dma_semaphore, #tpu.memory_space<semaphore_mem>> -> memref<1x!tpu.dma_semaphore, #tpu.memory_space<semaphore_mem>>
      %dma_start3A_285 = tpu.memref_squeeze %dma_start3A_284 : memref<1x!tpu.dma_semaphore, #tpu.memory_space<semaphore_mem>> -> memref<!tpu.dma_semaphore, #tpu.memory_space<semaphore_mem>>
      tpu.enqueue_indirect_dma source(%dma_start3A_277 : memref<125x144xf32, #tpu.memory_space<vmem>>) target(%dma_start3A_283 : memref<10000x144xf32, #tpu.memory_space<vmem_shared>>) offsets(%dma_start3A_280 : memref<125xi32, #tpu.memory_space<vmem>>) semaphore(%dma_start3A_285 : memref<!tpu.dma_semaphore, #tpu.memory_space<semaphore_mem>>) {add = true}
    }
    %scan3A_160 = arith.constant 80 : i32
    %rem3A_161 = arith.constant 78 : i32
    %rem3A_162 = arith.constant 4 : i32
    %rem3A_163 = arith.remsi %rem3A_161, %rem3A_162 : i32
    %dma_wait3A_164 = arith.constant 0 : i32
    %dma_wait3A_165 = arith.constant 0 : i32
    %dma_wait3A_166 = arith.constant 0 : i32
    %dma_wait3A_167 = arith.constant 0 : i32
    %dma_wait3A_168 = tpu.memref_slice %arg9[%dma_wait3A_164, %dma_wait3A_166, %dma_wait3A_167] : memref<2x125x144xf32, #tpu.memory_space<vmem>> -> memref<1x125x144xf32, #tpu.memory_space<vmem>>
    %dma_wait3A_169 = tpu.memref_squeeze %dma_wait3A_168 : memref<1x125x144xf32, #tpu.memory_space<vmem>> -> memref<125x144xf32, #tpu.memory_space<vmem>>
    %dma_wait3A_170 = arith.constant 0 : i32
    %dma_wait3A_171 = tpu.memref_slice %arg8[%rem3A_163, %dma_wait3A_170] : memref<4x125xi32, #tpu.memory_space<vmem>> -> memref<1x125xi32, #tpu.memory_space<vmem>>
    %dma_wait3A_172 = tpu.memref_squeeze %dma_wait3A_171 : memref<1x125xi32, #tpu.memory_space<vmem>> -> memref<125xi32, #tpu.memory_space<vmem>>
    %dma_wait3A_173 = arith.constant 0 : i32
    %dma_wait3A_174 = arith.constant 0 : i32
    %dma_wait3A_175 = tpu.memref_slice %arg10[%dma_wait3A_173, %dma_wait3A_174] : memref<10000x144xf32, #tpu.memory_space<vmem_shared>> -> memref<10000x144xf32, #tpu.memory_space<vmem_shared>>
    %dma_wait3A_176 = tpu.memref_slice %arg12[%dma_wait3A_165] : memref<2x!tpu.dma_semaphore, #tpu.memory_space<semaphore_mem>> -> memref<1x!tpu.dma_semaphore, #tpu.memory_space<semaphore_mem>>
    %dma_wait3A_177 = tpu.memref_squeeze %dma_wait3A_176 : memref<1x!tpu.dma_semaphore, #tpu.memory_space<semaphore_mem>> -> memref<!tpu.dma_semaphore, #tpu.memory_space<semaphore_mem>>
    tpu.wait_indirect_dma semaphore(%dma_wait3A_177 : memref<!tpu.dma_semaphore, #tpu.memory_space<semaphore_mem>>) src(%dma_wait3A_169 : memref<125x144xf32, #tpu.memory_space<vmem>>) dst(%dma_wait3A_175 : memref<10000x144xf32, #tpu.memory_space<vmem_shared>>)
    %rem3A_178 = arith.constant 79 : i32
    %rem3A_179 = arith.constant 4 : i32
    %rem3A_180 = arith.remsi %rem3A_178, %rem3A_179 : i32
    %dma_wait3A_181 = arith.constant 1 : i32
    %dma_wait3A_182 = arith.constant 1 : i32
    %dma_wait3A_183 = arith.constant 0 : i32
    %dma_wait3A_184 = arith.constant 0 : i32
    %dma_wait3A_185 = tpu.memref_slice %arg9[%dma_wait3A_181, %dma_wait3A_183, %dma_wait3A_184] : memref<2x125x144xf32, #tpu.memory_space<vmem>> -> memref<1x125x144xf32, #tpu.memory_space<vmem>>
    %dma_wait3A_186 = tpu.memref_squeeze %dma_wait3A_185 : memref<1x125x144xf32, #tpu.memory_space<vmem>> -> memref<125x144xf32, #tpu.memory_space<vmem>>
    %dma_wait3A_187 = arith.constant 0 : i32
    %dma_wait3A_188 = tpu.memref_slice %arg8[%rem3A_180, %dma_wait3A_187] : memref<4x125xi32, #tpu.memory_space<vmem>> -> memref<1x125xi32, #tpu.memory_space<vmem>>
    %dma_wait3A_189 = tpu.memref_squeeze %dma_wait3A_188 : memref<1x125xi32, #tpu.memory_space<vmem>> -> memref<125xi32, #tpu.memory_space<vmem>>
    %dma_wait3A_190 = arith.constant 0 : i32
    %dma_wait3A_191 = arith.constant 0 : i32
    %dma_wait3A_192 = tpu.memref_slice %arg10[%dma_wait3A_190, %dma_wait3A_191] : memref<10000x144xf32, #tpu.memory_space<vmem_shared>> -> memref<10000x144xf32, #tpu.memory_space<vmem_shared>>
    %dma_wait3A_193 = tpu.memref_slice %arg12[%dma_wait3A_182] : memref<2x!tpu.dma_semaphore, #tpu.memory_space<semaphore_mem>> -> memref<1x!tpu.dma_semaphore, #tpu.memory_space<semaphore_mem>>
    %dma_wait3A_194 = tpu.memref_squeeze %dma_wait3A_193 : memref<1x!tpu.dma_semaphore, #tpu.memory_space<semaphore_mem>> -> memref<!tpu.dma_semaphore, #tpu.memory_space<semaphore_mem>>
    tpu.wait_indirect_dma semaphore(%dma_wait3A_194 : memref<!tpu.dma_semaphore, #tpu.memory_space<semaphore_mem>>) src(%dma_wait3A_186 : memref<125x144xf32, #tpu.memory_space<vmem>>) dst(%dma_wait3A_192 : memref<10000x144xf32, #tpu.memory_space<vmem_shared>>)
    %barrier3A_195 = arith.constant 0 : index
    tpu.barrier barrier_id(%barrier3A_195)
    %mul3A_196 = arith.constant 625 : i32
    %mul3A_197 = arith.muli %arg1, %mul3A_196 : i32
    %add3A_198 = arith.constant 0 : i32
    %add3A_199 = arith.addi %mul3A_197, %add3A_198 : i32
    %run_scoped3A_200 = arith.constant 0 : i32
    "tpu.region"() ({
      %run_scoped3A_246 = tpu.sem_alloc : memref<!tpu.dma_semaphore, #tpu.memory_space<semaphore_mem>>
      %dma_start3A_247 = arith.constant 0 : i32
      %dma_start3A_248 = arith.constant 0 : i32
      %dma_start3A_249 = tpu.memref_slice %arg9[%run_scoped3A_200, %dma_start3A_247, %dma_start3A_248] : memref<2x125x144xf32, #tpu.memory_space<vmem>> -> memref<1x125x144xf32, #tpu.memory_space<vmem>>
      %dma_start3A_250 = tpu.memref_squeeze %dma_start3A_249 : memref<1x125x144xf32, #tpu.memory_space<vmem>> -> memref<125x144xf32, #tpu.memory_space<vmem>>
      %dma_start3A_251 = arith.constant 0 : i32
      %dma_start3A_252 = tpu.memref_slice %arg10[%add3A_199, %dma_start3A_251] : memref<10000x144xf32, #tpu.memory_space<vmem_shared>> -> memref<125x144xf32, #tpu.memory_space<vmem_shared>>
      %dma_start3A_253 = arith.constant 0 : i32
      %dma_start3A_254 = arith.constant 0 : i32
      %dma_start3A_255 = tpu.memref_slice %arg9[%run_scoped3A_200, %dma_start3A_253, %dma_start3A_254] : memref<2x125x144xf32, #tpu.memory_space<vmem>> -> memref<1x125x144xf32, #tpu.memory_space<vmem>>
      %dma_start3A_256 = tpu.memref_squeeze %dma_start3A_255 : memref<1x125x144xf32, #tpu.memory_space<vmem>> -> memref<125x144xf32, #tpu.memory_space<vmem>>
      %dma_start3A_257 = arith.constant 0 : i32
      %dma_start3A_258 = tpu.memref_slice %arg10[%add3A_199, %dma_start3A_257] : memref<10000x144xf32, #tpu.memory_space<vmem_shared>> -> memref<125x144xf32, #tpu.memory_space<vmem_shared>>
      tpu.enqueue_dma source(%dma_start3A_258 : memref<125x144xf32, #tpu.memory_space<vmem_shared>>) target(%dma_start3A_256 : memref<125x144xf32, #tpu.memory_space<vmem>>) target_semaphore(%run_scoped3A_246 : memref<!tpu.dma_semaphore, #tpu.memory_space<semaphore_mem>>)
      %dma_wait3A_259 = arith.constant 0 : i32
      %dma_wait3A_260 = arith.constant 0 : i32
      %dma_wait3A_261 = tpu.memref_slice %arg9[%run_scoped3A_200, %dma_wait3A_259, %dma_wait3A_260] : memref<2x125x144xf32, #tpu.memory_space<vmem>> -> memref<1x125x144xf32, #tpu.memory_space<vmem>>
      %dma_wait3A_262 = tpu.memref_squeeze %dma_wait3A_261 : memref<1x125x144xf32, #tpu.memory_space<vmem>> -> memref<125x144xf32, #tpu.memory_space<vmem>>
      %dma_wait3A_263 = arith.constant 0 : i32
      %dma_wait3A_264 = tpu.memref_slice %arg10[%add3A_199, %dma_wait3A_263] : memref<10000x144xf32, #tpu.memory_space<vmem_shared>> -> memref<125x144xf32, #tpu.memory_space<vmem_shared>>
      %dma_wait3A_265 = arith.constant 0 : i32
      %dma_wait3A_266 = arith.constant 0 : i32
      %dma_wait3A_267 = tpu.memref_slice %arg9[%run_scoped3A_200, %dma_wait3A_265, %dma_wait3A_266] : memref<2x125x144xf32, #tpu.memory_space<vmem>> -> memref<1x125x144xf32, #tpu.memory_space<vmem>>
      %dma_wait3A_268 = tpu.memref_squeeze %dma_wait3A_267 : memref<1x125x144xf32, #tpu.memory_space<vmem>> -> memref<125x144xf32, #tpu.memory_space<vmem>>
      %dma_wait3A_269 = arith.constant 0 : i32
      %dma_wait3A_270 = tpu.memref_slice %arg10[%add3A_199, %dma_wait3A_269] : memref<10000x144xf32, #tpu.memory_space<vmem_shared>> -> memref<125x144xf32, #tpu.memory_space<vmem_shared>>
      tpu.wait_dma2 semaphore(%run_scoped3A_246 : memref<!tpu.dma_semaphore, #tpu.memory_space<semaphore_mem>>) src(%dma_wait3A_270 : memref<125x144xf32, #tpu.memory_space<vmem_shared>>) dst(%dma_wait3A_268 : memref<125x144xf32, #tpu.memory_space<vmem>>)
      tpu.yield
    }) : () -> ()
    %mul3A_201 = arith.constant 625 : i32
    %mul3A_202 = arith.muli %arg1, %mul3A_201 : i32
    %add3A_203 = arith.constant 0 : i32
    %add3A_204 = arith.addi %mul3A_202, %add3A_203 : i32
    %run_scoped3A_205 = arith.constant 0 : i32
    "tpu.region"() ({
      %run_scoped3A_246 = tpu.sem_alloc : memref<!tpu.dma_semaphore, #tpu.memory_space<semaphore_mem>>
      %dma_start3A_247 = arith.constant 0 : i32
      %dma_start3A_248 = arith.constant 0 : i32
      %dma_start3A_249 = tpu.memref_slice %arg9[%run_scoped3A_205, %dma_start3A_247, %dma_start3A_248] : memref<2x125x144xf32, #tpu.memory_space<vmem>> -> memref<1x125x144xf32, #tpu.memory_space<vmem>>
      %dma_start3A_250 = tpu.memref_squeeze %dma_start3A_249 : memref<1x125x144xf32, #tpu.memory_space<vmem>> -> memref<125x144xf32, #tpu.memory_space<vmem>>
      %dma_start3A_251 = arith.constant 0 : i32
      %dma_start3A_252 = tpu.memref_slice %arg6[%arg0, %add3A_204, %dma_start3A_251] : memref<2x10000x144xf32, #tpu.memory_space<hbm>> -> memref<1x125x144xf32, #tpu.memory_space<hbm>>
      %dma_start3A_253 = tpu.memref_squeeze %dma_start3A_252 : memref<1x125x144xf32, #tpu.memory_space<hbm>> -> memref<125x144xf32, #tpu.memory_space<hbm>>
      %dma_start3A_254 = arith.constant 0 : i32
      %dma_start3A_255 = tpu.memref_slice %arg6[%arg0, %add3A_204, %dma_start3A_254] : memref<2x10000x144xf32, #tpu.memory_space<hbm>> -> memref<1x125x144xf32, #tpu.memory_space<hbm>>
      %dma_start3A_256 = tpu.memref_squeeze %dma_start3A_255 : memref<1x125x144xf32, #tpu.memory_space<hbm>> -> memref<125x144xf32, #tpu.memory_space<hbm>>
      %dma_start3A_257 = arith.constant 0 : i32
      %dma_start3A_258 = arith.constant 0 : i32
      %dma_start3A_259 = tpu.memref_slice %arg9[%run_scoped3A_205, %dma_start3A_257, %dma_start3A_258] : memref<2x125x144xf32, #tpu.memory_space<vmem>> -> memref<1x125x144xf32, #tpu.memory_space<vmem>>
      %dma_start3A_260 = tpu.memref_squeeze %dma_start3A_259 : memref<1x125x144xf32, #tpu.memory_space<vmem>> -> memref<125x144xf32, #tpu.memory_space<vmem>>
      tpu.enqueue_dma source(%dma_start3A_260 : memref<125x144xf32, #tpu.memory_space<vmem>>) target(%dma_start3A_256 : memref<125x144xf32, #tpu.memory_space<hbm>>) target_semaphore(%run_scoped3A_246 : memref<!tpu.dma_semaphore, #tpu.memory_space<semaphore_mem>>)
      %dma_wait3A_261 = arith.constant 0 : i32
      %dma_wait3A_262 = arith.constant 0 : i32
      %dma_wait3A_263 = tpu.memref_slice %arg9[%run_scoped3A_205, %dma_wait3A_261, %dma_wait3A_262] : memref<2x125x144xf32, #tpu.memory_space<vmem>> -> memref<1x125x144xf32, #tpu.memory_space<vmem>>
      %dma_wait3A_264 = tpu.memref_squeeze %dma_wait3A_263 : memref<1x125x144xf32, #tpu.memory_space<vmem>> -> memref<125x144xf32, #tpu.memory_space<vmem>>
      %dma_wait3A_265 = arith.constant 0 : i32
      %dma_wait3A_266 = tpu.memref_slice %arg6[%arg0, %add3A_204, %dma_wait3A_265] : memref<2x10000x144xf32, #tpu.memory_space<hbm>> -> memref<1x125x144xf32, #tpu.memory_space<hbm>>
      %dma_wait3A_267 = tpu.memref_squeeze %dma_wait3A_266 : memref<1x125x144xf32, #tpu.memory_space<hbm>> -> memref<125x144xf32, #tpu.memory_space<hbm>>
      %dma_wait3A_268 = arith.constant 0 : i32
      %dma_wait3A_269 = tpu.memref_slice %arg6[%arg0, %add3A_204, %dma_wait3A_268] : memref<2x10000x144xf32, #tpu.memory_space<hbm>> -> memref<1x125x144xf32, #tpu.memory_space<hbm>>
      %dma_wait3A_270 = tpu.memref_squeeze %dma_wait3A_269 : memref<1x125x144xf32, #tpu.memory_space<hbm>> -> memref<125x144xf32, #tpu.memory_space<hbm>>
      %dma_wait3A_271 = arith.constant 0 : i32
      %dma_wait3A_272 = arith.constant 0 : i32
      %dma_wait3A_273 = tpu.memref_slice %arg9[%run_scoped3A_205, %dma_wait3A_271, %dma_wait3A_272] : memref<2x125x144xf32, #tpu.memory_space<vmem>> -> memref<1x125x144xf32, #tpu.memory_space<vmem>>
      %dma_wait3A_274 = tpu.memref_squeeze %dma_wait3A_273 : memref<1x125x144xf32, #tpu.memory_space<vmem>> -> memref<125x144xf32, #tpu.memory_space<vmem>>
      tpu.wait_dma2 semaphore(%run_scoped3A_246 : memref<!tpu.dma_semaphore, #tpu.memory_space<semaphore_mem>>) src(%dma_wait3A_274 : memref<125x144xf32, #tpu.memory_space<vmem>>) dst(%dma_wait3A_270 : memref<125x144xf32, #tpu.memory_space<hbm>>)
      tpu.yield
    }) : () -> ()
    %mul3A_206 = arith.constant 625 : i32
    %mul3A_207 = arith.muli %arg1, %mul3A_206 : i32
    %add3A_208 = arith.constant 125 : i32
    %add3A_209 = arith.addi %mul3A_207, %add3A_208 : i32
    %run_scoped3A_210 = arith.constant 1 : i32
    "tpu.region"() ({
      %run_scoped3A_246 = tpu.sem_alloc : memref<!tpu.dma_semaphore, #tpu.memory_space<semaphore_mem>>
      %dma_start3A_247 = arith.constant 0 : i32
      %dma_start3A_248 = arith.constant 0 : i32
      %dma_start3A_249 = tpu.memref_slice %arg9[%run_scoped3A_210, %dma_start3A_247, %dma_start3A_248] : memref<2x125x144xf32, #tpu.memory_space<vmem>> -> memref<1x125x144xf32, #tpu.memory_space<vmem>>
      %dma_start3A_250 = tpu.memref_squeeze %dma_start3A_249 : memref<1x125x144xf32, #tpu.memory_space<vmem>> -> memref<125x144xf32, #tpu.memory_space<vmem>>
      %dma_start3A_251 = arith.constant 0 : i32
      %dma_start3A_252 = tpu.memref_slice %arg10[%add3A_209, %dma_start3A_251] : memref<10000x144xf32, #tpu.memory_space<vmem_shared>> -> memref<125x144xf32, #tpu.memory_space<vmem_shared>>
      %dma_start3A_253 = arith.constant 0 : i32
      %dma_start3A_254 = arith.constant 0 : i32
      %dma_start3A_255 = tpu.memref_slice %arg9[%run_scoped3A_210, %dma_start3A_253, %dma_start3A_254] : memref<2x125x144xf32, #tpu.memory_space<vmem>> -> memref<1x125x144xf32, #tpu.memory_space<vmem>>
      %dma_start3A_256 = tpu.memref_squeeze %dma_start3A_255 : memref<1x125x144xf32, #tpu.memory_space<vmem>> -> memref<125x144xf32, #tpu.memory_space<vmem>>
      %dma_start3A_257 = arith.constant 0 : i32
      %dma_start3A_258 = tpu.memref_slice %arg10[%add3A_209, %dma_start3A_257] : memref<10000x144xf32, #tpu.memory_space<vmem_shared>> -> memref<125x144xf32, #tpu.memory_space<vmem_shared>>
      tpu.enqueue_dma source(%dma_start3A_258 : memref<125x144xf32, #tpu.memory_space<vmem_shared>>) target(%dma_start3A_256 : memref<125x144xf32, #tpu.memory_space<vmem>>) target_semaphore(%run_scoped3A_246 : memref<!tpu.dma_semaphore, #tpu.memory_space<semaphore_mem>>)
      %dma_wait3A_259 = arith.constant 0 : i32
      %dma_wait3A_260 = arith.constant 0 : i32
      %dma_wait3A_261 = tpu.memref_slice %arg9[%run_scoped3A_210, %dma_wait3A_259, %dma_wait3A_260] : memref<2x125x144xf32, #tpu.memory_space<vmem>> -> memref<1x125x144xf32, #tpu.memory_space<vmem>>
      %dma_wait3A_262 = tpu.memref_squeeze %dma_wait3A_261 : memref<1x125x144xf32, #tpu.memory_space<vmem>> -> memref<125x144xf32, #tpu.memory_space<vmem>>
      %dma_wait3A_263 = arith.constant 0 : i32
      %dma_wait3A_264 = tpu.memref_slice %arg10[%add3A_209, %dma_wait3A_263] : memref<10000x144xf32, #tpu.memory_space<vmem_shared>> -> memref<125x144xf32, #tpu.memory_space<vmem_shared>>
      %dma_wait3A_265 = arith.constant 0 : i32
      %dma_wait3A_266 = arith.constant 0 : i32
      %dma_wait3A_267 = tpu.memref_slice %arg9[%run_scoped3A_210, %dma_wait3A_265, %dma_wait3A_266] : memref<2x125x144xf32, #tpu.memory_space<vmem>> -> memref<1x125x144xf32, #tpu.memory_space<vmem>>
      %dma_wait3A_268 = tpu.memref_squeeze %dma_wait3A_267 : memref<1x125x144xf32, #tpu.memory_space<vmem>> -> memref<125x144xf32, #tpu.memory_space<vmem>>
      %dma_wait3A_269 = arith.constant 0 : i32
      %dma_wait3A_270 = tpu.memref_slice %arg10[%add3A_209, %dma_wait3A_269] : memref<10000x144xf32, #tpu.memory_space<vmem_shared>> -> memref<125x144xf32, #tpu.memory_space<vmem_shared>>
      tpu.wait_dma2 semaphore(%run_scoped3A_246 : memref<!tpu.dma_semaphore, #tpu.memory_space<semaphore_mem>>) src(%dma_wait3A_270 : memref<125x144xf32, #tpu.memory_space<vmem_shared>>) dst(%dma_wait3A_268 : memref<125x144xf32, #tpu.memory_space<vmem>>)
      tpu.yield
    }) : () -> ()
    %mul3A_211 = arith.constant 625 : i32
    %mul3A_212 = arith.muli %arg1, %mul3A_211 : i32
    %add3A_213 = arith.constant 125 : i32
    %add3A_214 = arith.addi %mul3A_212, %add3A_213 : i32
    %run_scoped3A_215 = arith.constant 1 : i32
    "tpu.region"() ({
      %run_scoped3A_246 = tpu.sem_alloc : memref<!tpu.dma_semaphore, #tpu.memory_space<semaphore_mem>>
      %dma_start3A_247 = arith.constant 0 : i32
      %dma_start3A_248 = arith.constant 0 : i32
      %dma_start3A_249 = tpu.memref_slice %arg9[%run_scoped3A_215, %dma_start3A_247, %dma_start3A_248] : memref<2x125x144xf32, #tpu.memory_space<vmem>> -> memref<1x125x144xf32, #tpu.memory_space<vmem>>
      %dma_start3A_250 = tpu.memref_squeeze %dma_start3A_249 : memref<1x125x144xf32, #tpu.memory_space<vmem>> -> memref<125x144xf32, #tpu.memory_space<vmem>>
      %dma_start3A_251 = arith.constant 0 : i32
      %dma_start3A_252 = tpu.memref_slice %arg6[%arg0, %add3A_214, %dma_start3A_251] : memref<2x10000x144xf32, #tpu.memory_space<hbm>> -> memref<1x125x144xf32, #tpu.memory_space<hbm>>
      %dma_start3A_253 = tpu.memref_squeeze %dma_start3A_252 : memref<1x125x144xf32, #tpu.memory_space<hbm>> -> memref<125x144xf32, #tpu.memory_space<hbm>>
      %dma_start3A_254 = arith.constant 0 : i32
      %dma_start3A_255 = tpu.memref_slice %arg6[%arg0, %add3A_214, %dma_start3A_254] : memref<2x10000x144xf32, #tpu.memory_space<hbm>> -> memref<1x125x144xf32, #tpu.memory_space<hbm>>
      %dma_start3A_256 = tpu.memref_squeeze %dma_start3A_255 : memref<1x125x144xf32, #tpu.memory_space<hbm>> -> memref<125x144xf32, #tpu.memory_space<hbm>>
      %dma_start3A_257 = arith.constant 0 : i32
      %dma_start3A_258 = arith.constant 0 : i32
      %dma_start3A_259 = tpu.memref_slice %arg9[%run_scoped3A_215, %dma_start3A_257, %dma_start3A_258] : memref<2x125x144xf32, #tpu.memory_space<vmem>> -> memref<1x125x144xf32, #tpu.memory_space<vmem>>
      %dma_start3A_260 = tpu.memref_squeeze %dma_start3A_259 : memref<1x125x144xf32, #tpu.memory_space<vmem>> -> memref<125x144xf32, #tpu.memory_space<vmem>>
      tpu.enqueue_dma source(%dma_start3A_260 : memref<125x144xf32, #tpu.memory_space<vmem>>) target(%dma_start3A_256 : memref<125x144xf32, #tpu.memory_space<hbm>>) target_semaphore(%run_scoped3A_246 : memref<!tpu.dma_semaphore, #tpu.memory_space<semaphore_mem>>)
      %dma_wait3A_261 = arith.constant 0 : i32
      %dma_wait3A_262 = arith.constant 0 : i32
      %dma_wait3A_263 = tpu.memref_slice %arg9[%run_scoped3A_215, %dma_wait3A_261, %dma_wait3A_262] : memref<2x125x144xf32, #tpu.memory_space<vmem>> -> memref<1x125x144xf32, #tpu.memory_space<vmem>>
      %dma_wait3A_264 = tpu.memref_squeeze %dma_wait3A_263 : memref<1x125x144xf32, #tpu.memory_space<vmem>> -> memref<125x144xf32, #tpu.memory_space<vmem>>
      %dma_wait3A_265 = arith.constant 0 : i32
      %dma_wait3A_266 = tpu.memref_slice %arg6[%arg0, %add3A_214, %dma_wait3A_265] : memref<2x10000x144xf32, #tpu.memory_space<hbm>> -> memref<1x125x144xf32, #tpu.memory_space<hbm>>
      %dma_wait3A_267 = tpu.memref_squeeze %dma_wait3A_266 : memref<1x125x144xf32, #tpu.memory_space<hbm>> -> memref<125x144xf32, #tpu.memory_space<hbm>>
      %dma_wait3A_268 = arith.constant 0 : i32
      %dma_wait3A_269 = tpu.memref_slice %arg6[%arg0, %add3A_214, %dma_wait3A_268] : memref<2x10000x144xf32, #tpu.memory_space<hbm>> -> memref<1x125x144xf32, #tpu.memory_space<hbm>>
      %dma_wait3A_270 = tpu.memref_squeeze %dma_wait3A_269 : memref<1x125x144xf32, #tpu.memory_space<hbm>> -> memref<125x144xf32, #tpu.memory_space<hbm>>
      %dma_wait3A_271 = arith.constant 0 : i32
      %dma_wait3A_272 = arith.constant 0 : i32
      %dma_wait3A_273 = tpu.memref_slice %arg9[%run_scoped3A_215, %dma_wait3A_271, %dma_wait3A_272] : memref<2x125x144xf32, #tpu.memory_space<vmem>> -> memref<1x125x144xf32, #tpu.memory_space<vmem>>
      %dma_wait3A_274 = tpu.memref_squeeze %dma_wait3A_273 : memref<1x125x144xf32, #tpu.memory_space<vmem>> -> memref<125x144xf32, #tpu.memory_space<vmem>>
      tpu.wait_dma2 semaphore(%run_scoped3A_246 : memref<!tpu.dma_semaphore, #tpu.memory_space<semaphore_mem>>) src(%dma_wait3A_274 : memref<125x144xf32, #tpu.memory_space<vmem>>) dst(%dma_wait3A_270 : memref<125x144xf32, #tpu.memory_space<hbm>>)
      tpu.yield
    }) : () -> ()
    %mul3A_216 = arith.constant 625 : i32
    %mul3A_217 = arith.muli %arg1, %mul3A_216 : i32
    %add3A_218 = arith.constant 250 : i32
    %add3A_219 = arith.addi %mul3A_217, %add3A_218 : i32
    %run_scoped3A_220 = arith.constant 0 : i32
    "tpu.region"() ({
      %run_scoped3A_246 = tpu.sem_alloc : memref<!tpu.dma_semaphore, #tpu.memory_space<semaphore_mem>>
      %dma_start3A_247 = arith.constant 0 : i32
      %dma_start3A_248 = arith.constant 0 : i32
      %dma_start3A_249 = tpu.memref_slice %arg9[%run_scoped3A_220, %dma_start3A_247, %dma_start3A_248] : memref<2x125x144xf32, #tpu.memory_space<vmem>> -> memref<1x125x144xf32, #tpu.memory_space<vmem>>
      %dma_start3A_250 = tpu.memref_squeeze %dma_start3A_249 : memref<1x125x144xf32, #tpu.memory_space<vmem>> -> memref<125x144xf32, #tpu.memory_space<vmem>>
      %dma_start3A_251 = arith.constant 0 : i32
      %dma_start3A_252 = tpu.memref_slice %arg10[%add3A_219, %dma_start3A_251] : memref<10000x144xf32, #tpu.memory_space<vmem_shared>> -> memref<125x144xf32, #tpu.memory_space<vmem_shared>>
      %dma_start3A_253 = arith.constant 0 : i32
      %dma_start3A_254 = arith.constant 0 : i32
      %dma_start3A_255 = tpu.memref_slice %arg9[%run_scoped3A_220, %dma_start3A_253, %dma_start3A_254] : memref<2x125x144xf32, #tpu.memory_space<vmem>> -> memref<1x125x144xf32, #tpu.memory_space<vmem>>
      %dma_start3A_256 = tpu.memref_squeeze %dma_start3A_255 : memref<1x125x144xf32, #tpu.memory_space<vmem>> -> memref<125x144xf32, #tpu.memory_space<vmem>>
      %dma_start3A_257 = arith.constant 0 : i32
      %dma_start3A_258 = tpu.memref_slice %arg10[%add3A_219, %dma_start3A_257] : memref<10000x144xf32, #tpu.memory_space<vmem_shared>> -> memref<125x144xf32, #tpu.memory_space<vmem_shared>>
      tpu.enqueue_dma source(%dma_start3A_258 : memref<125x144xf32, #tpu.memory_space<vmem_shared>>) target(%dma_start3A_256 : memref<125x144xf32, #tpu.memory_space<vmem>>) target_semaphore(%run_scoped3A_246 : memref<!tpu.dma_semaphore, #tpu.memory_space<semaphore_mem>>)
      %dma_wait3A_259 = arith.constant 0 : i32
      %dma_wait3A_260 = arith.constant 0 : i32
      %dma_wait3A_261 = tpu.memref_slice %arg9[%run_scoped3A_220, %dma_wait3A_259, %dma_wait3A_260] : memref<2x125x144xf32, #tpu.memory_space<vmem>> -> memref<1x125x144xf32, #tpu.memory_space<vmem>>
      %dma_wait3A_262 = tpu.memref_squeeze %dma_wait3A_261 : memref<1x125x144xf32, #tpu.memory_space<vmem>> -> memref<125x144xf32, #tpu.memory_space<vmem>>
      %dma_wait3A_263 = arith.constant 0 : i32
      %dma_wait3A_264 = tpu.memref_slice %arg10[%add3A_219, %dma_wait3A_263] : memref<10000x144xf32, #tpu.memory_space<vmem_shared>> -> memref<125x144xf32, #tpu.memory_space<vmem_shared>>
      %dma_wait3A_265 = arith.constant 0 : i32
      %dma_wait3A_266 = arith.constant 0 : i32
      %dma_wait3A_267 = tpu.memref_slice %arg9[%run_scoped3A_220, %dma_wait3A_265, %dma_wait3A_266] : memref<2x125x144xf32, #tpu.memory_space<vmem>> -> memref<1x125x144xf32, #tpu.memory_space<vmem>>
      %dma_wait3A_268 = tpu.memref_squeeze %dma_wait3A_267 : memref<1x125x144xf32, #tpu.memory_space<vmem>> -> memref<125x144xf32, #tpu.memory_space<vmem>>
      %dma_wait3A_269 = arith.constant 0 : i32
      %dma_wait3A_270 = tpu.memref_slice %arg10[%add3A_219, %dma_wait3A_269] : memref<10000x144xf32, #tpu.memory_space<vmem_shared>> -> memref<125x144xf32, #tpu.memory_space<vmem_shared>>
      tpu.wait_dma2 semaphore(%run_scoped3A_246 : memref<!tpu.dma_semaphore, #tpu.memory_space<semaphore_mem>>) src(%dma_wait3A_270 : memref<125x144xf32, #tpu.memory_space<vmem_shared>>) dst(%dma_wait3A_268 : memref<125x144xf32, #tpu.memory_space<vmem>>)
      tpu.yield
    }) : () -> ()
    %mul3A_221 = arith.constant 625 : i32
    %mul3A_222 = arith.muli %arg1, %mul3A_221 : i32
    %add3A_223 = arith.constant 250 : i32
    %add3A_224 = arith.addi %mul3A_222, %add3A_223 : i32
    %run_scoped3A_225 = arith.constant 0 : i32
    "tpu.region"() ({
      %run_scoped3A_246 = tpu.sem_alloc : memref<!tpu.dma_semaphore, #tpu.memory_space<semaphore_mem>>
      %dma_start3A_247 = arith.constant 0 : i32
      %dma_start3A_248 = arith.constant 0 : i32
      %dma_start3A_249 = tpu.memref_slice %arg9[%run_scoped3A_225, %dma_start3A_247, %dma_start3A_248] : memref<2x125x144xf32, #tpu.memory_space<vmem>> -> memref<1x125x144xf32, #tpu.memory_space<vmem>>
      %dma_start3A_250 = tpu.memref_squeeze %dma_start3A_249 : memref<1x125x144xf32, #tpu.memory_space<vmem>> -> memref<125x144xf32, #tpu.memory_space<vmem>>
      %dma_start3A_251 = arith.constant 0 : i32
      %dma_start3A_252 = tpu.memref_slice %arg6[%arg0, %add3A_224, %dma_start3A_251] : memref<2x10000x144xf32, #tpu.memory_space<hbm>> -> memref<1x125x144xf32, #tpu.memory_space<hbm>>
      %dma_start3A_253 = tpu.memref_squeeze %dma_start3A_252 : memref<1x125x144xf32, #tpu.memory_space<hbm>> -> memref<125x144xf32, #tpu.memory_space<hbm>>
      %dma_start3A_254 = arith.constant 0 : i32
      %dma_start3A_255 = tpu.memref_slice %arg6[%arg0, %add3A_224, %dma_start3A_254] : memref<2x10000x144xf32, #tpu.memory_space<hbm>> -> memref<1x125x144xf32, #tpu.memory_space<hbm>>
      %dma_start3A_256 = tpu.memref_squeeze %dma_start3A_255 : memref<1x125x144xf32, #tpu.memory_space<hbm>> -> memref<125x144xf32, #tpu.memory_space<hbm>>
      %dma_start3A_257 = arith.constant 0 : i32
      %dma_start3A_258 = arith.constant 0 : i32
      %dma_start3A_259 = tpu.memref_slice %arg9[%run_scoped3A_225, %dma_start3A_257, %dma_start3A_258] : memref<2x125x144xf32, #tpu.memory_space<vmem>> -> memref<1x125x144xf32, #tpu.memory_space<vmem>>
      %dma_start3A_260 = tpu.memref_squeeze %dma_start3A_259 : memref<1x125x144xf32, #tpu.memory_space<vmem>> -> memref<125x144xf32, #tpu.memory_space<vmem>>
      tpu.enqueue_dma source(%dma_start3A_260 : memref<125x144xf32, #tpu.memory_space<vmem>>) target(%dma_start3A_256 : memref<125x144xf32, #tpu.memory_space<hbm>>) target_semaphore(%run_scoped3A_246 : memref<!tpu.dma_semaphore, #tpu.memory_space<semaphore_mem>>)
      %dma_wait3A_261 = arith.constant 0 : i32
      %dma_wait3A_262 = arith.constant 0 : i32
      %dma_wait3A_263 = tpu.memref_slice %arg9[%run_scoped3A_225, %dma_wait3A_261, %dma_wait3A_262] : memref<2x125x144xf32, #tpu.memory_space<vmem>> -> memref<1x125x144xf32, #tpu.memory_space<vmem>>
      %dma_wait3A_264 = tpu.memref_squeeze %dma_wait3A_263 : memref<1x125x144xf32, #tpu.memory_space<vmem>> -> memref<125x144xf32, #tpu.memory_space<vmem>>
      %dma_wait3A_265 = arith.constant 0 : i32
      %dma_wait3A_266 = tpu.memref_slice %arg6[%arg0, %add3A_224, %dma_wait3A_265] : memref<2x10000x144xf32, #tpu.memory_space<hbm>> -> memref<1x125x144xf32, #tpu.memory_space<hbm>>
      %dma_wait3A_267 = tpu.memref_squeeze %dma_wait3A_266 : memref<1x125x144xf32, #tpu.memory_space<hbm>> -> memref<125x144xf32, #tpu.memory_space<hbm>>
      %dma_wait3A_268 = arith.constant 0 : i32
      %dma_wait3A_269 = tpu.memref_slice %arg6[%arg0, %add3A_224, %dma_wait3A_268] : memref<2x10000x144xf32, #tpu.memory_space<hbm>> -> memref<1x125x144xf32, #tpu.memory_space<hbm>>
      %dma_wait3A_270 = tpu.memref_squeeze %dma_wait3A_269 : memref<1x125x144xf32, #tpu.memory_space<hbm>> -> memref<125x144xf32, #tpu.memory_space<hbm>>
      %dma_wait3A_271 = arith.constant 0 : i32
      %dma_wait3A_272 = arith.constant 0 : i32
      %dma_wait3A_273 = tpu.memref_slice %arg9[%run_scoped3A_225, %dma_wait3A_271, %dma_wait3A_272] : memref<2x125x144xf32, #tpu.memory_space<vmem>> -> memref<1x125x144xf32, #tpu.memory_space<vmem>>
      %dma_wait3A_274 = tpu.memref_squeeze %dma_wait3A_273 : memref<1x125x144xf32, #tpu.memory_space<vmem>> -> memref<125x144xf32, #tpu.memory_space<vmem>>
      tpu.wait_dma2 semaphore(%run_scoped3A_246 : memref<!tpu.dma_semaphore, #tpu.memory_space<semaphore_mem>>) src(%dma_wait3A_274 : memref<125x144xf32, #tpu.memory_space<vmem>>) dst(%dma_wait3A_270 : memref<125x144xf32, #tpu.memory_space<hbm>>)
      tpu.yield
    }) : () -> ()
    %mul3A_226 = arith.constant 625 : i32
    %mul3A_227 = arith.muli %arg1, %mul3A_226 : i32
    %add3A_228 = arith.constant 375 : i32
    %add3A_229 = arith.addi %mul3A_227, %add3A_228 : i32
    %run_scoped3A_230 = arith.constant 1 : i32
    "tpu.region"() ({
      %run_scoped3A_246 = tpu.sem_alloc : memref<!tpu.dma_semaphore, #tpu.memory_space<semaphore_mem>>
      %dma_start3A_247 = arith.constant 0 : i32
      %dma_start3A_248 = arith.constant 0 : i32
      %dma_start3A_249 = tpu.memref_slice %arg9[%run_scoped3A_230, %dma_start3A_247, %dma_start3A_248] : memref<2x125x144xf32, #tpu.memory_space<vmem>> -> memref<1x125x144xf32, #tpu.memory_space<vmem>>
      %dma_start3A_250 = tpu.memref_squeeze %dma_start3A_249 : memref<1x125x144xf32, #tpu.memory_space<vmem>> -> memref<125x144xf32, #tpu.memory_space<vmem>>
      %dma_start3A_251 = arith.constant 0 : i32
      %dma_start3A_252 = tpu.memref_slice %arg10[%add3A_229, %dma_start3A_251] : memref<10000x144xf32, #tpu.memory_space<vmem_shared>> -> memref<125x144xf32, #tpu.memory_space<vmem_shared>>
      %dma_start3A_253 = arith.constant 0 : i32
      %dma_start3A_254 = arith.constant 0 : i32
      %dma_start3A_255 = tpu.memref_slice %arg9[%run_scoped3A_230, %dma_start3A_253, %dma_start3A_254] : memref<2x125x144xf32, #tpu.memory_space<vmem>> -> memref<1x125x144xf32, #tpu.memory_space<vmem>>
      %dma_start3A_256 = tpu.memref_squeeze %dma_start3A_255 : memref<1x125x144xf32, #tpu.memory_space<vmem>> -> memref<125x144xf32, #tpu.memory_space<vmem>>
      %dma_start3A_257 = arith.constant 0 : i32
      %dma_start3A_258 = tpu.memref_slice %arg10[%add3A_229, %dma_start3A_257] : memref<10000x144xf32, #tpu.memory_space<vmem_shared>> -> memref<125x144xf32, #tpu.memory_space<vmem_shared>>
      tpu.enqueue_dma source(%dma_start3A_258 : memref<125x144xf32, #tpu.memory_space<vmem_shared>>) target(%dma_start3A_256 : memref<125x144xf32, #tpu.memory_space<vmem>>) target_semaphore(%run_scoped3A_246 : memref<!tpu.dma_semaphore, #tpu.memory_space<semaphore_mem>>)
      %dma_wait3A_259 = arith.constant 0 : i32
      %dma_wait3A_260 = arith.constant 0 : i32
      %dma_wait3A_261 = tpu.memref_slice %arg9[%run_scoped3A_230, %dma_wait3A_259, %dma_wait3A_260] : memref<2x125x144xf32, #tpu.memory_space<vmem>> -> memref<1x125x144xf32, #tpu.memory_space<vmem>>
      %dma_wait3A_262 = tpu.memref_squeeze %dma_wait3A_261 : memref<1x125x144xf32, #tpu.memory_space<vmem>> -> memref<125x144xf32, #tpu.memory_space<vmem>>
      %dma_wait3A_263 = arith.constant 0 : i32
      %dma_wait3A_264 = tpu.memref_slice %arg10[%add3A_229, %dma_wait3A_263] : memref<10000x144xf32, #tpu.memory_space<vmem_shared>> -> memref<125x144xf32, #tpu.memory_space<vmem_shared>>
      %dma_wait3A_265 = arith.constant 0 : i32
      %dma_wait3A_266 = arith.constant 0 : i32
      %dma_wait3A_267 = tpu.memref_slice %arg9[%run_scoped3A_230, %dma_wait3A_265, %dma_wait3A_266] : memref<2x125x144xf32, #tpu.memory_space<vmem>> -> memref<1x125x144xf32, #tpu.memory_space<vmem>>
      %dma_wait3A_268 = tpu.memref_squeeze %dma_wait3A_267 : memref<1x125x144xf32, #tpu.memory_space<vmem>> -> memref<125x144xf32, #tpu.memory_space<vmem>>
      %dma_wait3A_269 = arith.constant 0 : i32
      %dma_wait3A_270 = tpu.memref_slice %arg10[%add3A_229, %dma_wait3A_269] : memref<10000x144xf32, #tpu.memory_space<vmem_shared>> -> memref<125x144xf32, #tpu.memory_space<vmem_shared>>
      tpu.wait_dma2 semaphore(%run_scoped3A_246 : memref<!tpu.dma_semaphore, #tpu.memory_space<semaphore_mem>>) src(%dma_wait3A_270 : memref<125x144xf32, #tpu.memory_space<vmem_shared>>) dst(%dma_wait3A_268 : memref<125x144xf32, #tpu.memory_space<vmem>>)
      tpu.yield
    }) : () -> ()
    %mul3A_231 = arith.constant 625 : i32
    %mul3A_232 = arith.muli %arg1, %mul3A_231 : i32
    %add3A_233 = arith.constant 375 : i32
    %add3A_234 = arith.addi %mul3A_232, %add3A_233 : i32
    %run_scoped3A_235 = arith.constant 1 : i32
    "tpu.region"() ({
      %run_scoped3A_246 = tpu.sem_alloc : memref<!tpu.dma_semaphore, #tpu.memory_space<semaphore_mem>>
      %dma_start3A_247 = arith.constant 0 : i32
      %dma_start3A_248 = arith.constant 0 : i32
      %dma_start3A_249 = tpu.memref_slice %arg9[%run_scoped3A_235, %dma_start3A_247, %dma_start3A_248] : memref<2x125x144xf32, #tpu.memory_space<vmem>> -> memref<1x125x144xf32, #tpu.memory_space<vmem>>
      %dma_start3A_250 = tpu.memref_squeeze %dma_start3A_249 : memref<1x125x144xf32, #tpu.memory_space<vmem>> -> memref<125x144xf32, #tpu.memory_space<vmem>>
      %dma_start3A_251 = arith.constant 0 : i32
      %dma_start3A_252 = tpu.memref_slice %arg6[%arg0, %add3A_234, %dma_start3A_251] : memref<2x10000x144xf32, #tpu.memory_space<hbm>> -> memref<1x125x144xf32, #tpu.memory_space<hbm>>
      %dma_start3A_253 = tpu.memref_squeeze %dma_start3A_252 : memref<1x125x144xf32, #tpu.memory_space<hbm>> -> memref<125x144xf32, #tpu.memory_space<hbm>>
      %dma_start3A_254 = arith.constant 0 : i32
      %dma_start3A_255 = tpu.memref_slice %arg6[%arg0, %add3A_234, %dma_start3A_254] : memref<2x10000x144xf32, #tpu.memory_space<hbm>> -> memref<1x125x144xf32, #tpu.memory_space<hbm>>
      %dma_start3A_256 = tpu.memref_squeeze %dma_start3A_255 : memref<1x125x144xf32, #tpu.memory_space<hbm>> -> memref<125x144xf32, #tpu.memory_space<hbm>>
      %dma_start3A_257 = arith.constant 0 : i32
      %dma_start3A_258 = arith.constant 0 : i32
      %dma_start3A_259 = tpu.memref_slice %arg9[%run_scoped3A_235, %dma_start3A_257, %dma_start3A_258] : memref<2x125x144xf32, #tpu.memory_space<vmem>> -> memref<1x125x144xf32, #tpu.memory_space<vmem>>
      %dma_start3A_260 = tpu.memref_squeeze %dma_start3A_259 : memref<1x125x144xf32, #tpu.memory_space<vmem>> -> memref<125x144xf32, #tpu.memory_space<vmem>>
      tpu.enqueue_dma source(%dma_start3A_260 : memref<125x144xf32, #tpu.memory_space<vmem>>) target(%dma_start3A_256 : memref<125x144xf32, #tpu.memory_space<hbm>>) target_semaphore(%run_scoped3A_246 : memref<!tpu.dma_semaphore, #tpu.memory_space<semaphore_mem>>)
      %dma_wait3A_261 = arith.constant 0 : i32
      %dma_wait3A_262 = arith.constant 0 : i32
      %dma_wait3A_263 = tpu.memref_slice %arg9[%run_scoped3A_235, %dma_wait3A_261, %dma_wait3A_262] : memref<2x125x144xf32, #tpu.memory_space<vmem>> -> memref<1x125x144xf32, #tpu.memory_space<vmem>>
      %dma_wait3A_264 = tpu.memref_squeeze %dma_wait3A_263 : memref<1x125x144xf32, #tpu.memory_space<vmem>> -> memref<125x144xf32, #tpu.memory_space<vmem>>
      %dma_wait3A_265 = arith.constant 0 : i32
      %dma_wait3A_266 = tpu.memref_slice %arg6[%arg0, %add3A_234, %dma_wait3A_265] : memref<2x10000x144xf32, #tpu.memory_space<hbm>> -> memref<1x125x144xf32, #tpu.memory_space<hbm>>
      %dma_wait3A_267 = tpu.memref_squeeze %dma_wait3A_266 : memref<1x125x144xf32, #tpu.memory_space<hbm>> -> memref<125x144xf32, #tpu.memory_space<hbm>>
      %dma_wait3A_268 = arith.constant 0 : i32
      %dma_wait3A_269 = tpu.memref_slice %arg6[%arg0, %add3A_234, %dma_wait3A_268] : memref<2x10000x144xf32, #tpu.memory_space<hbm>> -> memref<1x125x144xf32, #tpu.memory_space<hbm>>
      %dma_wait3A_270 = tpu.memref_squeeze %dma_wait3A_269 : memref<1x125x144xf32, #tpu.memory_space<hbm>> -> memref<125x144xf32, #tpu.memory_space<hbm>>
      %dma_wait3A_271 = arith.constant 0 : i32
      %dma_wait3A_272 = arith.constant 0 : i32
      %dma_wait3A_273 = tpu.memref_slice %arg9[%run_scoped3A_235, %dma_wait3A_271, %dma_wait3A_272] : memref<2x125x144xf32, #tpu.memory_space<vmem>> -> memref<1x125x144xf32, #tpu.memory_space<vmem>>
      %dma_wait3A_274 = tpu.memref_squeeze %dma_wait3A_273 : memref<1x125x144xf32, #tpu.memory_space<vmem>> -> memref<125x144xf32, #tpu.memory_space<vmem>>
      tpu.wait_dma2 semaphore(%run_scoped3A_246 : memref<!tpu.dma_semaphore, #tpu.memory_space<semaphore_mem>>) src(%dma_wait3A_274 : memref<125x144xf32, #tpu.memory_space<vmem>>) dst(%dma_wait3A_270 : memref<125x144xf32, #tpu.memory_space<hbm>>)
      tpu.yield
    }) : () -> ()
    %mul3A_236 = arith.constant 625 : i32
    %mul3A_237 = arith.muli %arg1, %mul3A_236 : i32
    %add3A_238 = arith.constant 500 : i32
    %add3A_239 = arith.addi %mul3A_237, %add3A_238 : i32
    %run_scoped3A_240 = arith.constant 0 : i32
    "tpu.region"() ({
      %run_scoped3A_246 = tpu.sem_alloc : memref<!tpu.dma_semaphore, #tpu.memory_space<semaphore_mem>>
      %dma_start3A_247 = arith.constant 0 : i32
      %dma_start3A_248 = arith.constant 0 : i32
      %dma_start3A_249 = tpu.memref_slice %arg9[%run_scoped3A_240, %dma_start3A_247, %dma_start3A_248] : memref<2x125x144xf32, #tpu.memory_space<vmem>> -> memref<1x125x144xf32, #tpu.memory_space<vmem>>
      %dma_start3A_250 = tpu.memref_squeeze %dma_start3A_249 : memref<1x125x144xf32, #tpu.memory_space<vmem>> -> memref<125x144xf32, #tpu.memory_space<vmem>>
      %dma_start3A_251 = arith.constant 0 : i32
      %dma_start3A_252 = tpu.memref_slice %arg10[%add3A_239, %dma_start3A_251] : memref<10000x144xf32, #tpu.memory_space<vmem_shared>> -> memref<125x144xf32, #tpu.memory_space<vmem_shared>>
      %dma_start3A_253 = arith.constant 0 : i32
      %dma_start3A_254 = arith.constant 0 : i32
      %dma_start3A_255 = tpu.memref_slice %arg9[%run_scoped3A_240, %dma_start3A_253, %dma_start3A_254] : memref<2x125x144xf32, #tpu.memory_space<vmem>> -> memref<1x125x144xf32, #tpu.memory_space<vmem>>
      %dma_start3A_256 = tpu.memref_squeeze %dma_start3A_255 : memref<1x125x144xf32, #tpu.memory_space<vmem>> -> memref<125x144xf32, #tpu.memory_space<vmem>>
      %dma_start3A_257 = arith.constant 0 : i32
      %dma_start3A_258 = tpu.memref_slice %arg10[%add3A_239, %dma_start3A_257] : memref<10000x144xf32, #tpu.memory_space<vmem_shared>> -> memref<125x144xf32, #tpu.memory_space<vmem_shared>>
      tpu.enqueue_dma source(%dma_start3A_258 : memref<125x144xf32, #tpu.memory_space<vmem_shared>>) target(%dma_start3A_256 : memref<125x144xf32, #tpu.memory_space<vmem>>) target_semaphore(%run_scoped3A_246 : memref<!tpu.dma_semaphore, #tpu.memory_space<semaphore_mem>>)
      %dma_wait3A_259 = arith.constant 0 : i32
      %dma_wait3A_260 = arith.constant 0 : i32
      %dma_wait3A_261 = tpu.memref_slice %arg9[%run_scoped3A_240, %dma_wait3A_259, %dma_wait3A_260] : memref<2x125x144xf32, #tpu.memory_space<vmem>> -> memref<1x125x144xf32, #tpu.memory_space<vmem>>
      %dma_wait3A_262 = tpu.memref_squeeze %dma_wait3A_261 : memref<1x125x144xf32, #tpu.memory_space<vmem>> -> memref<125x144xf32, #tpu.memory_space<vmem>>
      %dma_wait3A_263 = arith.constant 0 : i32
      %dma_wait3A_264 = tpu.memref_slice %arg10[%add3A_239, %dma_wait3A_263] : memref<10000x144xf32, #tpu.memory_space<vmem_shared>> -> memref<125x144xf32, #tpu.memory_space<vmem_shared>>
      %dma_wait3A_265 = arith.constant 0 : i32
      %dma_wait3A_266 = arith.constant 0 : i32
      %dma_wait3A_267 = tpu.memref_slice %arg9[%run_scoped3A_240, %dma_wait3A_265, %dma_wait3A_266] : memref<2x125x144xf32, #tpu.memory_space<vmem>> -> memref<1x125x144xf32, #tpu.memory_space<vmem>>
      %dma_wait3A_268 = tpu.memref_squeeze %dma_wait3A_267 : memref<1x125x144xf32, #tpu.memory_space<vmem>> -> memref<125x144xf32, #tpu.memory_space<vmem>>
      %dma_wait3A_269 = arith.constant 0 : i32
      %dma_wait3A_270 = tpu.memref_slice %arg10[%add3A_239, %dma_wait3A_269] : memref<10000x144xf32, #tpu.memory_space<vmem_shared>> -> memref<125x144xf32, #tpu.memory_space<vmem_shared>>
      tpu.wait_dma2 semaphore(%run_scoped3A_246 : memref<!tpu.dma_semaphore, #tpu.memory_space<semaphore_mem>>) src(%dma_wait3A_270 : memref<125x144xf32, #tpu.memory_space<vmem_shared>>) dst(%dma_wait3A_268 : memref<125x144xf32, #tpu.memory_space<vmem>>)
      tpu.yield
    }) : () -> ()
    %mul3A_241 = arith.constant 625 : i32
    %mul3A_242 = arith.muli %arg1, %mul3A_241 : i32
    %add3A_243 = arith.constant 500 : i32
    %add3A_244 = arith.addi %mul3A_242, %add3A_243 : i32
    %run_scoped3A_245 = arith.constant 0 : i32
    "tpu.region"() ({
      %run_scoped3A_246 = tpu.sem_alloc : memref<!tpu.dma_semaphore, #tpu.memory_space<semaphore_mem>>
      %dma_start3A_247 = arith.constant 0 : i32
      %dma_start3A_248 = arith.constant 0 : i32
      %dma_start3A_249 = tpu.memref_slice %arg9[%run_scoped3A_245, %dma_start3A_247, %dma_start3A_248] : memref<2x125x144xf32, #tpu.memory_space<vmem>> -> memref<1x125x144xf32, #tpu.memory_space<vmem>>
      %dma_start3A_250 = tpu.memref_squeeze %dma_start3A_249 : memref<1x125x144xf32, #tpu.memory_space<vmem>> -> memref<125x144xf32, #tpu.memory_space<vmem>>
      %dma_start3A_251 = arith.constant 0 : i32
      %dma_start3A_252 = tpu.memref_slice %arg6[%arg0, %add3A_244, %dma_start3A_251] : memref<2x10000x144xf32, #tpu.memory_space<hbm>> -> memref<1x125x144xf32, #tpu.memory_space<hbm>>
      %dma_start3A_253 = tpu.memref_squeeze %dma_start3A_252 : memref<1x125x144xf32, #tpu.memory_space<hbm>> -> memref<125x144xf32, #tpu.memory_space<hbm>>
      %dma_start3A_254 = arith.constant 0 : i32
      %dma_start3A_255 = tpu.memref_slice %arg6[%arg0, %add3A_244, %dma_start3A_254] : memref<2x10000x144xf32, #tpu.memory_space<hbm>> -> memref<1x125x144xf32, #tpu.memory_space<hbm>>
      %dma_start3A_256 = tpu.memref_squeeze %dma_start3A_255 : memref<1x125x144xf32, #tpu.memory_space<hbm>> -> memref<125x144xf32, #tpu.memory_space<hbm>>
      %dma_start3A_257 = arith.constant 0 : i32
      %dma_start3A_258 = arith.constant 0 : i32
      %dma_start3A_259 = tpu.memref_slice %arg9[%run_scoped3A_245, %dma_start3A_257, %dma_start3A_258] : memref<2x125x144xf32, #tpu.memory_space<vmem>> -> memref<1x125x144xf32, #tpu.memory_space<vmem>>
      %dma_start3A_260 = tpu.memref_squeeze %dma_start3A_259 : memref<1x125x144xf32, #tpu.memory_space<vmem>> -> memref<125x144xf32, #tpu.memory_space<vmem>>
      tpu.enqueue_dma source(%dma_start3A_260 : memref<125x144xf32, #tpu.memory_space<vmem>>) target(%dma_start3A_256 : memref<125x144xf32, #tpu.memory_space<hbm>>) target_semaphore(%run_scoped3A_246 : memref<!tpu.dma_semaphore, #tpu.memory_space<semaphore_mem>>)
      %dma_wait3A_261 = arith.constant 0 : i32
      %dma_wait3A_262 = arith.constant 0 : i32
      %dma_wait3A_263 = tpu.memref_slice %arg9[%run_scoped3A_245, %dma_wait3A_261, %dma_wait3A_262] : memref<2x125x144xf32, #tpu.memory_space<vmem>> -> memref<1x125x144xf32, #tpu.memory_space<vmem>>
      %dma_wait3A_264 = tpu.memref_squeeze %dma_wait3A_263 : memref<1x125x144xf32, #tpu.memory_space<vmem>> -> memref<125x144xf32, #tpu.memory_space<vmem>>
      %dma_wait3A_265 = arith.constant 0 : i32
      %dma_wait3A_266 = tpu.memref_slice %arg6[%arg0, %add3A_244, %dma_wait3A_265] : memref<2x10000x144xf32, #tpu.memory_space<hbm>> -> memref<1x125x144xf32, #tpu.memory_space<hbm>>
      %dma_wait3A_267 = tpu.memref_squeeze %dma_wait3A_266 : memref<1x125x144xf32, #tpu.memory_space<hbm>> -> memref<125x144xf32, #tpu.memory_space<hbm>>
      %dma_wait3A_268 = arith.constant 0 : i32
      %dma_wait3A_269 = tpu.memref_slice %arg6[%arg0, %add3A_244, %dma_wait3A_268] : memref<2x10000x144xf32, #tpu.memory_space<hbm>> -> memref<1x125x144xf32, #tpu.memory_space<hbm>>
      %dma_wait3A_270 = tpu.memref_squeeze %dma_wait3A_269 : memref<1x125x144xf32, #tpu.memory_space<hbm>> -> memref<125x144xf32, #tpu.memory_space<hbm>>
      %dma_wait3A_271 = arith.constant 0 : i32
      %dma_wait3A_272 = arith.constant 0 : i32
      %dma_wait3A_273 = tpu.memref_slice %arg9[%run_scoped3A_245, %dma_wait3A_271, %dma_wait3A_272] : memref<2x125x144xf32, #tpu.memory_space<vmem>> -> memref<1x125x144xf32, #tpu.memory_space<vmem>>
      %dma_wait3A_274 = tpu.memref_squeeze %dma_wait3A_273 : memref<1x125x144xf32, #tpu.memory_space<vmem>> -> memref<125x144xf32, #tpu.memory_space<vmem>>
      tpu.wait_dma2 semaphore(%run_scoped3A_246 : memref<!tpu.dma_semaphore, #tpu.memory_space<semaphore_mem>>) src(%dma_wait3A_274 : memref<125x144xf32, #tpu.memory_space<vmem>>) dst(%dma_wait3A_270 : memref<125x144xf32, #tpu.memory_space<hbm>>)
      tpu.yield
    }) : () -> ()
    return
  }
}

module attributes {stable_mosaic.version = 14 : i64} {
  func.func @_phase_b_block(%arg0: i32, %arg1: memref<2000x128xf32, #tpu.memory_space<vmem>>, %arg2: memref<2x2000x144xf32, #tpu.memory_space<vmem>>, %arg3: memref<128x128xf32, #tpu.memory_space<vmem>>, %arg4: memref<128x128xf32, #tpu.memory_space<vmem>>, %arg5: memref<1x128xf32, #tpu.memory_space<vmem>>, %arg6: memref<2000x128xf32, #tpu.memory_space<vmem>>) attributes {dimension_semantics = [#tpu.dimension_semantics<arbitrary>], iteration_bounds = array<i64: 5>, scalar_prefetch = 0 : i64, scratch_operands = 0 : i64, tpu.core_type = #tpu.core_type<tc>, window_params = [{transform_indices = @transform_0, window_bounds = array<i64: 2000, 128>}, {transform_indices = @transform_1, window_bounds = array<i64: 2, 2000, 144>}, {pipeline_mode = #tpu.pipeline_mode<synchronous>, transform_indices = @transform_2, window_bounds = array<i64: 128, 128>}, {pipeline_mode = #tpu.pipeline_mode<synchronous>, transform_indices = @transform_3, window_bounds = array<i64: 128, 128>}, {pipeline_mode = #tpu.pipeline_mode<synchronous>, transform_indices = @transform_4, window_bounds = array<i64: 1, 128>}, {transform_indices = @transform_5, window_bounds = array<i64: 2000, 128>}]} {
    %get3A = arith.constant 0 : index
    %get3A_0 = arith.constant 0 : index
    %get3A_1 = arith.constant 0 : index
    %get3A_2 = vector.load %arg2[%get3A, %get3A_0, %get3A_1] : memref<2x2000x144xf32, #tpu.memory_space<vmem>>, vector<1x2000x144xf32>
    %get3A_3 = vector.shape_cast %get3A_2 : vector<1x2000x144xf32> to vector<2000x144xf32>
    %get3A_4 = arith.constant 1 : index
    %get3A_5 = arith.constant 0 : index
    %get3A_6 = arith.constant 0 : index
    %get3A_7 = vector.load %arg2[%get3A_4, %get3A_5, %get3A_6] : memref<2x2000x144xf32, #tpu.memory_space<vmem>>, vector<1x2000x144xf32>
    %get3A_8 = vector.shape_cast %get3A_7 : vector<1x2000x144xf32> to vector<2000x144xf32>
    %add3A = arith.addf %get3A_3, %get3A_8 : vector<2000x144xf32>
    %slice3A = vector.extract_strided_slice %add3A {offsets = [0, 128], sizes = [2000, 1], strides = [1, 1]} : vector<2000x144xf32> to vector<2000x1xf32>
    %max3A = arith.constant 1.000000e+00 : f32
    %max3A_9 = vector.broadcast %max3A : f32 to vector<2000x1xf32>
    %max3A_10 = arith.maximumf %slice3A, %max3A_9 : vector<2000x1xf32>
    %slice3A_11 = vector.extract_strided_slice %add3A {offsets = [0, 0], sizes = [2000, 128], strides = [1, 1]} : vector<2000x144xf32> to vector<2000x128xf32>
    %div3A = vector.broadcast %max3A_10 : vector<2000x1xf32> to vector<2000x128xf32>
    %div3A_12 = arith.divf %slice3A_11, %div3A : vector<2000x128xf32>
    %get3A_13 = arith.constant 0 : index
    %get3A_14 = arith.constant 0 : index
    %get3A_15 = vector.load %arg1[%get3A_13, %get3A_14] : memref<2000x128xf32, #tpu.memory_space<vmem>>, vector<2000x128xf32>
    %get3A_16 = arith.constant 0 : index
    %get3A_17 = arith.constant 0 : index
    %get3A_18 = vector.load %arg3[%get3A_16, %get3A_17] : memref<128x128xf32, #tpu.memory_space<vmem>>, vector<128x128xf32>
    %dot_general3A = arith.constant dense<0.000000e+00> : vector<2000x128xf32>
    %dot_general3A_19 = tpu.matmul %get3A_15, %get3A_18, %dot_general3A {dimension_numbers = #tpu.dot_dimension_numbers<[1], [0], [0], [1], [0, 0, 1, 1], [], []>, transpose_lhs_hint = false} : vector<2000x128xf32>, vector<128x128xf32>, vector<2000x128xf32> -> vector<2000x128xf32>
    %get3A_20 = arith.constant 0 : index
    %get3A_21 = arith.constant 0 : index
    %get3A_22 = vector.load %arg4[%get3A_20, %get3A_21] : memref<128x128xf32, #tpu.memory_space<vmem>>, vector<128x128xf32>
    %dot_general3A_23 = arith.constant dense<0.000000e+00> : vector<2000x128xf32>
    %dot_general3A_24 = tpu.matmul %div3A_12, %get3A_22, %dot_general3A_23 {dimension_numbers = #tpu.dot_dimension_numbers<[1], [0], [0], [1], [0, 0, 1, 1], [], []>, transpose_lhs_hint = false} : vector<2000x128xf32>, vector<128x128xf32>, vector<2000x128xf32> -> vector<2000x128xf32>
    %add3A_25 = arith.addf %dot_general3A_19, %dot_general3A_24 : vector<2000x128xf32>
    %get3A_26 = arith.constant 0 : index
    %get3A_27 = arith.constant 0 : index
    %get3A_28 = vector.load %arg5[%get3A_26, %get3A_27] : memref<1x128xf32, #tpu.memory_space<vmem>>, vector<1x128xf32>
    %add3A_29 = vector.broadcast %get3A_28 : vector<1x128xf32> to vector<2000x128xf32>
    %add3A_30 = arith.addf %add3A_25, %add3A_29 : vector<2000x128xf32>
    %max3A_31 = arith.constant 0.000000e+00 : f32
    %max3A_32 = vector.broadcast %max3A_31 : f32 to vector<2000x128xf32>
    %max3A_33 = arith.maximumf %add3A_30, %max3A_32 : vector<2000x128xf32>
    %swap3A = arith.constant 0 : index
    %swap3A_34 = arith.constant 0 : index
    %swap3A_35 = vector.load %arg6[%swap3A, %swap3A_34] : memref<2000x128xf32, #tpu.memory_space<vmem>>, vector<2000x128xf32>
    tpu.vector_store %arg6[%swap3A, %swap3A_34], %max3A_33 {strides = array<i32>} : memref<2000x128xf32, #tpu.memory_space<vmem>>, vector<2000x128xf32>,
    return
  }
  func.func @transform_0(%arg0: i32) -> (i32, i32) {
    %c0_i32 = arith.constant 0 : i32
    %c0_i32_0 = arith.constant 0 : i32
    return %arg0, %c0_i32 : i32, i32
  }
  func.func @transform_1(%arg0: i32) -> (i32, i32, i32) {
    %c0_i32 = arith.constant 0 : i32
    %c0_i32_0 = arith.constant 0 : i32
    %c0_i32_1 = arith.constant 0 : i32
    return %c0_i32, %arg0, %c0_i32_0 : i32, i32, i32
  }
  func.func @transform_2(%arg0: i32) -> (i32, i32) {
    %c0_i32 = arith.constant 0 : i32
    %c0_i32_0 = arith.constant 0 : i32
    %c0_i32_1 = arith.constant 0 : i32
    return %c0_i32, %c0_i32_0 : i32, i32
  }
  func.func @transform_3(%arg0: i32) -> (i32, i32) {
    %c0_i32 = arith.constant 0 : i32
    %c0_i32_0 = arith.constant 0 : i32
    %c0_i32_1 = arith.constant 0 : i32
    return %c0_i32, %c0_i32_0 : i32, i32
  }
  func.func @transform_4(%arg0: i32) -> (i32, i32) {
    %c0_i32 = arith.constant 0 : i32
    %c0_i32_0 = arith.constant 0 : i32
    %c0_i32_1 = arith.constant 0 : i32
    return %c0_i32, %c0_i32_0 : i32, i32
  }
  func.func @transform_5(%arg0: i32) -> (i32, i32) {
    %c0_i32 = arith.constant 0 : i32
    %c0_i32_0 = arith.constant 0 : i32
    return %arg0, %c0_i32 : i32, i32
  }
}

</mosaic_0001>

<sc_bundles>
// kernel: kernel.5.cloned.1.call-start
scs
__scs_entry_jumppad:
0x0: {  	(pc) =	sbr.rel $0x88, $3  }
0x1: {  	(tag) =	ssettag $0x0;
	lr =	simm.s32 $0x1  }
0x2: {  	[smem:$0x3F9C] =	sst lr;
	_ =	strace $0xD0000000  }
0x3: {  	_ = 	snop  }
0x4: {  	_ = 	snop  }
0x5: {  	_ = 	snop  }
0x6: {  	_ = 	snop  }
0x7: {  	_ = 	snop  }
__scs_overlays_trampoline_lowered:
0x8: {  	[smem:$0x3FAB] =	sst s0  }
0x9: {  	[smem:$0x3FAC] =	sst s1  }
0xa: {  	[smem:$0x3FAD] =	sst s2  }
0xb: {  	[smem:$0x3FAE] =	sst s3  }
0xc: {  	[smem:$0x3FAF] =	sst s4  }
0xd: {  	[smem:$0x3FB0] =	sst s5  }
0xe: {  	[smem:$0x3FB1] =	sst s6  }
0xf: {  	[smem:$0x3FB2] =	sst s7  }
0x10: {  	[smem:$0x3FB3] =	sst s8  }
0x11: {  	[smem:$0x3FB4] =	sst s9;
	s0 =	simm.s32 @!p0 $0x0  }
0x12: {  	s1 =	sld [smem:$0x3F9A];
	s0 =	simm.s32 @p0 $0x1  }
0x13: {  	[smem:$0x3FB5] =	sst s0;
	s0 =	simm.s32 @!p1 $0x0  }
0x14: {  	s2 =	sld [smem:$0x3F99];
	s0 =	simm.s32 @p1 $0x1  }
0x15: {  	[smem:$0x3FB6] =	sst s0;
	s0 =	simm.s32 @!p2 $0x0  }
0x16: {  	s3 =	sld [smem:$0x3FDB];
	s0 =	simm.s32 @p2 $0x1  }
0x17: {  	s4 =	simm.s32 $0x1BF5;
	[smem:$0x3FB8] =	sst s0  }
0x18: {  	s0 =	sld [smem:$0x3F9B];
	_ =	swait.ge [sflag:s4], $0x0  }
0x19: {  	s7 =	sld [smem:$0x3F9C]  }
0x1a: {  	s8 =	sadd.s32 $0xFFFFE003, lr  }
0x1b: {  	s9 =	sadd.s32 $0xFFFFFEF7, lr;
	s5 =	simm.s32 $0xFFFFFFFF;
	p2 =	slt.u32 s8, $0xFFFFF086  }
0x1c: {  	p1 =	slt.u32 s9, $0xF7A;
	s5 =	simm.s32 @!p2 $0x0  }
0x1d: {  	s5 =	simm.s32 @p1 $0x1;
	p0 =	seq.s32 s7, s2  }
0x1e: {  	s7 =	smul.u32 @!p0 $0xF7A, s2;
	p2 =	seq.s32 @!p0 s5, $0x0  }
0x1f: {  	s9 =	smul.u32 $0xF7A, s1;
	s8 =	simm.s32 @!p0 $0x1BF5;
	p2 =	por !p2, p0  }
0x20: {  	[sflag:s8] =	ssyncset.s32 @!p0 $0xFFFFF086;
	s6 =	sadd.s32 @!p0 s3, s7;
	s7 =	simm.s32 @!p0 $0x108  }
0x21: {  	s3 =	sadd.s32 s3, s9;
	s6 =	sadd.s32 @!p0 $0x88, s6;
	s7 =	simm.s32 @p2 $0x1082  }
0x22: {  	[simem:s7], [sflag:s8] =	dma.local @!p0 [hbm:s6], $0xF7A  }
0x23: {  	s9 =	sor.u32 $0xD0000000, s2;
	s6 =	simm.s32 $0x108;
	_ =	swait.ge @!p0 [sflag:s8], $0x0  }
0x24: {  	s3 =	sadd.s32 $0x88, s3;
	s6 =	simm.s32 @!p1 $0x1082;
	[sflag:s4] =	ssyncset.s32 $0xFFFFF086  }
0x25: {  	[simem:s6], [sflag:s4] =	dma.local [hbm:s3], $0xF7A  }
0x26: {  	[smem:$0x3F9C] =	sst s1;
	(tag) =	ssettag s2;
	_ =	strace s9  }
0x27: {  	s1 =	sld [smem:$0x3FAC]  }
0x28: {  	s2 =	sld [smem:$0x3FAD]  }
0x29: {  	s4 =	sld [smem:$0x3FAF]  }
0x2a: {  	p0 =	seq.s32 s5, $0x0;
	s5 =	sld [smem:$0x3FB0]  }
0x2b: {  	s6 =	sld [smem:$0x3FB1]  }
0x2c: {  	s7 =	sld [smem:$0x3FB2]  }
0x2d: {  	s3 =	simm.s32 $0x108;
	s8 =	sld [smem:$0x3FB3]  }
0x2e: {  	s3 =	simm.s32 @!p0 $0x1082;
	s9 =	sld [smem:$0x3FB4]  }
0x2f: {  	lr =	sadd.s32 s0, s3;
	s0 =	sld [smem:$0x3FAB]  }
0x30: {  	s3 =	sld [smem:$0x3FAE]  }
0x31: {  	[smem:$0x3FB7] =	sst s10  }
0x32: {  	s10 =	sld [smem:$0x3FB5];
	_ =	sdelay $0x3  }
0x33: {  	p0 =	seq.s32 s10, $0x1;
	s10 =	sld [smem:$0x3FB7];
	_ =	sdelay $0x3  }
0x34: {  	[smem:$0x3FB7] =	sst s10  }
0x35: {  	s10 =	sld [smem:$0x3FB6];
	_ =	sdelay $0x3  }
0x36: {  	p1 =	seq.s32 s10, $0x1;
	s10 =	sld [smem:$0x3FB7];
	_ =	sdelay $0x3  }
0x37: {  	[smem:$0x3FB7] =	sst s10  }
0x38: {  	s10 =	sld [smem:$0x3FB8]  }
0x39: {  	_ = 	snop;
	(pc) =	sbr.ind lr, $3  }
0x3a: {  	_ = 	snop  }
0x3b: {  	_ = 	snop  }
0x3c: {  	p2 =	seq.s32 s10, $0x1;
	s10 =	sld [smem:$0x3FB7]  }
0x3d: {  	_ =	shalt  }
0x3e: {  	_ =	shalt  }
0x3f: {  	_ =	shalt  }
0x40: {  	_ =	shalt  }
0x41: {  	_ =	shalt  }
0x42: {  	_ =	shalt  }
0x43: {  	_ =	shalt  }
0x44: {  	_ =	shalt  }
0x45: {  	_ =	shalt  }
0x46: {  	_ =	shalt  }
0x47: {  	_ =	shalt  }
0x48: {  	_ =	shalt  }
0x49: {  	_ =	shalt  }
0x4a: {  	_ =	shalt  }
0x4b: {  	_ =	shalt  }
0x4c: {  	_ =	shalt  }
0x4d: {  	_ =	shalt  }
0x4e: {  	_ =	shalt  }
0x4f: {  	_ =	shalt  }
0x50: {  	_ =	shalt  }
0x51: {  	_ =	shalt  }
0x52: {  	_ =	shalt  }
0x53: {  	_ =	shalt  }
0x54: {  	_ =	shalt  }
0x55: {  	_ =	shalt  }
0x56: {  	_ =	shalt  }
0x57: {  	_ =	shalt  }
0x58: {  	_ =	shalt  }
0x59: {  	_ =	shalt  }
0x5a: {  	_ =	shalt  }
0x5b: {  	_ =	shalt  }
0x5c: {  	_ =	shalt  }
0x5d: {  	_ =	shalt  }
0x5e: {  	_ =	shalt  }
0x5f: {  	_ =	shalt  }
0x60: {  	_ =	shalt  }
0x61: {  	_ =	shalt  }
0x62: {  	_ =	shalt  }
0x63: {  	_ =	shalt  }
0x64: {  	_ =	shalt  }
0x65: {  	_ =	shalt  }
0x66: {  	_ =	shalt  }
0x67: {  	_ =	shalt  }
0x68: {  	_ =	shalt  }
0x69: {  	_ =	shalt  }
0x6a: {  	_ =	shalt  }
0x6b: {  	_ =	shalt  }
0x6c: {  	_ =	shalt  }
0x6d: {  	_ =	shalt  }
0x6e: {  	_ =	shalt  }
0x6f: {  	_ =	shalt  }
0x70: {  	_ =	shalt  }
0x71: {  	_ =	shalt  }
0x72: {  	_ =	shalt  }
0x73: {  	_ =	shalt  }
0x74: {  	_ =	shalt  }
0x75: {  	_ =	shalt  }
0x76: {  	_ =	shalt  }
0x77: {  	_ =	shalt  }
0x78: {  	_ =	shalt  }
0x79: {  	_ =	shalt  }
0x7a: {  	_ =	shalt  }
0x7b: {  	_ =	shalt  }
0x7c: {  	_ =	shalt  }
0x7d: {  	_ =	shalt  }
0x7e: {  	_ =	shalt  }
0x7f: {  	_ =	shalt  }
0x80: {  	_ =	shalt  }
0x81: {  	_ =	shalt  }
0x82: {  	_ =	shalt  }
0x83: {  	_ =	shalt  }
0x84: {  	_ =	shalt  }
0x85: {  	_ =	shalt  }
0x86: {  	_ =	shalt  }
0x87: {  	_ =	shalt  }
.Lfunc_end0:
.L_simem_size_0:
called_computation_lowered:
.L_overlay_start_0:
0x88: {  	s2 =	sld [smem:$0x3FD9]  }
0x89: {  	s3 =	sld [smem:$0x3FFE];
	_ =	sdelay $0x1  }
0x8a: {  	s1 =	srdreg.scid  }
0x8b: {  	s0 =	sand.u32 $0x1, s1  }
0x8c: {  	s17 =	sshll.u32 s0, $0xA;
	s2 =	sadd.s32 s3, s2  }
0x8d: {  	s2 =	sadd.s32 s2, s17  }
0x8e: {  	[smem:$0x3FC3] =	sst s2  }
0x8f: {  	_ = 	snop  }
0x90: {  	s2 =	sld [smem:$0x3FD0];
	(tm) =	ssettm $0x1  }
0x91: {  	s18 =	sld [smem:$0x3FFB];
	_ =	sdelay $0x3  }
0x92: {  	_ =	strace s18  }
0x93: {  	s3 =	sld [smem:$0x3FFC];
	_ =	sdelay $0x3  }
0x94: {  	_ =	strace s3  }
0x95: {  	s3 =	sld [smem:$0x3FFD];
	_ =	sdelay $0x3  }
0x96: {  	_ =	strace s3  }
0x97: {  	_ =	strace $0x8FFFFFFF  }
0x98: {  	s19 =	sld [smem:$0x3FDB];
	_ =	sdelay $0x1  }
0x99: {  	s4 =	simm.s32 $_scs_section_size  }
0x9a: {  	s5 =	simm.s32 $_size__tile_overlayer_lowered;
	s6 =	simm.s32 $_tile_overlayer_lowered  }
0x9b: {  	s22 =	simm.s32 $0x1BFF;
	s21 =	sshll.u32 s6, $0x1;
	s3 =	sadd.s32 s4, s19  }
0x9c: {  	s7 =	simm.s32 $0x0;
	s20 =	sshll.u32 s5, $0x1;
	s5 =	sadd.s32 s21, s3  }
0x9d: {  	[timem:s7], [sflag:s22] =	dma.local [hbm:s5], s20  }
0x9e: {  	_ =	swait.ge [sflag:s22], s20  }
0x9f: {  	s4 =	ssub.s32 $0x0, s20;
	[sflag:s22] =	ssyncset.done $0x0  }
0xa0: {  	[sflag:s22] =	ssyncadd.s32 s4;
	_ =	sdelay $0x1  }
0xa1: {  	s23 =	simm.s32 $0x1B8B  }
0xa2: {  	_ =	swait.ge [sflag:s23], $0x1  }
0xa3: {  	[sflag:s23] =	ssyncset.done $0x0  }
0xa4: {  	s25 =	simm.s32 $0x1B8E;
	s24 =	sld [smem:$0x3FFE];
	[sflag:s23] =	ssyncadd.s32 $0xFFFFFFFF  }
0xa5: {  	s26 =	simm.s32 $execute0_lowered;
	[smem:$0x3FD2] =	sst s25  }
0xa6: {  	s5 =	sshll.u32 s26, $0x1;
	_ =	strace $0x80000046;
	[dreg:$0x1] =	wrdreg $0xFFFFFFFF  }
0xa7: {  	s28 =	simm.s32 $_size_execute0_lowered;
	s3 =	sadd.s32 s3, s5;
	[dreg:$0x0] =	wrdreg $0x0  }
0xa8: {  	s5 =	sshll.u32 s28, $0x1;
	[dreg:$0x2] =	wrdreg s3  }
0xa9: {  	[dreg:$0x3] =	wrdreg s5  }
0xaa: {  	[dreg:$0x4] =	wrdreg $0xC0  }
0xab: {  	_ =	task [dreg:s7], $0x5FFFF  }
0xac: {  	[dreg:$0x1] =	wrdreg $0xFFFFFFFF  }
0xad: {  	[dreg:$0x0] =	wrdreg $0x60  }
0xae: {  	[dreg:$0x2] =	wrdreg s2  }
0xaf: {  	[dreg:$0x3] =	wrdreg s24  }
0xb0: {  	[dreg:$0x4] =	wrdreg $0x90A00  }
0xb1: {  	[dreg:$0x5] =	wrdreg $0x9  }
0xb2: {  	_ =	task.clear_ibuf [dreg:s7], $0x6FFFF;
	_ =	strace $0x90000046  }
0xb3: {  	s29 =	simm.s32 $0x9;
	_ =	strace $0x80000048  }
0xb4: {  	_ =	swait.ge [sflag:s29], $0x1  }
0xb5: {  	[sflag:s29] =	ssyncadd.s32 $0xFFFFFFFF  }
0xb6: {  	_ =	strace $0x90000048  }
0xb7: {  	_ =	sfence  }
0xb8: {  	s30 =	sld [smem:$0x0];
	_ =	sdelay $0x2  }
0xb9: {  	s31 =	sshll.u32 s1, $0xD;
	s1 =	sshrl.u32 s1, $0x2  }
0xba: {  	s3 =	sand.u32 $0x4000, s31;
	s1 =	sadd.s32 s1, s30  }
0xbb: {  	s0 =	sor.u32 s3, s0;
	s1 =	sshll.u32 s1, $0x11  }
0xbc: {  	s0 =	sor.u32 s1, s0  }
0xbd: {  	s0 =	sadd.s32 $0x8F2B, s0  }
0xbe: {  	[sflag:s0] =	ssyncadd.remote.s32 $0x1  }
0xbf: {  	_ =	sfence.sel $0xFFFF  }
0xc0: {  	[dreg:$0x0] =	wrdreg $0xFFFFFFFF;
	(pc) =	sbr.abs _section_cstart, $3  }
0xc1: {  	[dreg:$0x1] =	wrdreg $0xFFFFFFFF  }
0xc2: {  	_ =	task.clear_ibuf [dreg:s7], $0x2FFFF;
	_ =	strace $0x9FFFFFFF  }
0xc3: {  	(tm) =	ssettm $0x7FFFFFFF  }
tec
execute0_lowered:
.L_overlay_start_1:
0x0: {  	(tag) =	ssettag $0x1  }
0x1: {  	s1 =	rddreg [dreg:$0x0]  }
0x2: {  	s0 =	rddreg [dreg:$0x1]  }
0x3: {  	s2 =	rddreg [dreg:$0x2];
	s3 =	simm.s32 $0x0;
	s4 =	srdreg.scid  }
0x4: {  	s22 =	stileid.u32;
	s30 =	simm.s32 $0x7D;
	s31 =	simm.s32 $0x3  }
0x5: {  	[smem:$0x7FF] =	sst s3;
	s5 =	sadd.s32 $0x1F000, s0;
	s4 =	sand.u32 $0x1, s4  }
0x6: {  	s12 =	sadd.s32 $0x15000, s0;
	s11 =	smul.u32 $0x15F90, s22;
	s7 =	sadd.s32 $0x29000, s0  }
0x7: {  	s0 =	sadd.s32 $0x29A00, s0;
	s25 =	sshll.u32 s22, $0x1;
	_ =	strace $0x80000047  }
0x8: {  	s6 =	ssub.s32 $0x2, s4;
	[dreg:$0x4] =	wrdreg s7;
	s20 =	smul.u32 $0x15F900, s4  }
0x9: {  	s8 =	sor.u32 s4, s25;
	s4 =	smul.u32 $0x50, s4;
	s24 =	sshrl.u32 s6, $0x1  }
0xa: {  	s14 =	sadd.s32 $0x4650, s11;
	s15 =	sadd.s32 $0x8CA0, s11;
	s16 =	sadd.s32 $0xD2F0, s11  }
0xb: {  	s17 =	smul.u32 $0x500, s8;
	s18 =	sadd.s32 $0x11940, s11;
	s13 =	ssub.s32 s6, s24  }
0xc: {  	s6 =	sadd.s32 s11, s2;
	s7 =	sadd.s32 s14, s2;
	s8 =	sadd.s32 s15, s2  }
0xd: {  	s9 =	sadd.s32 s16, s2;
	s10 =	sadd.s32 s18, s2;
	s11 =	sadd.s32 s11, s20  }
0xe: {  	s14 =	sadd.s32 s20, s14;
	s28 =	sadd.s32 s20, s15;
	s29 =	sadd.s32 s20, s16  }
0xf: {  	s18 =	sadd.s32 s20, s18;
	s16 =	smul.u32 $0xA0, s22;
	s19 =	sor.u32 $0x10, s17  }
0x10: {  	s21 =	sadd.s32 s5, s17;
	s17 =	sadd.s32 s12, s17;
	s11 =	sshrl.u32 s11, $0x3  }
0x11: {  	s22 =	sshrl.u32 s14, $0x3;
	s23 =	sshrl.u32 s28, $0x3;
	[dreg:$0x5] =	wrdreg s21  }
0x12: {  	s25 =	sshrl.u32 s29, $0x3;
	[dreg:$0x6] =	wrdreg s17;
	s26 =	sadd.s32 s5, s19  }
0x13: {  	s20 =	smax.u32 s13, $0x1;
	s19 =	sadd.s32 s12, s19;
	[dreg:$0x7] =	wrdreg s26  }
0x14: {  	s11 =	sadd.s32 s0, s11;
	s24 =	sadd.s32 s0, s23;
	[dreg:$0x8] =	wrdreg s19  }
0x15: {  	s4 =	sadd.s32 s4, s16;
	s23 =	simm.s32 $0x400;
	[dreg:$0x9] =	wrdreg s11  }
0x16: {  	s11 =	sadd.s32 s0, s22;
	[dreg:$0xb] =	wrdreg s24;
	s26 =	sshrl.u32 s18, $0x3  }
.Ltmp0:
0x17: {  	s4 =	sshll.u32 s4, $0x4;
	s24 =	simm.s32 $0x9;
	(pc) =	sbr.rel .LBB2_1-.Ltmp0, $4  }
0x18: {  	[dreg:$0xa] =	wrdreg s11;
	s11 =	sadd.s32 s0, s25;
	s19 =	sadd.s32 s0, s26  }
0x19: {  	s28 =	sadd.s32 s4, s5;
	s29 =	sadd.s32 s4, s12;
	s26 =	simm.s32 $0x5  }
0x1a: {  	s0 =	simm.s32 $0x4;
	s4 =	simm.s32 $0x4A50;
	s25 =	simm.s32 $0x0  }
0x1b: {  	[dreg:$0xc] =	wrdreg s11;
	s11 =	sadd.s32 $0x20, s28;
	s5 =	sadd.s32 $0x20, s29  }
.LBB2_7:
0x1c: {  	_ =	swait.ge [sflag:s31], $0x4650  }
0x1d: {  	[sflag:s31] =	ssyncset.done $0x0  }
0x1e: {  	[sflag:s31] =	ssyncadd.s32 $0xFFFFB9B0  }
0x1f: {  	_ =	swait.ge [sflag:s0], $0x4650  }
0x20: {  	[sflag:s0] =	ssyncset.done $0x0  }
0x21: {  	[sflag:s0] =	ssyncadd.s32 $0xFFFFB9B0  }
0x22: {  	[bflag:$0x0] =	sbarrier.arrive $0xFFFF  }
0x23: {  	[tilespmem:s23], [sflag:$0x9] =	stream.linear.gather [spmem:s6], $0x4650, $0x38;
	[tilespmem:$0x1F030] =	vst v63  }
0x24: {  	_ =	swait.ge [sflag:s24], $0x4650  }
0x25: {  	[sflag:s24] =	ssyncset.done $0x0  }
0x26: {  	s12 =	rddreg [dreg:$0x9];
	[sflag:s24] =	ssyncadd.s32 $0xFFFFB9B0  }
0x27: {  	[hbm4b:s12+s3] =	stream.linear.scatter [tilespmem:s23], [sflag:$0x9], $0x4650, $0x38;
	[tilespmem:$0x1F030] =	vst v63  }
0x28: {  	_ =	swait.ge [sflag:s24], $0x4650  }
0x29: {  	[sflag:s24] =	ssyncset.done $0x0  }
0x2a: {  	[sflag:s24] =	ssyncadd.s32 $0xFFFFB9B0  }
0x2b: {  	[tilespmem:s4], [sflag:$0x9] =	stream.linear.gather [spmem:s7], $0x4650, $0x38;
	[tilespmem:$0x1F030] =	vst v63  }
0x2c: {  	_ =	swait.ge [sflag:s24], $0x4650  }
0x2d: {  	[sflag:s24] =	ssyncset.done $0x0  }
0x2e: {  	s22 =	rddreg [dreg:$0xa];
	[sflag:s24] =	ssyncadd.s32 $0xFFFFB9B0  }
0x2f: {  	[hbm4b:s22+s3] =	stream.linear.scatter [tilespmem:s4], [sflag:$0x9], $0x4650, $0x38;
	[tilespmem:$0x1F030] =	vst v63  }
0x30: {  	_ =	swait.ge [sflag:s24], $0x4650  }
0x31: {  	[sflag:s24] =	ssyncset.done $0x0  }
0x32: {  	[sflag:s24] =	ssyncadd.s32 $0xFFFFB9B0  }
0x33: {  	[tilespmem:s23], [sflag:$0x9] =	stream.linear.gather [spmem:s8], $0x4650, $0x38;
	[tilespmem:$0x1F030] =	vst v63  }
0x34: {  	_ =	swait.ge [sflag:s24], $0x4650  }
0x35: {  	[sflag:s24] =	ssyncset.done $0x0  }
0x36: {  	s28 =	rddreg [dreg:$0xb];
	[sflag:s24] =	ssyncadd.s32 $0xFFFFB9B0  }
0x37: {  	[hbm4b:s28+s3] =	stream.linear.scatter [tilespmem:s23], [sflag:$0x9], $0x4650, $0x38;
	[tilespmem:$0x1F030] =	vst v63  }
0x38: {  	_ =	swait.ge [sflag:s24], $0x4650  }
0x39: {  	[sflag:s24] =	ssyncset.done $0x0  }
0x3a: {  	[sflag:s24] =	ssyncadd.s32 $0xFFFFB9B0  }
0x3b: {  	[tilespmem:s4], [sflag:$0x9] =	stream.linear.gather [spmem:s9], $0x4650, $0x38;
	[tilespmem:$0x1F030] =	vst v63  }
0x3c: {  	_ =	swait.ge [sflag:s24], $0x4650  }
0x3d: {  	[sflag:s24] =	ssyncset.done $0x0  }
0x3e: {  	s29 =	rddreg [dreg:$0xc];
	[sflag:s24] =	ssyncadd.s32 $0xFFFFB9B0  }
0x3f: {  	[hbm4b:s29+s3] =	stream.linear.scatter [tilespmem:s4], [sflag:$0x9], $0x4650, $0x38;
	[tilespmem:$0x1F030] =	vst v63  }
0x40: {  	_ =	swait.ge [sflag:s24], $0x4650  }
0x41: {  	[sflag:s24] =	ssyncset.done $0x0  }
0x42: {  	[sflag:s24] =	ssyncadd.s32 $0xFFFFB9B0  }
0x43: {  	[tilespmem:s23], [sflag:$0x9] =	stream.linear.gather [spmem:s10], $0x4650, $0x38;
	[tilespmem:$0x1F030] =	vst v63  }
0x44: {  	s25 =	sadd.s32 $0x1, s25;
	_ =	swait.ge [sflag:s24], $0x4650  }
0x45: {  	p0 =	sne.s32 s25, s20;
	[sflag:s24] =	ssyncset.done $0x0  }
.Ltmp1:
0x46: {  	[sflag:s24] =	ssyncadd.s32 $0xFFFFB9B0;
	(pc) =	sbr.rel @!p0 .LBB2_8-.Ltmp1, $4  }
0x47: {  	[hbm4b:s19+s3] =	stream.linear.scatter [tilespmem:s23], [sflag:$0x9], $0x4650, $0x38;
	[tilespmem:$0x1F030] =	vst v63  }
0x48: {  	_ =	swait.ge [sflag:s24], $0x4650  }
0x49: {  	[sflag:s24] =	ssyncset.done $0x0  }
0x4a: {  	[sflag:s24] =	ssyncadd.s32 $0xFFFFB9B0  }
.LBB2_1:
0x4b: {  	s12 =	rddreg [dreg:$0x4]  }
0x4c: {  	[tilespmem:s23], [sflag:$0x9] =	stream.linear.gather [hbm4b:s12+s3], $0x4650, $0x38;
	[tilespmem:$0x1F030] =	vst v63  }
0x4d: {  	_ =	swait.ge [sflag:s24], $0x4650  }
0x4e: {  	[sflag:s24] =	ssyncset.done $0x0  }
0x4f: {  	[sflag:s24] =	ssyncadd.s32 $0xFFFFB9B0  }
0x50: {  	[spmem:s6] =	stream.linear.scatter [tilespmem:s23], [sflag:$0x9], $0x4650, $0x38;
	[tilespmem:$0x1F030] =	vst v63  }
0x51: {  	_ =	swait.ge [sflag:s24], $0x4650  }
0x52: {  	[sflag:s24] =	ssyncset.done $0x0  }
0x53: {  	[sflag:s24] =	ssyncadd.s32 $0xFFFFB9B0  }
0x54: {  	[spmem:s7] =	stream.linear.scatter [tilespmem:s23], [sflag:$0x9], $0x4650, $0x38;
	[tilespmem:$0x1F030] =	vst v63  }
0x55: {  	_ =	swait.ge [sflag:s24], $0x4650  }
0x56: {  	[sflag:s24] =	ssyncset.done $0x0  }
0x57: {  	[sflag:s24] =	ssyncadd.s32 $0xFFFFB9B0  }
0x58: {  	[spmem:s8] =	stream.linear.scatter [tilespmem:s23], [sflag:$0x9], $0x4650, $0x38;
	[tilespmem:$0x1F030] =	vst v63  }
0x59: {  	_ =	swait.ge [sflag:s24], $0x4650  }
0x5a: {  	[sflag:s24] =	ssyncset.done $0x0  }
0x5b: {  	[sflag:s24] =	ssyncadd.s32 $0xFFFFB9B0  }
0x5c: {  	[spmem:s9] =	stream.linear.scatter [tilespmem:s23], [sflag:$0x9], $0x4650, $0x38;
	[tilespmem:$0x1F030] =	vst v63  }
0x5d: {  	_ =	swait.ge [sflag:s24], $0x4650  }
0x5e: {  	[sflag:s24] =	ssyncset.done $0x0  }
0x5f: {  	[sflag:s24] =	ssyncadd.s32 $0xFFFFB9B0  }
0x60: {  	[spmem:s10] =	stream.linear.scatter [tilespmem:s23], [sflag:$0x9], $0x4650, $0x38;
	[tilespmem:$0x1F030] =	vst v63  }
0x61: {  	_ =	swait.ge [sflag:s24], $0x4650  }
0x62: {  	[sflag:s24] =	ssyncset.done $0x0  }
0x63: {  	s15 =	rddreg [dreg:$0x5];
	[sflag:s24] =	ssyncadd.s32 $0xFFFFB9B0  }
0x64: {  	[tilespmem:s3], [sflag:$0x5] =	stream.linear.gather [hbm4b:s15+s3], $0x80, $0x38;
	[tilespmem:$0x1F030] =	vst v63  }
0x65: {  	s13 =	simm.s32 $0x200;
	s16 =	rddreg [dreg:$0x6]  }
0x66: {  	[tilespmem:s13], [sflag:$0x5] =	stream.linear.gather [hbm4b:s16+s3], $0x80, $0x38;
	[tilespmem:$0x1F030] =	vst v63  }
0x67: {  	_ =	swait.ge [sflag:s26], $0x80  }
0x68: {  	[sflag:s26] =	ssyncset.done $0x0  }
0x69: {  	[sflag:s26] =	ssyncadd.s32 $0xFFFFFF80  }
0x6a: {  	_ =	swait.ge [sflag:s26], $0x80  }
0x6b: {  	[sflag:s26] =	ssyncset.done $0x0  }
0x6c: {  	s18 =	simm.s32 $0x80;
	s17 =	rddreg [dreg:$0x7];
	[sflag:s26] =	ssyncadd.s32 $0xFFFFFF80  }
0x6d: {  	[tilespmem:s18], [sflag:$0x6] =	stream.linear.gather [hbm4b:s17+s3], $0x80, $0x38;
	[tilespmem:$0x1F030] =	vst v63  }
.Ltmp2:
0x6e: {  	s22 =	simm.s32 $0x280;
	(pc) =	sbr.rel .LBB2_2-.Ltmp2, $4  }
0x6f: {  	s28 =	simm.s32 $0x2;
	s29 =	simm.s32 $0x0;
	s21 =	rddreg [dreg:$0x8]  }
0x70: {  	[tilespmem:s22], [sflag:$0x6] =	stream.linear.gather [hbm4b:s21+s3], $0x80, $0x38;
	[tilespmem:$0x1F030] =	vst v63  }
0x71: {  	s22 =	smov.u32 s5;
	s21 =	smov.u32 s11;
	[bflag:$0x0] =	sbarrier.arrive $0xFFFF  }
0x72: {  	[tilespmem:s23], [sflag:$0x1] =	stream.indirect.gather [hbm4b:s1+s30], $0x90, s3, s30, $0xb8;
	[tilespmem:$0x1F030] =	vst v63  }
.LBB2_5:
0x73: {  	s15 =	sadd.s32 $0xFFFFFFFF, s28  }
0x74: {  	s15 =	sand.u32 $0x3, s15  }
0x75: {  	s16 =	sadd.s32 $0x5, s15  }
0x76: {  	_ =	swait.ge [sflag:s16], $0x80  }
0x77: {  	[sflag:s16] =	ssyncset.done $0x0  }
0x78: {  	[sflag:s16] =	ssyncadd.s32 $0xFFFFFF80  }
0x79: {  	p0 =	sgt.u32 s14, $0x4D;
	_ =	swait.ge [sflag:s16], $0x80  }
0x7a: {  	s14 =	sand.u32 @!p0 $0x3, s28;
	s17 =	simm.s32 @!p0 $0x0;
	[sflag:s16] =	ssyncset.done $0x0  }
0x7b: {  	[sflag:s16] =	ssyncadd.s32 $0xFFFFFF80;
	s16 =	sadd.s32 @!p0 $0x5, s14;
	s14 =	sshll.u32 @!p0 s14, $0x7  }
0x7c: {  	[tilespmem:s14], [sflag:s16] =	stream.linear.gather @!p0 [hbm4b:s21+s17], $0x80, $0x38;
	[tilespmem:$0x1F030] =	vst v63  }
0x7d: {  	s18 =	smul.u32 $0x11940, s13;
	s14 =	sor.u32 @!p0 $0x200, s14  }
0x7e: {  	[tilespmem:s14], [sflag:s16] =	stream.linear.gather @!p0 [hbm4b:s22+s17], $0x80, $0x38;
	[tilespmem:$0x1F030] =	vst v63  }
0x7f: {  	s17 =	sshrl.u32 s18, $0x2  }
0x80: {  	s15 =	sshll.u32 s15, $0x7;
	s18 =	sadd.s32 $0x1, s13;
	s14 =	sadd.s32 $0x400, s17  }
0x81: {  	[tilespmem:s14], [sflag:s18] =	stream.indirect.gather [hbm4b:s1+s30], $0x90, s15, s30, $0xb8;
	[tilespmem:$0x1F030] =	vst v63  }
.LBB2_6:
0x82: {  	s13 =	sadd.s32 $0x1, s12;
	s28 =	sadd.s32 $0x1, s28  }
0x83: {  	s14 =	smul.u32 $0x11940, s12;
	s15 =	sand.u32 $0x600, s29;
	p0 =	sne.s32 s28, $0x52  }
.Ltmp3:
0x84: {  	s18 =	sadd.s32 $0x3, s12;
	s21 =	sadd.s32 $0x10, s21;
	(pc) =	sbr.rel @!p0 .LBB2_7-.Ltmp3, $4  }
0x85: {  	s22 =	sadd.s32 $0x10, s22;
	s29 =	sadd.s32 $0x200, s29;
	_ =	swait.ge [sflag:s13], $0x4650  }
0x86: {  	s17 =	sshrl.u32 s15, $0x2;
	[sflag:s13] =	ssyncset.done $0x0;
	s16 =	sshrl.u32 s14, $0x2  }
0x87: {  	s14 =	sor.u32 $0x200, s17;
	[sflag:s13] =	ssyncadd.s32 $0xFFFFB9B0;
	s13 =	sadd.s32 $0x400, s16  }
0x88: {  	[spmem:s2] =	stream.indirect.scatter.add.f32 [tilespmem:s13], [sflag:s18], $0x90, s14, s30, $0xb8;
	[tilespmem:$0x1F030] =	vst v63  }
.LBB2_2:
0x89: {  	s14 =	sadd.s32 $0xFFFFFFFE, s28  }
0x8a: {  	p0 =	seq.s32 s14, $0x0  }
.Ltmp4:
0x8b: {  	_ = 	snop;
	(pc) =	sbr.rel @p0 .LBB2_5-.Ltmp4, $3  }
0x8c: {  	_ =	sdelay $0x1  }
0x8d: {  	s12 =	sand.u32 $0x1, s14  }
0x8e: {  	s13 =	sxor.u32 $0x1, s12  }
0x8f: {  	p0 =	seq.s32 s14, $0x4F  }
.Ltmp5:
0x90: {  	_ = 	snop;
	(pc) =	sbr.rel @p0 .LBB2_6-.Ltmp5, $1  }
0x91: {  	_ =	sdelay $0x3  }
.Ltmp6:
0x92: {  	(pc) =	sbr.rel .LBB2_5-.Ltmp6, $4  }
0x93: {  	s15 =	sadd.s32 $0x3, s13  }
0x94: {  	_ =	swait.ge [sflag:s15], $0x4650  }
0x95: {  	[sflag:s15] =	ssyncset.done $0x0  }
0x96: {  	[sflag:s15] =	ssyncadd.s32 $0xFFFFB9B0  }
.LBB2_8:
0x97: {  	_ =	sfence.sel $0x180000  }
0x98: {  	[bflag:$0x0] =	sbarrier.arrive $0xFFFF  }
0x99: {  	_ =	strace $0x90000047  }
0x9a: {  	s0 =	stileid.u32;
	[bflag:$0x2] =	sbarrier.arrive $0xFFFF  }
0x9b: {  	p0 =	sne.s32 s0, $0x0;
	s0 =	rddreg [dreg:$0x3]  }
0x9c: {  	s0 =	sadd.s32 @!p0 $0x100000, s0  }
0x9d: {  	[sflag:s0] =	ssyncadd.tile.s32 @!p0 $0x1;
	_ =	shalt  }
.Lfunc_end2:
_tile_overlayer_lowered:
.L_overlay_start_2:
0x9e: {  	(tag) =	ssettag $0x2  }
0x9f: {  	s0 =	rddreg [dreg:$0x0];
	s2 =	stileid.u32  }
0xa0: {  	s1 =	rddreg [dreg:$0x1];
	p0 =	sne.s32 s2, $0x0  }
0xa1: {  	s3 =	rddreg [dreg:$0x2];
	[bflag:$0x3] =	sbarrier.arrive $0xFFFF;
	s2 =	simm.s32 @!p0 $0x1C09  }
0xa2: {  	[timem:s3], [sflag:s2] =	dma.local @!p0 [hbm:s0], s1  }
0xa3: {  	s0 =	simm.s32 @!p0 $0x9  }
0xa4: {  	_ =	swait.ge @!p0 [sflag:s0], s1  }
0xa5: {  	s1 =	ssub.s32 @!p0 $0x0, s1;
	[sflag:s0] =	ssyncset.done @!p0 $0x0  }
0xa6: {  	[sflag:s0] =	ssyncadd.s32 @!p0 s1  }
0xa7: {  	[bflag:$0x3] =	sbarrier.arrive $0xFFFF  }
0xa8: {  	_ =	shalt  }

// kernel: kernel.8.cloned.1.call-start
scs
__scs_entry_jumppad:
0x0: {  	(pc) =	sbr.rel $0x88, $3  }
0x1: {  	(tag) =	ssettag $0x0;
	lr =	simm.s32 $0x1  }
0x2: {  	[smem:$0x3F9C] =	sst lr;
	_ =	strace $0xD0000000  }
0x3: {  	_ = 	snop  }
0x4: {  	_ = 	snop  }
0x5: {  	_ = 	snop  }
0x6: {  	_ = 	snop  }
0x7: {  	_ = 	snop  }
__scs_overlays_trampoline_lowered:
0x8: {  	[smem:$0x3FAB] =	sst s0  }
0x9: {  	[smem:$0x3FAC] =	sst s1  }
0xa: {  	[smem:$0x3FAD] =	sst s2  }
0xb: {  	[smem:$0x3FAE] =	sst s3  }
0xc: {  	[smem:$0x3FAF] =	sst s4  }
0xd: {  	[smem:$0x3FB0] =	sst s5  }
0xe: {  	[smem:$0x3FB1] =	sst s6  }
0xf: {  	[smem:$0x3FB2] =	sst s7  }
0x10: {  	[smem:$0x3FB3] =	sst s8  }
0x11: {  	[smem:$0x3FB4] =	sst s9;
	s0 =	simm.s32 @!p0 $0x0  }
0x12: {  	s1 =	sld [smem:$0x3F9A];
	s0 =	simm.s32 @p0 $0x1  }
0x13: {  	[smem:$0x3FB5] =	sst s0;
	s0 =	simm.s32 @!p1 $0x0  }
0x14: {  	s2 =	sld [smem:$0x3F99];
	s0 =	simm.s32 @p1 $0x1  }
0x15: {  	[smem:$0x3FB6] =	sst s0;
	s0 =	simm.s32 @!p2 $0x0  }
0x16: {  	s3 =	sld [smem:$0x3FDB];
	s0 =	simm.s32 @p2 $0x1  }
0x17: {  	s4 =	simm.s32 $0x1BF5;
	[smem:$0x3FB8] =	sst s0  }
0x18: {  	s0 =	sld [smem:$0x3F9B];
	_ =	swait.ge [sflag:s4], $0x0  }
0x19: {  	s7 =	sld [smem:$0x3F9C]  }
0x1a: {  	s8 =	sadd.s32 $0xFFFFE003, lr  }
0x1b: {  	s9 =	sadd.s32 $0xFFFFFEF7, lr;
	s5 =	simm.s32 $0xFFFFFFFF;
	p2 =	slt.u32 s8, $0xFFFFF086  }
0x1c: {  	p1 =	slt.u32 s9, $0xF7A;
	s5 =	simm.s32 @!p2 $0x0  }
0x1d: {  	s5 =	simm.s32 @p1 $0x1;
	p0 =	seq.s32 s7, s2  }
0x1e: {  	s7 =	smul.u32 @!p0 $0xF7A, s2;
	p2 =	seq.s32 @!p0 s5, $0x0  }
0x1f: {  	s9 =	smul.u32 $0xF7A, s1;
	s8 =	simm.s32 @!p0 $0x1BF5;
	p2 =	por !p2, p0  }
0x20: {  	[sflag:s8] =	ssyncset.s32 @!p0 $0xFFFFF086;
	s6 =	sadd.s32 @!p0 s3, s7;
	s7 =	simm.s32 @!p0 $0x108  }
0x21: {  	s3 =	sadd.s32 s3, s9;
	s6 =	sadd.s32 @!p0 $0x88, s6;
	s7 =	simm.s32 @p2 $0x1082  }
0x22: {  	[simem:s7], [sflag:s8] =	dma.local @!p0 [hbm:s6], $0xF7A  }
0x23: {  	s9 =	sor.u32 $0xD0000000, s2;
	s6 =	simm.s32 $0x108;
	_ =	swait.ge @!p0 [sflag:s8], $0x0  }
0x24: {  	s3 =	sadd.s32 $0x88, s3;
	s6 =	simm.s32 @!p1 $0x1082;
	[sflag:s4] =	ssyncset.s32 $0xFFFFF086  }
0x25: {  	[simem:s6], [sflag:s4] =	dma.local [hbm:s3], $0xF7A  }
0x26: {  	[smem:$0x3F9C] =	sst s1;
	(tag) =	ssettag s2;
	_ =	strace s9  }
0x27: {  	s1 =	sld [smem:$0x3FAC]  }
0x28: {  	s2 =	sld [smem:$0x3FAD]  }
0x29: {  	s4 =	sld [smem:$0x3FAF]  }
0x2a: {  	p0 =	seq.s32 s5, $0x0;
	s5 =	sld [smem:$0x3FB0]  }
0x2b: {  	s6 =	sld [smem:$0x3FB1]  }
0x2c: {  	s7 =	sld [smem:$0x3FB2]  }
0x2d: {  	s3 =	simm.s32 $0x108;
	s8 =	sld [smem:$0x3FB3]  }
0x2e: {  	s3 =	simm.s32 @!p0 $0x1082;
	s9 =	sld [smem:$0x3FB4]  }
0x2f: {  	lr =	sadd.s32 s0, s3;
	s0 =	sld [smem:$0x3FAB]  }
0x30: {  	s3 =	sld [smem:$0x3FAE]  }
0x31: {  	[smem:$0x3FB7] =	sst s10  }
0x32: {  	s10 =	sld [smem:$0x3FB5];
	_ =	sdelay $0x3  }
0x33: {  	p0 =	seq.s32 s10, $0x1;
	s10 =	sld [smem:$0x3FB7];
	_ =	sdelay $0x3  }
0x34: {  	[smem:$0x3FB7] =	sst s10  }
0x35: {  	s10 =	sld [smem:$0x3FB6];
	_ =	sdelay $0x3  }
0x36: {  	p1 =	seq.s32 s10, $0x1;
	s10 =	sld [smem:$0x3FB7];
	_ =	sdelay $0x3  }
0x37: {  	[smem:$0x3FB7] =	sst s10  }
0x38: {  	s10 =	sld [smem:$0x3FB8]  }
0x39: {  	_ = 	snop;
	(pc) =	sbr.ind lr, $3  }
0x3a: {  	_ = 	snop  }
0x3b: {  	_ = 	snop  }
0x3c: {  	p2 =	seq.s32 s10, $0x1;
	s10 =	sld [smem:$0x3FB7]  }
0x3d: {  	_ =	shalt  }
0x3e: {  	_ =	shalt  }
0x3f: {  	_ =	shalt  }
0x40: {  	_ =	shalt  }
0x41: {  	_ =	shalt  }
0x42: {  	_ =	shalt  }
0x43: {  	_ =	shalt  }
0x44: {  	_ =	shalt  }
0x45: {  	_ =	shalt  }
0x46: {  	_ =	shalt  }
0x47: {  	_ =	shalt  }
0x48: {  	_ =	shalt  }
0x49: {  	_ =	shalt  }
0x4a: {  	_ =	shalt  }
0x4b: {  	_ =	shalt  }
0x4c: {  	_ =	shalt  }
0x4d: {  	_ =	shalt  }
0x4e: {  	_ =	shalt  }
0x4f: {  	_ =	shalt  }
0x50: {  	_ =	shalt  }
0x51: {  	_ =	shalt  }
0x52: {  	_ =	shalt  }
0x53: {  	_ =	shalt  }
0x54: {  	_ =	shalt  }
0x55: {  	_ =	shalt  }
0x56: {  	_ =	shalt  }
0x57: {  	_ =	shalt  }
0x58: {  	_ =	shalt  }
0x59: {  	_ =	shalt  }
0x5a: {  	_ =	shalt  }
0x5b: {  	_ =	shalt  }
0x5c: {  	_ =	shalt  }
0x5d: {  	_ =	shalt  }
0x5e: {  	_ =	shalt  }
0x5f: {  	_ =	shalt  }
0x60: {  	_ =	shalt  }
0x61: {  	_ =	shalt  }
0x62: {  	_ =	shalt  }
0x63: {  	_ =	shalt  }
0x64: {  	_ =	shalt  }
0x65: {  	_ =	shalt  }
0x66: {  	_ =	shalt  }
0x67: {  	_ =	shalt  }
0x68: {  	_ =	shalt  }
0x69: {  	_ =	shalt  }
0x6a: {  	_ =	shalt  }
0x6b: {  	_ =	shalt  }
0x6c: {  	_ =	shalt  }
0x6d: {  	_ =	shalt  }
0x6e: {  	_ =	shalt  }
0x6f: {  	_ =	shalt  }
0x70: {  	_ =	shalt  }
0x71: {  	_ =	shalt  }
0x72: {  	_ =	shalt  }
0x73: {  	_ =	shalt  }
0x74: {  	_ =	shalt  }
0x75: {  	_ =	shalt  }
0x76: {  	_ =	shalt  }
0x77: {  	_ =	shalt  }
0x78: {  	_ =	shalt  }
0x79: {  	_ =	shalt  }
0x7a: {  	_ =	shalt  }
0x7b: {  	_ =	shalt  }
0x7c: {  	_ =	shalt  }
0x7d: {  	_ =	shalt  }
0x7e: {  	_ =	shalt  }
0x7f: {  	_ =	shalt  }
0x80: {  	_ =	shalt  }
0x81: {  	_ =	shalt  }
0x82: {  	_ =	shalt  }
0x83: {  	_ =	shalt  }
0x84: {  	_ =	shalt  }
0x85: {  	_ =	shalt  }
0x86: {  	_ =	shalt  }
0x87: {  	_ =	shalt  }
.Lfunc_end0:
.L_simem_size_0:
called_computation.1_lowered:
.L_overlay_start_0:
0x88: {  	s2 =	sld [smem:$0x3FD9]  }
0x89: {  	s3 =	sld [smem:$0x3FFE];
	_ =	sdelay $0x1  }
0x8a: {  	s1 =	srdreg.scid  }
0x8b: {  	s0 =	sand.u32 $0x1, s1  }
0x8c: {  	s17 =	sshll.u32 s0, $0xA;
	s2 =	sadd.s32 s3, s2  }
0x8d: {  	s2 =	sadd.s32 s2, s17  }
0x8e: {  	[smem:$0x3FC3] =	sst s2  }
0x8f: {  	_ = 	snop  }
0x90: {  	s2 =	sld [smem:$0x3FD0];
	(tm) =	ssettm $0x1  }
0x91: {  	s18 =	sld [smem:$0x3FFB];
	_ =	sdelay $0x3  }
0x92: {  	_ =	strace s18  }
0x93: {  	s3 =	sld [smem:$0x3FFC];
	_ =	sdelay $0x3  }
0x94: {  	_ =	strace s3  }
0x95: {  	s3 =	sld [smem:$0x3FFD];
	_ =	sdelay $0x3  }
0x96: {  	_ =	strace s3  }
0x97: {  	_ =	strace $0x8FFFFFFF  }
0x98: {  	s19 =	sld [smem:$0x3FDB];
	_ =	sdelay $0x1  }
0x99: {  	s4 =	simm.s32 $_scs_section_size  }
0x9a: {  	s5 =	simm.s32 $_size__tile_overlayer_lowered;
	s6 =	simm.s32 $_tile_overlayer_lowered  }
0x9b: {  	s22 =	simm.s32 $0x1BFF;
	s21 =	sshll.u32 s6, $0x1;
	s3 =	sadd.s32 s4, s19  }
0x9c: {  	s7 =	simm.s32 $0x0;
	s20 =	sshll.u32 s5, $0x1;
	s5 =	sadd.s32 s21, s3  }
0x9d: {  	[timem:s7], [sflag:s22] =	dma.local [hbm:s5], s20  }
0x9e: {  	_ =	swait.ge [sflag:s22], s20  }
0x9f: {  	s4 =	ssub.s32 $0x0, s20;
	[sflag:s22] =	ssyncset.done $0x0  }
0xa0: {  	[sflag:s22] =	ssyncadd.s32 s4;
	_ =	sdelay $0x1  }
0xa1: {  	s23 =	simm.s32 $0x1B8B  }
0xa2: {  	_ =	swait.ge [sflag:s23], $0x1  }
0xa3: {  	[sflag:s23] =	ssyncset.done $0x0  }
0xa4: {  	s25 =	simm.s32 $0x1B8E;
	s24 =	sld [smem:$0x3FFE];
	[sflag:s23] =	ssyncadd.s32 $0xFFFFFFFF  }
0xa5: {  	s26 =	simm.s32 $execute0_lowered;
	[smem:$0x3FD2] =	sst s25  }
0xa6: {  	s5 =	sshll.u32 s26, $0x1;
	_ =	strace $0x80000049;
	[dreg:$0x1] =	wrdreg $0xFFFFFFFF  }
0xa7: {  	s28 =	simm.s32 $_size_execute0_lowered;
	s3 =	sadd.s32 s3, s5;
	[dreg:$0x0] =	wrdreg $0x0  }
0xa8: {  	s5 =	sshll.u32 s28, $0x1;
	[dreg:$0x2] =	wrdreg s3  }
0xa9: {  	[dreg:$0x3] =	wrdreg s5  }
0xaa: {  	[dreg:$0x4] =	wrdreg $0xC0  }
0xab: {  	_ =	task [dreg:s7], $0x5FFFF  }
0xac: {  	[dreg:$0x1] =	wrdreg $0xFFFFFFFF  }
0xad: {  	[dreg:$0x0] =	wrdreg $0x60  }
0xae: {  	[dreg:$0x2] =	wrdreg s24  }
0xaf: {  	[dreg:$0x3] =	wrdreg s2  }
0xb0: {  	[dreg:$0x4] =	wrdreg $0x9  }
0xb1: {  	_ =	task.clear_ibuf [dreg:s7], $0x5FFFF;
	_ =	strace $0x90000049  }
0xb2: {  	s29 =	simm.s32 $0x9;
	_ =	strace $0x8000004B  }
0xb3: {  	_ =	swait.ge [sflag:s29], $0x1  }
0xb4: {  	[sflag:s29] =	ssyncadd.s32 $0xFFFFFFFF  }
0xb5: {  	_ =	strace $0x9000004B  }
0xb6: {  	_ =	sfence  }
0xb7: {  	s30 =	sld [smem:$0x0];
	_ =	sdelay $0x2  }
0xb8: {  	s31 =	sshll.u32 s1, $0xD;
	s1 =	sshrl.u32 s1, $0x2  }
0xb9: {  	s3 =	sand.u32 $0x4000, s31;
	s1 =	sadd.s32 s1, s30  }
0xba: {  	s0 =	sor.u32 s3, s0;
	s1 =	sshll.u32 s1, $0x11  }
0xbb: {  	s0 =	sor.u32 s1, s0  }
0xbc: {  	s0 =	sadd.s32 $0x8F2B, s0  }
0xbd: {  	[sflag:s0] =	ssyncadd.remote.s32 $0x1  }
0xbe: {  	_ =	sfence.sel $0xFFFF  }
0xbf: {  	[dreg:$0x0] =	wrdreg $0xFFFFFFFF;
	(pc) =	sbr.abs _section_cstart, $3  }
0xc0: {  	[dreg:$0x1] =	wrdreg $0xFFFFFFFF  }
0xc1: {  	_ =	task.clear_ibuf [dreg:s7], $0x2FFFF;
	_ =	strace $0x9FFFFFFF  }
0xc2: {  	(tm) =	ssettm $0x7FFFFFFF  }
0xc3: {  	_ =	shalt  }
tec
execute0_lowered:
.L_overlay_start_1:
0x0: {  	(tag) =	ssettag $0x1  }
0x1: {  	s0 =	rddreg [dreg:$0x0];
	s1 =	srdreg.scid  }
0x2: {  	s6 =	stileid.u32;
	s4 =	rddreg [dreg:$0x1];
	s2 =	simm.s32 $0x0  }
0x3: {  	s8 =	simm.s32 $0x15;
	s10 =	simm.s32 $0x50;
	s16 =	simm.s32 $0x400  }
0x4: {  	s17 =	simm.s32 $0x800;
	s1 =	sand.u32 $0x1, s1;
	s3 =	sshll.u32 s6, $0x1  }
0x5: {  	s23 =	simm.s32 $0x12;
	s24 =	simm.s32 $0xE;
	s3 =	sor.u32 s1, s3  }
0x6: {  	s25 =	simm.s32 $0x13;
	s28 =	simm.s32 $0x14;
	s5 =	smul.u32 $0x2710, s3  }
0x7: {  	s29 =	simm.s32 $0x0;
	[smem:$0x7FF] =	sst s2;
	s6 =	smul.u32 $0x9C400, s6  }
0x8: {  	_ =	strace $0x8000004A;
	s7 =	ssub.s32 $0x2, s1;
	s5 =	sshrl.u32 s5, $0x3  }
0x9: {  	s1 =	smul.u32 $0x4E200, s1;
	s3 =	sadd.s32 $0x15000, s0;
	s0 =	sadd.s32 s5, s0  }
0xa: {  	s26 =	sshrl.u32 s7, $0x1;
	s4 =	sadd.s32 s6, s4;
	s30 =	sadd.s32 $0xB200, s0  }
0xb: {  	s5 =	ssub.s32 s7, s26;
	s0 =	sadd.s32 $0x1400, s0;
	[dreg:$0x3] =	wrdreg s30  }
0xc: {  	s1 =	sadd.s32 s1, s4;
	s31 =	smax.u32 s5, $0x1;
	[dreg:$0x4] =	wrdreg s0  }
0xd: {  	s13 =	sadd.s32 $0x80, s1;
	s26 =	simm.s32 $0xF;
	[dreg:$0x5] =	wrdreg s31  }
.LBB2_1:
0xe: {  	s0 =	rddreg [dreg:$0x3];
	s1 =	simm.s32 $0x2780  }
0xf: {  	s15 =	simm.s32 $0x4F00;
	s18 =	simm.s32 $0x11700;
	p0 =	por $0x0, $0x0  }
0x10: {  	[tilespmem:s2], [sflag:$0x15] =	stream.linear.gather [hbm4b:s0+s2], $0x2710, $0x38;
	[tilespmem:$0x1DF00] =	vst v63  }
0x11: {  	s19 =	simm.s32 $0x7700;
	s20 =	simm.s32 $0x27D0;
	p1 =	por @!p0 $0x1, $0x1  }
0x12: {  	s21 =	simm.s32 $0x13F00;
	_ =	swait.ge [sflag:s8], $0x2710;
	p1 =	por p1, p0  }
0x13: {  	s6 =	smul.u32 $0xCD, s2;
	[sflag:s8] =	ssyncset.done $0x0;
	s0 =	simm.s32 @!p1 $0xFFFFFFFD  }
0x14: {  	s14 =	rddreg [dreg:$0x4];
	[sflag:s8] =	ssyncadd.s32 $0xFFFFD8F0;
	s0 =	sand.u32 @!p1 $0xFF, s0  }
0x15: {  	[tilespmem:s1], [sflag:$0x15] =	stream.linear.gather [hbm4b:s14+s2], $0x2710, $0x38;
	[tilespmem:$0x1DF00] =	vst v63  }
0x16: {  	s11 =	simm.s32 $0x2820;
	s0 =	smul.u32 @!p1 $0xCD, s0;
	_ =	swait.ge [sflag:s8], $0x2710  }
0x17: {  	s4 =	simm.s32 $0xA0;
	s30 =	simm.s32 $0x1;
	[sflag:s8] =	ssyncset.done $0x0  }
0x18: {  	s6 =	sshrl.u32 s6, $0xA;
	s0 =	sshrl.u32 @!p1 s0, $0xA;
	[sflag:s8] =	ssyncadd.s32 $0xFFFFD8F0  }
0x19: {  	[tilespmem:s15], [sflag:$0x1] =	stream.indirect.gather [hbm4b:s3+s10], $0x80, s2, s10, $0xb8;
	[tilespmem:$0x1DF00] =	vst v63  }
0x1a: {  	s12 =	simm.s32 $0x2;
	s6 =	sand.u32 $0x3F, s6;
	s0 =	smul.u32 @!p1 $0x5, s0  }
0x1b: {  	[tilespmem:s18], [sflag:$0x6] =	stream.indirect.gather [hbm4b:s3+s10], $0x80, s1, s10, $0xb8;
	[tilespmem:$0x1DF00] =	vst v63  }
0x1c: {  	p3 =	por $0x0, $0x0;
	s14 =	smul.u32 $0x5, s6;
	s1 =	simm.s32 $0x2  }
0x1d: {  	s31 =	sadd.s32 $0xA00, s13;
	s0 =	ssub.s32 @!p1 $0xFFFFFFFD, s0;
	s1 =	smul.u32 @!p0 $0xCD, s1  }
0x1e: {  	[tilespmem:s19], [sflag:$0x2] =	stream.indirect.gather [hbm4b:s3+s10], $0x80, s10, s10, $0xb8;
	[tilespmem:$0x1DF00] =	vst v63  }
0x1f: {  	s22 =	ssub.s32 $0x0, s14;
	s0 =	sand.u32 @!p1 $0xFF, s0;
	s1 =	sshrl.u32 @!p0 s1, $0xA  }
0x20: {  	[tilespmem:s21], [sflag:$0x7] =	stream.indirect.gather [hbm4b:s3+s10], $0x80, s20, s10, $0xb8;
	[tilespmem:$0x1DF00] =	vst v63  }
0x21: {  	s5 =	sadd.s32 @!p1 $0xB, s0;
	s1 =	sand.u32 @!p0 $0x3F, s1;
	p0 =	por p0, p0  }
0x22: {  	s14 =	simm.s32 $0x3;
	s1 =	smul.u32 @!p0 $0x5, s1;
	_ =	swait.ge @!p1 [sflag:s5], $0x2800  }
0x23: {  	s15 =	sand.u32 $0xFF, s22;
	s0 =	sor.u32 @!p1 $0x10, s0;
	[sflag:s5] =	ssyncset.done @!p1 $0x0  }
0x24: {  	s21 =	sadd.s32 $0x1, s15;
	s1 =	ssub.s32 @!p0 $0x2, s1;
	[sflag:s5] =	ssyncadd.s32 @!p1 $0xFFFFD800  }
0x25: {  	s20 =	simm.s32 @!p0 $0x50;
	s1 =	sand.u32 @!p0 $0xFF, s1;
	_ =	swait.ge @!p1 [sflag:s0], $0x2800  }
0x26: {  	s5 =	smul.u32 @!p0 $0x2800, s1;
	s7 =	sadd.s32 @!p0 $0x1, s1;
	[sflag:s0] =	ssyncset.done @!p1 $0x0  }
0x27: {  	s9 =	sadd.s32 @!p0 $0x6, s1;
	s1 =	smul.u32 @!p3 $0xCD, s14;
	[sflag:s0] =	ssyncadd.s32 @!p1 $0xFFFFD800  }
0x28: {  	p1 =	por @!p3 $0x1, $0x1;
	s6 =	sadd.s32 @!p0 $0x11700, s5;
	s0 =	sadd.s32 @!p0 $0x4F00, s5  }
0x29: {  	p1 =	por p1, p3;
	s5 =	sshrl.u32 @!p3 s1, $0xA;
	s1 =	simm.s32 $0x2870  }
0x2a: {  	[tilespmem:s0], [sflag:s7] =	stream.indirect.gather @!p0 [hbm4b:s3+s20], $0x80, s4, s20, $0xb8;
	[tilespmem:$0x1DF00] =	vst v63  }
0x2b: {  	s4 =	smul.u32 $0x2800, s15;
	s0 =	simm.s32 $0xF0;
	s18 =	simm.s32 @!p1 $0xFFFFFFFE  }
0x2c: {  	s19 =	sand.u32 @!p3 $0x3F, s5;
	s7 =	smov.u32 s13;
	s22 =	sand.u32 @!p1 $0xFF, s18  }
.LBB2_2:
0x2d: {  	[tilespmem:s6], [sflag:s9] =	stream.indirect.gather @!p0 [hbm4b:s3+s20], $0x80, s11, s20, $0xb8;
	[tilespmem:$0x1DF00] =	vst v63  }
0x2e: {  	s5 =	smov.u32 s30  }
0x2f: {  	s30 =	smov.u32 s12;
	s11 =	smov.u32 s1;
	p0 =	por p3, p3  }
0x30: {  	s12 =	sadd.s32 $0x1, s12;
	s6 =	smul.u32 @!p1 $0xCD, s22;
	_ =	swait.ge [sflag:s21], $0x2800  }
0x31: {  	p2 =	sne.s32 s12, $0x7D;
	[sflag:s21] =	ssyncset.done $0x0  }
0x32: {  	s9 =	sadd.s32 $0x6, s15;
	s6 =	sshrl.u32 @!p1 s6, $0xA;
	[sflag:s21] =	ssyncadd.s32 $0xFFFFD800  }
0x33: {  	s6 =	smul.u32 @!p1 $0x5, s6;
	_ =	swait.ge [sflag:s9], $0x2800  }
0x34: {  	s20 =	smul.u32 $0xCD, s5;
	s21 =	sadd.s32 $0xFFFFFF80, s7;
	[sflag:s9] =	ssyncset.done $0x0  }
0x35: {  	s6 =	ssub.s32 @!p1 s18, s6;
	[sflag:s9] =	ssyncadd.s32 $0xFFFFD800;
	s9 =	sadd.s32 $0xB, s15  }
0x36: {  	s18 =	smul.u32 @!p0 $0x5, s19;
	s19 =	sadd.s32 $0x4F00, s4;
	s6 =	sand.u32 @!p1 $0xFF, s6  }
0x37: {  	[hbm4b:s21+s16] =	stream.strided.scatter [tilespmem:s19], [sflag:s9], $0x2800, s17, s16, $0x38;
	[tilespmem:$0x1DF00] =	vst v63  }
0x38: {  	s4 =	sadd.s32 $0x11700, s4;
	s9 =	ssub.s32 @!p0 s14, s18;
	s14 =	sor.u32 $0x10, s15  }
0x39: {  	[hbm4b:s7+s16] =	stream.strided.scatter [tilespmem:s4], [sflag:s14], $0x2800, s17, s16, $0x38;
	[tilespmem:$0x1DF00] =	vst v63  }
0x3a: {  	s9 =	sand.u32 @!p0 $0xFF, s9;
	s4 =	sadd.s32 @!p1 $0xB, s6;
	s7 =	smov.u32 s31  }
0x3b: {  	s15 =	sshrl.u32 s20, $0xA;
	s14 =	smul.u32 @!p0 $0x2800, s9;
	_ =	swait.ge @!p1 [sflag:s4], $0x2800  }
0x3c: {  	s18 =	sadd.s32 @!p0 $0x1, s9;
	s9 =	sadd.s32 @!p0 $0x6, s9;
	[sflag:s4] =	ssyncset.done @!p1 $0x0  }
0x3d: {  	[sflag:s4] =	ssyncadd.s32 @!p1 $0xFFFFD800;
	s4 =	sor.u32 @!p1 $0x10, s6;
	s6 =	sadd.s32 @!p0 $0x11700, s14  }
0x3e: {  	s15 =	sand.u32 $0x3F, s15;
	_ =	swait.ge @!p1 [sflag:s4], $0x2800  }
0x3f: {  	s15 =	smul.u32 $0x5, s15;
	[sflag:s4] =	ssyncset.done @!p1 $0x0  }
0x40: {  	p3 =	sgt.u32 s30, $0x7A;
	[sflag:s4] =	ssyncadd.s32 @!p1 $0xFFFFD800  }
0x41: {  	s20 =	simm.s32 @!p0 $0x50;
	s5 =	ssub.s32 s5, s15;
	s4 =	sadd.s32 @!p0 $0x4F00, s14  }
0x42: {  	[tilespmem:s4], [sflag:s18] =	stream.indirect.gather @!p0 [hbm4b:s3+s20], $0x80, s0, s20, $0xb8;
	[tilespmem:$0x1DF00] =	vst v63  }
.Ltmp0:
0x43: {  	s15 =	sand.u32 $0xFF, s5;
	s14 =	sadd.s32 $0x2, s30;
	(pc) =	sbr.rel @p2 .LBB2_2-.Ltmp0, $4  }
0x44: {  	s21 =	sadd.s32 $0x1, s15;
	p1 =	slt.u32 @!p3 s30, $0x3;
	s5 =	smul.u32 @!p3 $0xCD, s14  }
0x45: {  	p1 =	por p1, p3;
	s4 =	smul.u32 $0x2800, s15;
	s0 =	sadd.s32 $0x50, s0  }
0x46: {  	s1 =	sadd.s32 $0x50, s1;
	s18 =	sadd.s32 @!p1 $0xFFFFFFFD, s30;
	s5 =	sshrl.u32 @!p3 s5, $0xA  }
0x47: {  	s31 =	sadd.s32 $0xA00, s31;
	s22 =	sand.u32 @!p1 $0xFF, s18;
	s19 =	sand.u32 @!p3 $0x3F, s5  }
0x48: {  	[tilespmem:s6], [sflag:s9] =	stream.indirect.gather @!p0 [hbm4b:s3+s20], $0x80, s11, s20, $0xb8;
	[tilespmem:$0x1DF00] =	vst v63  }
0x49: {  	s5 =	smul.u32 @!p1 $0xCD, s22  }
0x4a: {  	s22 =	sadd.s32 $0xFFFFFF80, s7;
	_ =	swait.ge [sflag:s21], $0x2800  }
0x4b: {  	s11 =	sadd.s32 $0xB, s15;
	[sflag:s21] =	ssyncset.done $0x0;
	s5 =	sshrl.u32 @!p1 s5, $0xA  }
0x4c: {  	[sflag:s21] =	ssyncadd.s32 $0xFFFFD800;
	s21 =	sadd.s32 $0x6, s15;
	s5 =	smul.u32 @!p1 $0x5, s5  }
0x4d: {  	s12 =	sadd.s32 $0x4F00, s4;
	p0 =	por p3, p3;
	_ =	swait.ge [sflag:s21], $0x2800  }
0x4e: {  	s20 =	sadd.s32 $0x11700, s4;
	[sflag:s21] =	ssyncset.done $0x0;
	s5 =	ssub.s32 @!p1 s18, s5  }
0x4f: {  	s6 =	smul.u32 @!p0 $0x5, s19;
	[sflag:s21] =	ssyncadd.s32 $0xFFFFD800;
	s5 =	sand.u32 @!p1 $0xFF, s5  }
0x50: {  	[hbm4b:s22+s16] =	stream.strided.scatter [tilespmem:s12], [sflag:s11], $0x2800, s17, s16, $0x38;
	[tilespmem:$0x1DF00] =	vst v63  }
0x51: {  	s21 =	sor.u32 $0x10, s15;
	s4 =	sadd.s32 @!p1 $0xB, s5;
	s22 =	smul.u32 $0xCD, s30  }
0x52: {  	[hbm4b:s7+s16] =	stream.strided.scatter [tilespmem:s20], [sflag:s21], $0x2800, s17, s16, $0x38;
	[tilespmem:$0x1DF00] =	vst v63  }
0x53: {  	s6 =	ssub.s32 @!p0 s14, s6;
	s7 =	sshrl.u32 s22, $0xA;
	_ =	swait.ge @!p1 [sflag:s4], $0x2800  }
0x54: {  	s6 =	sand.u32 @!p0 $0xFF, s6;
	s7 =	sand.u32 $0x3F, s7;
	[sflag:s4] =	ssyncset.done @!p1 $0x0  }
0x55: {  	s7 =	smul.u32 $0x5, s7;
	[sflag:s4] =	ssyncadd.s32 @!p1 $0xFFFFD800;
	s4 =	sor.u32 @!p1 $0x10, s5  }
0x56: {  	s5 =	smul.u32 @!p0 $0x2800, s6;
	_ =	swait.ge @!p1 [sflag:s4], $0x2800  }
0x57: {  	s9 =	sadd.s32 @!p0 $0x1, s6;
	s11 =	simm.s32 @!p0 $0x50;
	[sflag:s4] =	ssyncset.done @!p1 $0x0  }
0x58: {  	s30 =	ssub.s32 s30, s7;
	[sflag:s4] =	ssyncadd.s32 @!p1 $0xFFFFD800;
	s4 =	sadd.s32 @!p0 $0x4F00, s5  }
0x59: {  	[tilespmem:s4], [sflag:s9] =	stream.indirect.gather @!p0 [hbm4b:s3+s11], $0x80, s0, s11, $0xb8;
	[tilespmem:$0x1DF00] =	vst v63  }
0x5a: {  	s0 =	sand.u32 $0xFF, s30  }
0x5b: {  	s5 =	sadd.s32 @!p0 $0x11700, s5;
	s4 =	sadd.s32 @!p0 $0x6, s6;
	s7 =	sadd.s32 $0x1, s0  }
0x5c: {  	[tilespmem:s5], [sflag:s4] =	stream.indirect.gather @!p0 [hbm4b:s3+s11], $0x80, s1, s11, $0xb8;
	[tilespmem:$0x1DF00] =	vst v63  }
0x5d: {  	_ =	swait.ge [sflag:s7], $0x2800  }
0x5e: {  	[sflag:s7] =	ssyncset.done $0x0  }
0x5f: {  	s9 =	sadd.s32 $0x6, s0;
	[sflag:s7] =	ssyncadd.s32 $0xFFFFD800  }
0x60: {  	s11 =	smul.u32 $0x2800, s0;
	_ =	swait.ge [sflag:s9], $0x2800  }
0x61: {  	s12 =	sadd.s32 $0xFFFFFF80, s31;
	[sflag:s9] =	ssyncset.done $0x0  }
0x62: {  	s14 =	sadd.s32 $0xB, s0;
	s15 =	sadd.s32 $0x4F00, s11;
	[sflag:s9] =	ssyncadd.s32 $0xFFFFD800  }
0x63: {  	[hbm4b:s12+s16] =	stream.strided.scatter [tilespmem:s15], [sflag:s14], $0x2800, s17, s16, $0x38;
	[tilespmem:$0x1DF00] =	vst v63  }
0x64: {  	s19 =	simm.s32 $0xB;
	s0 =	sor.u32 $0x10, s0;
	s18 =	sadd.s32 $0x11700, s11  }
0x65: {  	[hbm4b:s31+s16] =	stream.strided.scatter [tilespmem:s18], [sflag:s0], $0x2800, s17, s16, $0x38;
	[tilespmem:$0x1DF00] =	vst v63  }
0x66: {  	_ =	swait.ge [sflag:s19], $0x2800  }
0x67: {  	[sflag:s19] =	ssyncset.done $0x0  }
0x68: {  	s20 =	simm.s32 $0x10;
	[sflag:s19] =	ssyncadd.s32 $0xFFFFD800  }
0x69: {  	_ =	swait.ge [sflag:s20], $0x2800  }
0x6a: {  	[sflag:s20] =	ssyncset.done $0x0  }
0x6b: {  	s21 =	simm.s32 $0xC;
	[sflag:s20] =	ssyncadd.s32 $0xFFFFD800  }
0x6c: {  	_ =	swait.ge [sflag:s21], $0x2800  }
0x6d: {  	[sflag:s21] =	ssyncset.done $0x0  }
0x6e: {  	s22 =	simm.s32 $0x11;
	[sflag:s21] =	ssyncadd.s32 $0xFFFFD800  }
0x6f: {  	_ =	swait.ge [sflag:s22], $0x2800  }
0x70: {  	[sflag:s22] =	ssyncset.done $0x0  }
0x71: {  	s30 =	simm.s32 $0xD;
	[sflag:s22] =	ssyncadd.s32 $0xFFFFD800  }
0x72: {  	_ =	swait.ge [sflag:s30], $0x2800  }
0x73: {  	[sflag:s30] =	ssyncset.done $0x0  }
0x74: {  	[sflag:s30] =	ssyncadd.s32 $0xFFFFD800  }
0x75: {  	_ =	swait.ge [sflag:s23], $0x2800  }
0x76: {  	[sflag:s23] =	ssyncset.done $0x0  }
0x77: {  	[sflag:s23] =	ssyncadd.s32 $0xFFFFD800  }
0x78: {  	_ =	swait.ge [sflag:s24], $0x2800  }
0x79: {  	[sflag:s24] =	ssyncset.done $0x0  }
0x7a: {  	[sflag:s24] =	ssyncadd.s32 $0xFFFFD800  }
0x7b: {  	_ =	swait.ge [sflag:s25], $0x2800  }
0x7c: {  	[sflag:s25] =	ssyncset.done $0x0  }
0x7d: {  	[sflag:s25] =	ssyncadd.s32 $0xFFFFD800  }
0x7e: {  	_ =	swait.ge [sflag:s26], $0x2800  }
0x7f: {  	[sflag:s26] =	ssyncset.done $0x0  }
0x80: {  	[sflag:s26] =	ssyncadd.s32 $0xFFFFD800  }
0x81: {  	_ =	swait.ge [sflag:s28], $0x2800  }
0x82: {  	s29 =	sadd.s32 $0x1, s29;
	s31 =	rddreg [dreg:$0x5]  }
0x83: {  	p0 =	sne.s32 s29, s31  }
.Ltmp1:
0x84: {  	_ = 	snop;
	(pc) =	sbr.rel @p0 .LBB2_1-.Ltmp1, $3  }
0x85: {  	_ =	sdelay $0x1  }
0x86: {  	[sflag:s28] =	ssyncset.done $0x0  }
0x87: {  	[sflag:s28] =	ssyncadd.s32 $0xFFFFD800  }
0x88: {  	_ =	sfence.sel $0x180000  }
0x89: {  	[bflag:$0x0] =	sbarrier.arrive $0xFFFF  }
0x8a: {  	_ =	strace $0x9000004A  }
0x8b: {  	s0 =	stileid.u32;
	[bflag:$0x2] =	sbarrier.arrive $0xFFFF  }
0x8c: {  	p0 =	sne.s32 s0, $0x0;
	s0 =	rddreg [dreg:$0x2]  }
0x8d: {  	s0 =	sadd.s32 @!p0 $0x100000, s0  }
0x8e: {  	[sflag:s0] =	ssyncadd.tile.s32 @!p0 $0x1;
	_ =	shalt  }
.Lfunc_end2:
_tile_overlayer_lowered:
.L_overlay_start_2:
0x8f: {  	(tag) =	ssettag $0x2  }
0x90: {  	s0 =	rddreg [dreg:$0x0];
	s2 =	stileid.u32  }
0x91: {  	s1 =	rddreg [dreg:$0x1];
	p0 =	sne.s32 s2, $0x0  }
0x92: {  	s3 =	rddreg [dreg:$0x2];
	[bflag:$0x3] =	sbarrier.arrive $0xFFFF;
	s2 =	simm.s32 @!p0 $0x1C15  }
0x93: {  	[timem:s3], [sflag:s2] =	dma.local @!p0 [hbm:s0], s1  }
0x94: {  	s0 =	simm.s32 @!p0 $0x15  }
0x95: {  	_ =	swait.ge @!p0 [sflag:s0], s1  }
0x96: {  	s1 =	ssub.s32 @!p0 $0x0, s1;
	[sflag:s0] =	ssyncset.done @!p0 $0x0  }
0x97: {  	[sflag:s0] =	ssyncadd.s32 @!p0 s1  }
0x98: {  	[bflag:$0x3] =	sbarrier.arrive $0xFFFF  }
0x99: {  	_ =	shalt  }

</sc_bundles>
